<compile_context>
chip_gen: v7x
topology: tpu7x:2x2x1
jax: 0.10.2.dev20260603
libtpu: 0.0.44.dev20260713+nightly
codegen_flags: <defaults>
</compile_context>

<pallas_src>
import jax
import jax.numpy as jnp
from jax import lax
from jax.experimental import pallas as pl
from jax.experimental.pallas import tpu as pltpu
from jax.experimental.pallas import tpu_sc as plsc

_NC = 2
_NS = 16
_CHUNK = 128
_NB = 2
_NI = 4


def _make_sc_aggregate(N, D, E, with_count):
    NW = _NC * _NS
    assert E % _CHUNK == 0
    NCH = E // _CHUNK
    G = NCH // NW
    xrem = NCH - G * NW
    assert G >= 2 * _NI and _NI == 2 * _NB
    rpt = (N // _NS) // 8 * 8
    rrem = N - _NS * rpt
    assert rrem % 8 == 0 and N % 16 == 0

    out_type = [jax.ShapeDtypeStruct((N, D), jnp.float32),
                jax.ShapeDtypeStruct((N, D), jnp.float32)]
    if with_count:
        out_type += [jax.ShapeDtypeStruct((N,), jnp.float32),
                     jax.ShapeDtypeStruct((N,), jnp.float32)]

    scratch = (
        [pltpu.VMEM((2, _CHUNK), jnp.int32) for _ in range(_NI)]
        + [pltpu.VMEM((_CHUNK, D), jnp.float32) for _ in range(_NB)]
        + [pltpu.VMEM_SHARED((N, D), jnp.float32)]
        + [pltpu.SemaphoreType.DMA for _ in range(_NI)]
        + [pltpu.SemaphoreType.DMA for _ in range(_NB)]
        + [pltpu.SemaphoreType.DMA for _ in range(_NI)]
    )
    if with_count:
        scratch += [
            pltpu.VMEM((_CHUNK,), jnp.float32),
            pltpu.VMEM_SHARED((N,), jnp.float32),
            pltpu.VMEM((rpt,), jnp.float32),
        ]

    def body(*refs):
        it = iter(refs)
        edge_ref, feat_ref = next(it), next(it)
        psum0_ref, psum1_ref = next(it), next(it)
        if with_count:
            cnt0_ref, cnt1_ref = next(it), next(it)
        idx_v = [next(it) for _ in range(_NI)]
        rows_v = [next(it) for _ in range(_NB)]
        acc_sh = next(it)
        isem = [next(it) for _ in range(_NI)]
        gsem = [next(it) for _ in range(_NB)]
        ssem = [next(it) for _ in range(_NI)]
        if with_count:
            ones_v, cnt_sh, cbounce_v = next(it), next(it), next(it)

        c = lax.axis_index("c")
        s = lax.axis_index("s")
        wid = c * _NS + s
        r0 = s * rpt

        def zfill(i, carry):
            r = i // (D // 16)
            o = (i % (D // 16)) * 16
            rows_v[0][r, pl.ds(o, 16)] = jnp.zeros((16,), jnp.float32)
            return carry
        lax.fori_loop(0, _CHUNK * (D // 16), zfill, 0)
        nrep = rpt // _CHUNK
        for k in range(nrep):
            pltpu.sync_copy(rows_v[0],
                            acc_sh.at[pl.ds(r0 + k * _CHUNK, _CHUNK)])
        zr = rpt - nrep * _CHUNK
        if zr:
            pltpu.sync_copy(rows_v[0].at[pl.ds(0, zr)],
                            acc_sh.at[pl.ds(r0 + nrep * _CHUNK, zr)])
        if with_count:
            def zero16(i, carry):
                cbounce_v[pl.ds(i * 16, 16)] = jnp.zeros((16,), jnp.float32)
                return carry
            lax.fori_loop(0, rpt // 16, zero16, 0)
            pltpu.sync_copy(cbounce_v, cnt_sh.at[pl.ds(r0, rpt)])
            for i in range(_CHUNK // 16):
                ones_v[pl.ds(i * 16, 16)] = jnp.ones((16,), jnp.float32)
        if rrem:
            @pl.when(s == _NS - 1)
            def _():
                rr = _NS * rpt
                pltpu.sync_copy(rows_v[0].at[pl.ds(0, rrem)],
                                acc_sh.at[pl.ds(rr, rrem)])
                if with_count:
                    pltpu.sync_copy(cbounce_v.at[pl.ds(0, rrem)],
                                    cnt_sh.at[pl.ds(rr, rrem)])
        plsc.subcore_barrier()

        def echunk(g):
            return jnp.minimum(wid + g * NW, NCH - 1) * _CHUNK

        def idx_load(g, b):
            eb = echunk(g)
            pltpu.async_copy(edge_ref.at[:, pl.ds(eb, _CHUNK)],
                             idx_v[b], isem[b])

        def idx_wait(g, b):
            eb = echunk(g)
            pltpu.make_async_copy(edge_ref.at[:, pl.ds(eb, _CHUNK)],
                                  idx_v[b], isem[b]).wait()

        def gather_start(b2, b4):
            pltpu.async_copy(feat_ref.at[idx_v[b4].at[0]], rows_v[b2],
                             gsem[b2])

        def gather_wait(b2, b4):
            pltpu.make_async_copy(feat_ref.at[idx_v[b4].at[0]], rows_v[b2],
                                  gsem[b2]).wait()

        def scatter_start(b2, b4):
            pltpu.async_copy(rows_v[b2], acc_sh.at[idx_v[b4].at[1]],
                             ssem[b4], add=True)
            if with_count:
                pltpu.async_copy(ones_v, cnt_sh.at[idx_v[b4].at[1]],
                                 ssem[b4], add=True)

        def scatter_wait(b2, b4):
            pltpu.make_async_copy(rows_v[b2], acc_sh.at[idx_v[b4].at[1]],
                                  ssem[b4]).wait()
            if with_count:
                pltpu.make_async_copy(ones_v, cnt_sh.at[idx_v[b4].at[1]],
                                      ssem[b4]).wait()

        def steady(g, gb):
            b2, b4 = gb % _NB, gb % _NI
            p2, p4 = (gb - 1) % _NB, (gb - 1) % _NI
            idx_wait(g, b4)
            scatter_wait(b2, (gb - 2) % _NI)
            gather_start(b2, b4)
            gather_wait(p2, p4)
            scatter_start(p2, p4)
            idx_load(g + 2, (gb + 2) % _NI)

        idx_load(0, 0)
        idx_load(1, 1)
        idx_wait(0, 0)
        gather_start(0, 0)
        idx_load(2, 2)
        idx_wait(1, 1)
        gather_start(1, 1)
        gather_wait(0, 0)
        scatter_start(0, 0)
        idx_load(3, 3)

        n_steady = G - 2
        nq = n_steady // _NI

        def quad(q, carry):
            for r in range(_NI):
                steady(q * _NI + 2 + r, 2 + r)
            return carry

        lax.fori_loop(0, nq, quad, 0)
        for g in range(nq * _NI + 2, G):
            steady(g, g)

        gather_wait((G - 1) % _NB, (G - 1) % _NI)
        scatter_start((G - 1) % _NB, (G - 1) % _NI)
        idx_wait(G, G % _NI)
        idx_wait(G + 1, (G + 1) % _NI)
        scatter_wait(G % _NB, (G - 2) % _NI)
        if xrem:
            @pl.when(wid < xrem)
            def _():
                gather_start(G % _NB, G % _NI)
                gather_wait(G % _NB, G % _NI)
                scatter_start(G % _NB, G % _NI)
                scatter_wait(G % _NB, G % _NI)
        scatter_wait((G - 1) % _NB, (G - 1) % _NI)

        plsc.subcore_barrier()

        def flush(psum_ref, cnt_ref):
            pltpu.sync_copy(acc_sh.at[pl.ds(r0, rpt)],
                            psum_ref.at[pl.ds(r0, rpt)])
            if with_count:
                pltpu.sync_copy(cnt_sh.at[pl.ds(r0, rpt)], cbounce_v)
                pltpu.sync_copy(cbounce_v, cnt_ref.at[pl.ds(r0, rpt)])
            if rrem:
                @pl.when(s == _NS - 1)
                def _():
                    rr = _NS * rpt
                    pltpu.sync_copy(acc_sh.at[pl.ds(rr, rrem)],
                                    psum_ref.at[pl.ds(rr, rrem)])
                    if with_count:
                        pltpu.sync_copy(cnt_sh.at[pl.ds(rr, rrem)],
                                        cbounce_v.at[pl.ds(0, rrem)])
                        pltpu.sync_copy(cbounce_v.at[pl.ds(0, rrem)],
                                        cnt_ref.at[pl.ds(rr, rrem)])

        @pl.when(c == 0)
        def _():
            flush(psum0_ref, cnt0_ref if with_count else None)

        @pl.when(c == 1)
        def _():
            flush(psum1_ref, cnt1_ref if with_count else None)

    return pl.kernel(
        body,
        out_type=out_type,
        mesh=plsc.VectorSubcoreMesh(core_axis_name="c", subcore_axis_name="s"),
        scratch_types=scratch,
    )


def _tc_layer(N, D, H, relu, RB=5000):
    grid = (N // RB,)
    row_spec = pl.BlockSpec((RB, D), lambda i: (i, 0))
    w_spec = pl.BlockSpec((D, H), lambda i: (0, 0))
    b_spec = pl.BlockSpec((1, H), lambda i: (0, 0))

    def body(p0_ref, p1_ref, cc_ref, x_ref, wn_ref, ws_ref,
             b_ref, out_ref):
        cnt = cc_ref[:, 0:1] + cc_ref[:, 1:2]
        inv = 1.0 / jnp.maximum(cnt, 1.0)
        agg = (p0_ref[...] + p1_ref[...]) * inv
        acc = (jnp.dot(agg, wn_ref[...],
                       preferred_element_type=jnp.float32)
               + jnp.dot(x_ref[...], ws_ref[...],
                         preferred_element_type=jnp.float32)
               + b_ref[...])
        out_ref[...] = jnp.maximum(acc, 0.0) if relu else acc

    return pl.pallas_call(
        body,
        grid=grid,
        in_specs=[row_spec, row_spec,
                  pl.BlockSpec((RB, 2), lambda i: (i, 0)), row_spec,
                  w_spec, w_spec, b_spec],
        out_specs=pl.BlockSpec((RB, H), lambda i: (i, 0)),
        out_shape=jax.ShapeDtypeStruct((N, H), jnp.float32),
    )


def kernel(x, edge_index, W_neigh1, W_self1, b1, W_neigh2, W_self2, b2):
    N, D = x.shape
    H = W_neigh1.shape[1]
    E = edge_index.shape[1]

    p0, p1, c0, c1 = _make_sc_aggregate(N, D, E, with_count=True)(
        edge_index, x)
    cc = jnp.stack([c0, c1], axis=-1)
    h = _tc_layer(N, D, H, relu=True)(
        p0, p1, cc, x, W_neigh1, W_self1, b1.reshape(1, H))

    q0, q1 = _make_sc_aggregate(N, H, E, with_count=False)(edge_index, h)
    out = _tc_layer(N, H, H, relu=False)(
        q0, q1, cc, h, W_neigh2, W_self2, b2.reshape(1, H))
    return out

# --- scband reference (transcript-rebuilt; emitter-appended) ---
"""Pipeline reference for scband-gnnbackbone-7327214207620 (READ-ONLY COPY).

The authoritative reference and input builder live on the scoring server;
editing this copy changes nothing except your own understanding.
"""

import jax, jax.numpy as jnp
import numpy as np

N = 10000
E = 320000
D = 128
H = 128


def _sage_conv(x, edge_index, W_neigh, W_self, b):
    # PyG SAGEConv (mean aggr, root_weight=True):
    #   out = lin_l(mean_{j in N(i)} x_j) + lin_r(x_i)
    src = edge_index[0]
    dst = edge_index[1]
    msg = jnp.take(x, src, axis=0)
    agg = jax.ops.segment_sum(msg, dst, num_segments=x.shape[0])
    cnt = jax.ops.segment_sum(jnp.ones((src.shape[0], 1), dtype=x.dtype), dst, num_segments=x.shape[0])
    agg = agg / jnp.maximum(cnt, 1.0)
    return agg @ W_neigh + x @ W_self + b


def setup_inputs(seed: int = 0) -> dict:
    key = jax.random.key(seed)
    ks = jax.random.split(key, 9)
    x = jax.random.normal(ks[0], (N, D), dtype=jnp.float32)
    edge_index = jax.random.randint(ks[1], (2, E), 0, N, dtype=jnp.int32)
    s1 = 1.0 / np.sqrt(D)
    s2 = 1.0 / np.sqrt(H)
    W_neigh1 = jax.random.normal(ks[2], (D, H), dtype=jnp.float32) * s1
    W_self1 = jax.random.normal(ks[3], (D, H), dtype=jnp.float32) * s1
    b1 = jnp.zeros((H,), dtype=jnp.float32)
    W_neigh2 = jax.random.normal(ks[4], (H, H), dtype=jnp.float32) * s2
    W_self2 = jax.random.normal(ks[5], (H, H), dtype=jnp.float32) * s2
    b2 = jnp.zeros((H,), dtype=jnp.float32)
    return {
        "x": x,
        "edge_index": edge_index,
        "W_neigh1": W_neigh1,
        "W_self1": W_self1,
        "b1": b1,
        "W_neigh2": W_neigh2,
        "W_self2": W_self2,
        "b2": b2,
    }


def reference(x, edge_index, W_neigh1, W_self1, b1, W_neigh2, W_self2, b2):
    # Layer 1 + ReLU (dropout is identity in eval mode)
    h = _sage_conv(x, edge_index, W_neigh1, W_self1, b1)
    h = jax.nn.relu(h)
    # Layer 2 (last layer: no activation)
    out = _sage_conv(h, edge_index, W_neigh2, W_self2, b2)
    return out

if __name__ == "__main__":
    import jax
    _d = setup_inputs()
    print(jax.jit(kernel)(*tuple(_d.values())))

</pallas_src>

<mosaic_0001>
#map = affine_map<(d0, d1) -> (0, 0)>
#map1 = affine_map<(d0, d1) -> (0)>
module attributes {stable_mosaic.version = 14 : i64} {
  func.func @body(%arg0: i32, %arg1: i32, %arg2: memref<2x320000xi32, #tpu.memory_space<hbm>>, %arg3: memref<10000x128xf32, #tpu.memory_space<hbm>>, %arg4: memref<10000x128xf32, #tpu.memory_space<hbm>>, %arg5: memref<10000x128xf32, #tpu.memory_space<hbm>>, %arg6: memref<10000xf32, #tpu.memory_space<hbm>>, %arg7: memref<10000xf32, #tpu.memory_space<hbm>>, %arg8: memref<2x128xi32, #tpu.memory_space<vmem>>, %arg9: memref<2x128xi32, #tpu.memory_space<vmem>>, %arg10: memref<2x128xi32, #tpu.memory_space<vmem>>, %arg11: memref<2x128xi32, #tpu.memory_space<vmem>>, %arg12: memref<128x128xf32, #tpu.memory_space<vmem>>, %arg13: memref<128x128xf32, #tpu.memory_space<vmem>>, %arg14: memref<10000x128xf32, #tpu.memory_space<vmem_shared>>, %arg15: memref<!tpu.dma_semaphore, #tpu.memory_space<semaphore_mem>>, %arg16: memref<!tpu.dma_semaphore, #tpu.memory_space<semaphore_mem>>, %arg17: memref<!tpu.dma_semaphore, #tpu.memory_space<semaphore_mem>>, %arg18: memref<!tpu.dma_semaphore, #tpu.memory_space<semaphore_mem>>, %arg19: memref<!tpu.dma_semaphore, #tpu.memory_space<semaphore_mem>>, %arg20: memref<!tpu.dma_semaphore, #tpu.memory_space<semaphore_mem>>, %arg21: memref<!tpu.dma_semaphore, #tpu.memory_space<semaphore_mem>>, %arg22: memref<!tpu.dma_semaphore, #tpu.memory_space<semaphore_mem>>, %arg23: memref<!tpu.dma_semaphore, #tpu.memory_space<semaphore_mem>>, %arg24: memref<!tpu.dma_semaphore, #tpu.memory_space<semaphore_mem>>, %arg25: memref<128xf32, #tpu.memory_space<vmem>>, %arg26: memref<10000xf32, #tpu.memory_space<vmem_shared>>, %arg27: memref<624xf32, #tpu.memory_space<vmem>>) attributes {dimension_semantics = [#tpu.dimension_semantics<core_parallel>, #tpu.dimension_semantics<subcore_parallel>], iteration_bounds = array<i64: 2, 16>, scalar_prefetch = 0 : i64, scratch_operands = 20 : i64, tpu.core_type = #tpu.core_type<sc_vector_subcore>, window_params = [{transform_indices = #map}, {transform_indices = #map}, {transform_indices = #map}, {transform_indices = #map}, {transform_indices = #map1}, {transform_indices = #map1}]} {
    %mul3A = arith.constant 16 : i32
    %mul3A_0 = arith.muli %arg0, %mul3A : i32
    %add3A = arith.addi %mul3A_0, %arg1 : i32
    %mul3A_1 = arith.constant 624 : i32
    %mul3A_2 = arith.muli %arg1, %mul3A_1 : i32
    %scan3A = arith.constant 0 : i32
    %scan3A_3 = arith.constant 0 : i32
    %scan3A_4 = arith.constant 1024 : i32
    %scan3A_5 = arith.addi %scan3A_3, %scan3A_4 : i32
    %scan3A_6 = arith.constant 1 : i32
    scf.for %scan3A_250 = %scan3A_3 to %scan3A_5 step %scan3A_6  : i32 {
      %jit3A = arith.constant 8 : i32
      %div3A = arith.divsi %scan3A_250, %jit3A : i32
      %sign3A = arith.constant 0 : i32
      %sign3A_251 = arith.cmpi sgt, %scan3A_250, %sign3A : i32
      %sign3A_252 = arith.extui %sign3A_251 : i1 to i32
      %sign3A_253 = arith.constant 0 : i32
      %sign3A_254 = arith.cmpi slt, %scan3A_250, %sign3A_253 : i32
      %sign3A_255 = arith.extui %sign3A_254 : i1 to i32
      %sign3A_256 = arith.subi %sign3A_252, %sign3A_255 : i32
      %sign3A_257 = arith.constant 0 : i32
      %sign3A_258 = arith.cmpi sgt, %jit3A, %sign3A_257 : i32
      %sign3A_259 = arith.extui %sign3A_258 : i1 to i32
      %sign3A_260 = arith.constant 0 : i32
      %sign3A_261 = arith.cmpi slt, %jit3A, %sign3A_260 : i32
      %sign3A_262 = arith.extui %sign3A_261 : i1 to i32
      %sign3A_263 = arith.subi %sign3A_259, %sign3A_262 : i32
      %ne3A = arith.cmpi ne, %sign3A_256, %sign3A_263 : i32
      %rem3A = arith.remsi %scan3A_250, %jit3A : i32
      %ne3A_264 = arith.constant 0 : i32
      %ne3A_265 = arith.cmpi ne, %rem3A, %ne3A_264 : i32
      %and3A = arith.andi %ne3A, %ne3A_265 : i1
      %sub3A = arith.constant 1 : i32
      %sub3A_266 = arith.subi %div3A, %sub3A : i32
      %select_n3A = arith.select %and3A, %sub3A_266, %div3A : i32
      %jit3A_267 = arith.constant 8 : i32
      %eq3A_268 = arith.constant 0 : i32
      %eq3A_269 = arith.cmpi eq, %jit3A_267, %eq3A_268 : i32
      %jit3A_270 = arith.constant 1 : i32
      %select_n3A_271 = arith.select %eq3A_269, %jit3A_270, %jit3A_267 : i32
      %rem3A_272 = arith.remsi %scan3A_250, %select_n3A_271 : i32
      %ne3A_273 = arith.constant 0 : i32
      %ne3A_274 = arith.cmpi ne, %rem3A_272, %ne3A_273 : i32
      %lt3A_275 = arith.constant 0 : i32
      %lt3A_276 = arith.cmpi slt, %rem3A_272, %lt3A_275 : i32
      %lt3A_277 = arith.constant 0 : i32
      %lt3A_278 = arith.cmpi slt, %select_n3A_271, %lt3A_277 : i32
      %ne3A_279 = arith.xori %lt3A_276, %lt3A_278 : i1
      %and3A_280 = arith.andi %ne3A_279, %ne3A_274 : i1
      %add3A_281 = arith.addi %rem3A_272, %select_n3A_271 : i32
      %select_n3A_282 = arith.select %and3A_280, %add3A_281, %rem3A_272 : i32
      %mul3A_283 = arith.constant 16 : i32
      %mul3A_284 = arith.muli %select_n3A_282, %mul3A_283 : i32
      %broadcast_in_dim3A_285 = arith.constant 0.000000e+00 : f32
      %broadcast_in_dim3A_286 = vector.broadcast %broadcast_in_dim3A_285 : f32 to vector<16xf32>
      %swap3A_287 = arith.index_cast %select_n3A : i32 to index
      %swap3A_288 = arith.index_cast %mul3A_284 : i32 to index
      %swap3A_289 = tpu.vector_load %arg12[%swap3A_287, %swap3A_288] {strides = array<i32>} : memref<128x128xf32, #tpu.memory_space<vmem>>, vector<1x16xf32>,
      %swap3A_290 = vector.shape_cast %swap3A_289 : vector<1x16xf32> to vector<16xf32>
      %swap3A_291 = vector.shape_cast %broadcast_in_dim3A_286 : vector<16xf32> to vector<1x16xf32>
      tpu.vector_store %arg12[%swap3A_287, %swap3A_288], %swap3A_291 {strides = array<i32>} : memref<128x128xf32, #tpu.memory_space<vmem>>, vector<1x16xf32>,
    }
    %scan3A_7 = arith.constant 1024 : i32
    %add3A_8 = arith.constant 0 : i32
    %add3A_9 = arith.addi %mul3A_2, %add3A_8 : i32
    "tpu.region"() ({
      %run_scoped3A = tpu.sem_alloc : memref<!tpu.dma_semaphore, #tpu.memory_space<semaphore_mem>>
      %dma_start3A_250 = arith.constant 0 : i32
      %dma_start3A_251 = tpu.memref_slice %arg14[%add3A_9, %dma_start3A_250] : memref<10000x128xf32, #tpu.memory_space<vmem_shared>> -> memref<128x128xf32, #tpu.memory_space<vmem_shared>>
      %dma_start3A_252 = arith.constant 0 : i32
      %dma_start3A_253 = tpu.memref_slice %arg14[%add3A_9, %dma_start3A_252] : memref<10000x128xf32, #tpu.memory_space<vmem_shared>> -> memref<128x128xf32, #tpu.memory_space<vmem_shared>>
      tpu.enqueue_dma source(%arg12 : memref<128x128xf32, #tpu.memory_space<vmem>>) target(%dma_start3A_253 : memref<128x128xf32, #tpu.memory_space<vmem_shared>>) target_semaphore(%run_scoped3A : memref<!tpu.dma_semaphore, #tpu.memory_space<semaphore_mem>>)
      %dma_wait3A_254 = arith.constant 0 : i32
      %dma_wait3A_255 = tpu.memref_slice %arg14[%add3A_9, %dma_wait3A_254] : memref<10000x128xf32, #tpu.memory_space<vmem_shared>> -> memref<128x128xf32, #tpu.memory_space<vmem_shared>>
      %dma_wait3A_256 = arith.constant 0 : i32
      %dma_wait3A_257 = tpu.memref_slice %arg14[%add3A_9, %dma_wait3A_256] : memref<10000x128xf32, #tpu.memory_space<vmem_shared>> -> memref<128x128xf32, #tpu.memory_space<vmem_shared>>
      tpu.wait_dma2 semaphore(%run_scoped3A : memref<!tpu.dma_semaphore, #tpu.memory_space<semaphore_mem>>) src(%arg12 : memref<128x128xf32, #tpu.memory_space<vmem>>) dst(%dma_wait3A_257 : memref<128x128xf32, #tpu.memory_space<vmem_shared>>)
      tpu.yield
    }) : () -> ()
    %add3A_10 = arith.constant 128 : i32
    %add3A_11 = arith.addi %mul3A_2, %add3A_10 : i32
    "tpu.region"() ({
      %run_scoped3A = tpu.sem_alloc : memref<!tpu.dma_semaphore, #tpu.memory_space<semaphore_mem>>
      %dma_start3A_250 = arith.constant 0 : i32
      %dma_start3A_251 = tpu.memref_slice %arg14[%add3A_11, %dma_start3A_250] : memref<10000x128xf32, #tpu.memory_space<vmem_shared>> -> memref<128x128xf32, #tpu.memory_space<vmem_shared>>
      %dma_start3A_252 = arith.constant 0 : i32
      %dma_start3A_253 = tpu.memref_slice %arg14[%add3A_11, %dma_start3A_252] : memref<10000x128xf32, #tpu.memory_space<vmem_shared>> -> memref<128x128xf32, #tpu.memory_space<vmem_shared>>
      tpu.enqueue_dma source(%arg12 : memref<128x128xf32, #tpu.memory_space<vmem>>) target(%dma_start3A_253 : memref<128x128xf32, #tpu.memory_space<vmem_shared>>) target_semaphore(%run_scoped3A : memref<!tpu.dma_semaphore, #tpu.memory_space<semaphore_mem>>)
      %dma_wait3A_254 = arith.constant 0 : i32
      %dma_wait3A_255 = tpu.memref_slice %arg14[%add3A_11, %dma_wait3A_254] : memref<10000x128xf32, #tpu.memory_space<vmem_shared>> -> memref<128x128xf32, #tpu.memory_space<vmem_shared>>
      %dma_wait3A_256 = arith.constant 0 : i32
      %dma_wait3A_257 = tpu.memref_slice %arg14[%add3A_11, %dma_wait3A_256] : memref<10000x128xf32, #tpu.memory_space<vmem_shared>> -> memref<128x128xf32, #tpu.memory_space<vmem_shared>>
      tpu.wait_dma2 semaphore(%run_scoped3A : memref<!tpu.dma_semaphore, #tpu.memory_space<semaphore_mem>>) src(%arg12 : memref<128x128xf32, #tpu.memory_space<vmem>>) dst(%dma_wait3A_257 : memref<128x128xf32, #tpu.memory_space<vmem_shared>>)
      tpu.yield
    }) : () -> ()
    %add3A_12 = arith.constant 256 : i32
    %add3A_13 = arith.addi %mul3A_2, %add3A_12 : i32
    "tpu.region"() ({
      %run_scoped3A = tpu.sem_alloc : memref<!tpu.dma_semaphore, #tpu.memory_space<semaphore_mem>>
      %dma_start3A_250 = arith.constant 0 : i32
      %dma_start3A_251 = tpu.memref_slice %arg14[%add3A_13, %dma_start3A_250] : memref<10000x128xf32, #tpu.memory_space<vmem_shared>> -> memref<128x128xf32, #tpu.memory_space<vmem_shared>>
      %dma_start3A_252 = arith.constant 0 : i32
      %dma_start3A_253 = tpu.memref_slice %arg14[%add3A_13, %dma_start3A_252] : memref<10000x128xf32, #tpu.memory_space<vmem_shared>> -> memref<128x128xf32, #tpu.memory_space<vmem_shared>>
      tpu.enqueue_dma source(%arg12 : memref<128x128xf32, #tpu.memory_space<vmem>>) target(%dma_start3A_253 : memref<128x128xf32, #tpu.memory_space<vmem_shared>>) target_semaphore(%run_scoped3A : memref<!tpu.dma_semaphore, #tpu.memory_space<semaphore_mem>>)
      %dma_wait3A_254 = arith.constant 0 : i32
      %dma_wait3A_255 = tpu.memref_slice %arg14[%add3A_13, %dma_wait3A_254] : memref<10000x128xf32, #tpu.memory_space<vmem_shared>> -> memref<128x128xf32, #tpu.memory_space<vmem_shared>>
      %dma_wait3A_256 = arith.constant 0 : i32
      %dma_wait3A_257 = tpu.memref_slice %arg14[%add3A_13, %dma_wait3A_256] : memref<10000x128xf32, #tpu.memory_space<vmem_shared>> -> memref<128x128xf32, #tpu.memory_space<vmem_shared>>
      tpu.wait_dma2 semaphore(%run_scoped3A : memref<!tpu.dma_semaphore, #tpu.memory_space<semaphore_mem>>) src(%arg12 : memref<128x128xf32, #tpu.memory_space<vmem>>) dst(%dma_wait3A_257 : memref<128x128xf32, #tpu.memory_space<vmem_shared>>)
      tpu.yield
    }) : () -> ()
    %add3A_14 = arith.constant 384 : i32
    %add3A_15 = arith.addi %mul3A_2, %add3A_14 : i32
    "tpu.region"() ({
      %run_scoped3A = tpu.sem_alloc : memref<!tpu.dma_semaphore, #tpu.memory_space<semaphore_mem>>
      %dma_start3A_250 = arith.constant 0 : i32
      %dma_start3A_251 = tpu.memref_slice %arg14[%add3A_15, %dma_start3A_250] : memref<10000x128xf32, #tpu.memory_space<vmem_shared>> -> memref<128x128xf32, #tpu.memory_space<vmem_shared>>
      %dma_start3A_252 = arith.constant 0 : i32
      %dma_start3A_253 = tpu.memref_slice %arg14[%add3A_15, %dma_start3A_252] : memref<10000x128xf32, #tpu.memory_space<vmem_shared>> -> memref<128x128xf32, #tpu.memory_space<vmem_shared>>
      tpu.enqueue_dma source(%arg12 : memref<128x128xf32, #tpu.memory_space<vmem>>) target(%dma_start3A_253 : memref<128x128xf32, #tpu.memory_space<vmem_shared>>) target_semaphore(%run_scoped3A : memref<!tpu.dma_semaphore, #tpu.memory_space<semaphore_mem>>)
      %dma_wait3A_254 = arith.constant 0 : i32
      %dma_wait3A_255 = tpu.memref_slice %arg14[%add3A_15, %dma_wait3A_254] : memref<10000x128xf32, #tpu.memory_space<vmem_shared>> -> memref<128x128xf32, #tpu.memory_space<vmem_shared>>
      %dma_wait3A_256 = arith.constant 0 : i32
      %dma_wait3A_257 = tpu.memref_slice %arg14[%add3A_15, %dma_wait3A_256] : memref<10000x128xf32, #tpu.memory_space<vmem_shared>> -> memref<128x128xf32, #tpu.memory_space<vmem_shared>>
      tpu.wait_dma2 semaphore(%run_scoped3A : memref<!tpu.dma_semaphore, #tpu.memory_space<semaphore_mem>>) src(%arg12 : memref<128x128xf32, #tpu.memory_space<vmem>>) dst(%dma_wait3A_257 : memref<128x128xf32, #tpu.memory_space<vmem_shared>>)
      tpu.yield
    }) : () -> ()
    %add3A_16 = arith.constant 512 : i32
    %add3A_17 = arith.addi %mul3A_2, %add3A_16 : i32
    "tpu.region"() ({
      %run_scoped3A = tpu.sem_alloc : memref<!tpu.dma_semaphore, #tpu.memory_space<semaphore_mem>>
      %dma_start3A_250 = arith.constant 0 : i32
      %dma_start3A_251 = arith.constant 0 : i32
      %dma_start3A_252 = tpu.memref_slice %arg12[%dma_start3A_250, %dma_start3A_251] : memref<128x128xf32, #tpu.memory_space<vmem>> -> memref<112x128xf32, #tpu.memory_space<vmem>>
      %dma_start3A_253 = arith.constant 0 : i32
      %dma_start3A_254 = tpu.memref_slice %arg14[%add3A_17, %dma_start3A_253] : memref<10000x128xf32, #tpu.memory_space<vmem_shared>> -> memref<112x128xf32, #tpu.memory_space<vmem_shared>>
      %dma_start3A_255 = arith.constant 0 : i32
      %dma_start3A_256 = tpu.memref_slice %arg14[%add3A_17, %dma_start3A_255] : memref<10000x128xf32, #tpu.memory_space<vmem_shared>> -> memref<112x128xf32, #tpu.memory_space<vmem_shared>>
      %dma_start3A_257 = arith.constant 0 : i32
      %dma_start3A_258 = arith.constant 0 : i32
      %dma_start3A_259 = tpu.memref_slice %arg12[%dma_start3A_257, %dma_start3A_258] : memref<128x128xf32, #tpu.memory_space<vmem>> -> memref<112x128xf32, #tpu.memory_space<vmem>>
      tpu.enqueue_dma source(%dma_start3A_259 : memref<112x128xf32, #tpu.memory_space<vmem>>) target(%dma_start3A_256 : memref<112x128xf32, #tpu.memory_space<vmem_shared>>) target_semaphore(%run_scoped3A : memref<!tpu.dma_semaphore, #tpu.memory_space<semaphore_mem>>)
      %dma_wait3A_260 = arith.constant 0 : i32
      %dma_wait3A_261 = arith.constant 0 : i32
      %dma_wait3A_262 = tpu.memref_slice %arg12[%dma_wait3A_260, %dma_wait3A_261] : memref<128x128xf32, #tpu.memory_space<vmem>> -> memref<112x128xf32, #tpu.memory_space<vmem>>
      %dma_wait3A_263 = arith.constant 0 : i32
      %dma_wait3A_264 = tpu.memref_slice %arg14[%add3A_17, %dma_wait3A_263] : memref<10000x128xf32, #tpu.memory_space<vmem_shared>> -> memref<112x128xf32, #tpu.memory_space<vmem_shared>>
      %dma_wait3A_265 = arith.constant 0 : i32
      %dma_wait3A_266 = tpu.memref_slice %arg14[%add3A_17, %dma_wait3A_265] : memref<10000x128xf32, #tpu.memory_space<vmem_shared>> -> memref<112x128xf32, #tpu.memory_space<vmem_shared>>
      %dma_wait3A_267 = arith.constant 0 : i32
      %dma_wait3A_268 = arith.constant 0 : i32
      %dma_wait3A_269 = tpu.memref_slice %arg12[%dma_wait3A_267, %dma_wait3A_268] : memref<128x128xf32, #tpu.memory_space<vmem>> -> memref<112x128xf32, #tpu.memory_space<vmem>>
      tpu.wait_dma2 semaphore(%run_scoped3A : memref<!tpu.dma_semaphore, #tpu.memory_space<semaphore_mem>>) src(%dma_wait3A_269 : memref<112x128xf32, #tpu.memory_space<vmem>>) dst(%dma_wait3A_266 : memref<112x128xf32, #tpu.memory_space<vmem_shared>>)
      tpu.yield
    }) : () -> ()
    %scan3A_18 = arith.constant 0 : i32
    %scan3A_19 = arith.constant 0 : i32
    %scan3A_20 = arith.constant 39 : i32
    %scan3A_21 = arith.addi %scan3A_19, %scan3A_20 : i32
    %scan3A_22 = arith.constant 1 : i32
    scf.for %scan3A_250 = %scan3A_19 to %scan3A_21 step %scan3A_22  : i32 {
      %broadcast_in_dim3A_251 = arith.constant 0.000000e+00 : f32
      %broadcast_in_dim3A_252 = vector.broadcast %broadcast_in_dim3A_251 : f32 to vector<16xf32>
      %mul3A_253 = arith.constant 16 : i32
      %mul3A_254 = arith.muli %scan3A_250, %mul3A_253 : i32
      %swap3A_255 = arith.index_cast %mul3A_254 : i32 to index
      %swap3A_256 = tpu.vector_load %arg27[%swap3A_255] {strides = array<i32>} : memref<624xf32, #tpu.memory_space<vmem>>, vector<16xf32>,
      %swap3A_257 = vector.shape_cast %swap3A_256 : vector<16xf32> to vector<16xf32>
      %swap3A_258 = vector.shape_cast %broadcast_in_dim3A_252 : vector<16xf32> to vector<16xf32>
      tpu.vector_store %arg27[%swap3A_255], %swap3A_258 {strides = array<i32>} : memref<624xf32, #tpu.memory_space<vmem>>, vector<16xf32>,
    }
    %scan3A_23 = arith.constant 39 : i32
    "tpu.region"() ({
      %run_scoped3A = tpu.sem_alloc : memref<!tpu.dma_semaphore, #tpu.memory_space<semaphore_mem>>
      %dma_start3A_250 = tpu.memref_slice %arg26[%mul3A_2] : memref<10000xf32, #tpu.memory_space<vmem_shared>> -> memref<624xf32, #tpu.memory_space<vmem_shared>>
      %dma_start3A_251 = tpu.memref_slice %arg26[%mul3A_2] : memref<10000xf32, #tpu.memory_space<vmem_shared>> -> memref<624xf32, #tpu.memory_space<vmem_shared>>
      tpu.enqueue_dma source(%arg27 : memref<624xf32, #tpu.memory_space<vmem>>) target(%dma_start3A_251 : memref<624xf32, #tpu.memory_space<vmem_shared>>) target_semaphore(%run_scoped3A : memref<!tpu.dma_semaphore, #tpu.memory_space<semaphore_mem>>)
      %dma_wait3A_252 = tpu.memref_slice %arg26[%mul3A_2] : memref<10000xf32, #tpu.memory_space<vmem_shared>> -> memref<624xf32, #tpu.memory_space<vmem_shared>>
      %dma_wait3A_253 = tpu.memref_slice %arg26[%mul3A_2] : memref<10000xf32, #tpu.memory_space<vmem_shared>> -> memref<624xf32, #tpu.memory_space<vmem_shared>>
      tpu.wait_dma2 semaphore(%run_scoped3A : memref<!tpu.dma_semaphore, #tpu.memory_space<semaphore_mem>>) src(%arg27 : memref<624xf32, #tpu.memory_space<vmem>>) dst(%dma_wait3A_253 : memref<624xf32, #tpu.memory_space<vmem_shared>>)
      tpu.yield
    }) : () -> ()
    %broadcast_in_dim3A = arith.constant 1.000000e+00 : f32
    %broadcast_in_dim3A_24 = vector.broadcast %broadcast_in_dim3A : f32 to vector<16xf32>
    %swap3A = arith.constant 0 : index
    %swap3A_25 = tpu.vector_load %arg25[%swap3A] {strides = array<i32>} : memref<128xf32, #tpu.memory_space<vmem>>, vector<16xf32>,
    %swap3A_26 = vector.shape_cast %swap3A_25 : vector<16xf32> to vector<16xf32>
    %swap3A_27 = vector.shape_cast %broadcast_in_dim3A_24 : vector<16xf32> to vector<16xf32>
    tpu.vector_store %arg25[%swap3A], %swap3A_27 {strides = array<i32>} : memref<128xf32, #tpu.memory_space<vmem>>, vector<16xf32>,
    %broadcast_in_dim3A_28 = arith.constant 1.000000e+00 : f32
    %broadcast_in_dim3A_29 = vector.broadcast %broadcast_in_dim3A_28 : f32 to vector<16xf32>
    %swap3A_30 = arith.constant 16 : index
    %swap3A_31 = tpu.vector_load %arg25[%swap3A_30] {strides = array<i32>} : memref<128xf32, #tpu.memory_space<vmem>>, vector<16xf32>,
    %swap3A_32 = vector.shape_cast %swap3A_31 : vector<16xf32> to vector<16xf32>
    %swap3A_33 = vector.shape_cast %broadcast_in_dim3A_29 : vector<16xf32> to vector<16xf32>
    tpu.vector_store %arg25[%swap3A_30], %swap3A_33 {strides = array<i32>} : memref<128xf32, #tpu.memory_space<vmem>>, vector<16xf32>,
    %broadcast_in_dim3A_34 = arith.constant 1.000000e+00 : f32
    %broadcast_in_dim3A_35 = vector.broadcast %broadcast_in_dim3A_34 : f32 to vector<16xf32>
    %swap3A_36 = arith.constant 32 : index
    %swap3A_37 = tpu.vector_load %arg25[%swap3A_36] {strides = array<i32>} : memref<128xf32, #tpu.memory_space<vmem>>, vector<16xf32>,
    %swap3A_38 = vector.shape_cast %swap3A_37 : vector<16xf32> to vector<16xf32>
    %swap3A_39 = vector.shape_cast %broadcast_in_dim3A_35 : vector<16xf32> to vector<16xf32>
    tpu.vector_store %arg25[%swap3A_36], %swap3A_39 {strides = array<i32>} : memref<128xf32, #tpu.memory_space<vmem>>, vector<16xf32>,
    %broadcast_in_dim3A_40 = arith.constant 1.000000e+00 : f32
    %broadcast_in_dim3A_41 = vector.broadcast %broadcast_in_dim3A_40 : f32 to vector<16xf32>
    %swap3A_42 = arith.constant 48 : index
    %swap3A_43 = tpu.vector_load %arg25[%swap3A_42] {strides = array<i32>} : memref<128xf32, #tpu.memory_space<vmem>>, vector<16xf32>,
    %swap3A_44 = vector.shape_cast %swap3A_43 : vector<16xf32> to vector<16xf32>
    %swap3A_45 = vector.shape_cast %broadcast_in_dim3A_41 : vector<16xf32> to vector<16xf32>
    tpu.vector_store %arg25[%swap3A_42], %swap3A_45 {strides = array<i32>} : memref<128xf32, #tpu.memory_space<vmem>>, vector<16xf32>,
    %broadcast_in_dim3A_46 = arith.constant 1.000000e+00 : f32
    %broadcast_in_dim3A_47 = vector.broadcast %broadcast_in_dim3A_46 : f32 to vector<16xf32>
    %swap3A_48 = arith.constant 64 : index
    %swap3A_49 = tpu.vector_load %arg25[%swap3A_48] {strides = array<i32>} : memref<128xf32, #tpu.memory_space<vmem>>, vector<16xf32>,
    %swap3A_50 = vector.shape_cast %swap3A_49 : vector<16xf32> to vector<16xf32>
    %swap3A_51 = vector.shape_cast %broadcast_in_dim3A_47 : vector<16xf32> to vector<16xf32>
    tpu.vector_store %arg25[%swap3A_48], %swap3A_51 {strides = array<i32>} : memref<128xf32, #tpu.memory_space<vmem>>, vector<16xf32>,
    %broadcast_in_dim3A_52 = arith.constant 1.000000e+00 : f32
    %broadcast_in_dim3A_53 = vector.broadcast %broadcast_in_dim3A_52 : f32 to vector<16xf32>
    %swap3A_54 = arith.constant 80 : index
    %swap3A_55 = tpu.vector_load %arg25[%swap3A_54] {strides = array<i32>} : memref<128xf32, #tpu.memory_space<vmem>>, vector<16xf32>,
    %swap3A_56 = vector.shape_cast %swap3A_55 : vector<16xf32> to vector<16xf32>
    %swap3A_57 = vector.shape_cast %broadcast_in_dim3A_53 : vector<16xf32> to vector<16xf32>
    tpu.vector_store %arg25[%swap3A_54], %swap3A_57 {strides = array<i32>} : memref<128xf32, #tpu.memory_space<vmem>>, vector<16xf32>,
    %broadcast_in_dim3A_58 = arith.constant 1.000000e+00 : f32
    %broadcast_in_dim3A_59 = vector.broadcast %broadcast_in_dim3A_58 : f32 to vector<16xf32>
    %swap3A_60 = arith.constant 96 : index
    %swap3A_61 = tpu.vector_load %arg25[%swap3A_60] {strides = array<i32>} : memref<128xf32, #tpu.memory_space<vmem>>, vector<16xf32>,
    %swap3A_62 = vector.shape_cast %swap3A_61 : vector<16xf32> to vector<16xf32>
    %swap3A_63 = vector.shape_cast %broadcast_in_dim3A_59 : vector<16xf32> to vector<16xf32>
    tpu.vector_store %arg25[%swap3A_60], %swap3A_63 {strides = array<i32>} : memref<128xf32, #tpu.memory_space<vmem>>, vector<16xf32>,
    %broadcast_in_dim3A_64 = arith.constant 1.000000e+00 : f32
    %broadcast_in_dim3A_65 = vector.broadcast %broadcast_in_dim3A_64 : f32 to vector<16xf32>
    %swap3A_66 = arith.constant 112 : index
    %swap3A_67 = tpu.vector_load %arg25[%swap3A_66] {strides = array<i32>} : memref<128xf32, #tpu.memory_space<vmem>>, vector<16xf32>,
    %swap3A_68 = vector.shape_cast %swap3A_67 : vector<16xf32> to vector<16xf32>
    %swap3A_69 = vector.shape_cast %broadcast_in_dim3A_65 : vector<16xf32> to vector<16xf32>
    tpu.vector_store %arg25[%swap3A_66], %swap3A_69 {strides = array<i32>} : memref<128xf32, #tpu.memory_space<vmem>>, vector<16xf32>,
    %eq3A = arith.constant 15 : i32
    %eq3A_70 = arith.cmpi eq, %arg1, %eq3A : i32
    %convert_element_type3A = arith.extui %eq3A_70 : i1 to i32
    %cond3A = arith.constant 0 : i32
    %cond3A_71 = arith.cmpi ne, %convert_element_type3A, %cond3A : i32
    scf.if %cond3A_71 {
      "tpu.region"() ({
        %run_scoped3A = tpu.sem_alloc : memref<!tpu.dma_semaphore, #tpu.memory_space<semaphore_mem>>
        %dma_start3A_250 = arith.constant 0 : i32
        %dma_start3A_251 = arith.constant 0 : i32
        %dma_start3A_252 = tpu.memref_slice %arg12[%dma_start3A_250, %dma_start3A_251] : memref<128x128xf32, #tpu.memory_space<vmem>> -> memref<16x128xf32, #tpu.memory_space<vmem>>
        %dma_start3A_253 = arith.constant 9984 : i32
        %dma_start3A_254 = arith.constant 0 : i32
        %dma_start3A_255 = tpu.memref_slice %arg14[%dma_start3A_253, %dma_start3A_254] : memref<10000x128xf32, #tpu.memory_space<vmem_shared>> -> memref<16x128xf32, #tpu.memory_space<vmem_shared>>
        %dma_start3A_256 = arith.constant 9984 : i32
        %dma_start3A_257 = arith.constant 0 : i32
        %dma_start3A_258 = tpu.memref_slice %arg14[%dma_start3A_256, %dma_start3A_257] : memref<10000x128xf32, #tpu.memory_space<vmem_shared>> -> memref<16x128xf32, #tpu.memory_space<vmem_shared>>
        %dma_start3A_259 = arith.constant 0 : i32
        %dma_start3A_260 = arith.constant 0 : i32
        %dma_start3A_261 = tpu.memref_slice %arg12[%dma_start3A_259, %dma_start3A_260] : memref<128x128xf32, #tpu.memory_space<vmem>> -> memref<16x128xf32, #tpu.memory_space<vmem>>
        tpu.enqueue_dma source(%dma_start3A_261 : memref<16x128xf32, #tpu.memory_space<vmem>>) target(%dma_start3A_258 : memref<16x128xf32, #tpu.memory_space<vmem_shared>>) target_semaphore(%run_scoped3A : memref<!tpu.dma_semaphore, #tpu.memory_space<semaphore_mem>>)
        %dma_wait3A_262 = arith.constant 0 : i32
        %dma_wait3A_263 = arith.constant 0 : i32
        %dma_wait3A_264 = tpu.memref_slice %arg12[%dma_wait3A_262, %dma_wait3A_263] : memref<128x128xf32, #tpu.memory_space<vmem>> -> memref<16x128xf32, #tpu.memory_space<vmem>>
        %dma_wait3A_265 = arith.constant 9984 : i32
        %dma_wait3A_266 = arith.constant 0 : i32
        %dma_wait3A_267 = tpu.memref_slice %arg14[%dma_wait3A_265, %dma_wait3A_266] : memref<10000x128xf32, #tpu.memory_space<vmem_shared>> -> memref<16x128xf32, #tpu.memory_space<vmem_shared>>
        %dma_wait3A_268 = arith.constant 9984 : i32
        %dma_wait3A_269 = arith.constant 0 : i32
        %dma_wait3A_270 = tpu.memref_slice %arg14[%dma_wait3A_268, %dma_wait3A_269] : memref<10000x128xf32, #tpu.memory_space<vmem_shared>> -> memref<16x128xf32, #tpu.memory_space<vmem_shared>>
        %dma_wait3A_271 = arith.constant 0 : i32
        %dma_wait3A_272 = arith.constant 0 : i32
        %dma_wait3A_273 = tpu.memref_slice %arg12[%dma_wait3A_271, %dma_wait3A_272] : memref<128x128xf32, #tpu.memory_space<vmem>> -> memref<16x128xf32, #tpu.memory_space<vmem>>
        tpu.wait_dma2 semaphore(%run_scoped3A : memref<!tpu.dma_semaphore, #tpu.memory_space<semaphore_mem>>) src(%dma_wait3A_273 : memref<16x128xf32, #tpu.memory_space<vmem>>) dst(%dma_wait3A_270 : memref<16x128xf32, #tpu.memory_space<vmem_shared>>)
        tpu.yield
      }) : () -> ()
      "tpu.region"() ({
        %run_scoped3A = tpu.sem_alloc : memref<!tpu.dma_semaphore, #tpu.memory_space<semaphore_mem>>
        %dma_start3A_250 = arith.constant 0 : i32
        %dma_start3A_251 = tpu.memref_slice %arg27[%dma_start3A_250] : memref<624xf32, #tpu.memory_space<vmem>> -> memref<16xf32, #tpu.memory_space<vmem>>
        %dma_start3A_252 = arith.constant 9984 : i32
        %dma_start3A_253 = tpu.memref_slice %arg26[%dma_start3A_252] : memref<10000xf32, #tpu.memory_space<vmem_shared>> -> memref<16xf32, #tpu.memory_space<vmem_shared>>
        %dma_start3A_254 = arith.constant 9984 : i32
        %dma_start3A_255 = tpu.memref_slice %arg26[%dma_start3A_254] : memref<10000xf32, #tpu.memory_space<vmem_shared>> -> memref<16xf32, #tpu.memory_space<vmem_shared>>
        %dma_start3A_256 = arith.constant 0 : i32
        %dma_start3A_257 = tpu.memref_slice %arg27[%dma_start3A_256] : memref<624xf32, #tpu.memory_space<vmem>> -> memref<16xf32, #tpu.memory_space<vmem>>
        tpu.enqueue_dma source(%dma_start3A_257 : memref<16xf32, #tpu.memory_space<vmem>>) target(%dma_start3A_255 : memref<16xf32, #tpu.memory_space<vmem_shared>>) target_semaphore(%run_scoped3A : memref<!tpu.dma_semaphore, #tpu.memory_space<semaphore_mem>>)
        %dma_wait3A_258 = arith.constant 0 : i32
        %dma_wait3A_259 = tpu.memref_slice %arg27[%dma_wait3A_258] : memref<624xf32, #tpu.memory_space<vmem>> -> memref<16xf32, #tpu.memory_space<vmem>>
        %dma_wait3A_260 = arith.constant 9984 : i32
        %dma_wait3A_261 = tpu.memref_slice %arg26[%dma_wait3A_260] : memref<10000xf32, #tpu.memory_space<vmem_shared>> -> memref<16xf32, #tpu.memory_space<vmem_shared>>
        %dma_wait3A_262 = arith.constant 9984 : i32
        %dma_wait3A_263 = tpu.memref_slice %arg26[%dma_wait3A_262] : memref<10000xf32, #tpu.memory_space<vmem_shared>> -> memref<16xf32, #tpu.memory_space<vmem_shared>>
        %dma_wait3A_264 = arith.constant 0 : i32
        %dma_wait3A_265 = tpu.memref_slice %arg27[%dma_wait3A_264] : memref<624xf32, #tpu.memory_space<vmem>> -> memref<16xf32, #tpu.memory_space<vmem>>
        tpu.wait_dma2 semaphore(%run_scoped3A : memref<!tpu.dma_semaphore, #tpu.memory_space<semaphore_mem>>) src(%dma_wait3A_265 : memref<16xf32, #tpu.memory_space<vmem>>) dst(%dma_wait3A_263 : memref<16xf32, #tpu.memory_space<vmem_shared>>)
        tpu.yield
      }) : () -> ()
    } else {
    }
    %barrier3A = arith.constant 0 : index
    tpu.barrier barrier_id(%barrier3A)
    %add3A_72 = arith.constant 0 : i32
    %add3A_73 = arith.addi %add3A, %add3A_72 : i32
    %min3A = arith.constant 2499 : i32
    %min3A_74 = arith.minsi %add3A_73, %min3A : i32
    %mul3A_75 = arith.constant 128 : i32
    %mul3A_76 = arith.muli %min3A_74, %mul3A_75 : i32
    %dma_start3A = arith.constant 0 : i32
    %dma_start3A_77 = tpu.memref_slice %arg2[%dma_start3A, %mul3A_76] : memref<2x320000xi32, #tpu.memory_space<hbm>> -> memref<2x128xi32, #tpu.memory_space<hbm>>
    %dma_start3A_78 = arith.constant 0 : i32
    %dma_start3A_79 = tpu.memref_slice %arg2[%dma_start3A_78, %mul3A_76] : memref<2x320000xi32, #tpu.memory_space<hbm>> -> memref<2x128xi32, #tpu.memory_space<hbm>>
    tpu.enqueue_dma source(%dma_start3A_79 : memref<2x128xi32, #tpu.memory_space<hbm>>) target(%arg8 : memref<2x128xi32, #tpu.memory_space<vmem>>) target_semaphore(%arg15 : memref<!tpu.dma_semaphore, #tpu.memory_space<semaphore_mem>>)
    %add3A_80 = arith.constant 32 : i32
    %add3A_81 = arith.addi %add3A, %add3A_80 : i32
    %min3A_82 = arith.constant 2499 : i32
    %min3A_83 = arith.minsi %add3A_81, %min3A_82 : i32
    %mul3A_84 = arith.constant 128 : i32
    %mul3A_85 = arith.muli %min3A_83, %mul3A_84 : i32
    %dma_start3A_86 = arith.constant 0 : i32
    %dma_start3A_87 = tpu.memref_slice %arg2[%dma_start3A_86, %mul3A_85] : memref<2x320000xi32, #tpu.memory_space<hbm>> -> memref<2x128xi32, #tpu.memory_space<hbm>>
    %dma_start3A_88 = arith.constant 0 : i32
    %dma_start3A_89 = tpu.memref_slice %arg2[%dma_start3A_88, %mul3A_85] : memref<2x320000xi32, #tpu.memory_space<hbm>> -> memref<2x128xi32, #tpu.memory_space<hbm>>
    tpu.enqueue_dma source(%dma_start3A_89 : memref<2x128xi32, #tpu.memory_space<hbm>>) target(%arg9 : memref<2x128xi32, #tpu.memory_space<vmem>>) target_semaphore(%arg16 : memref<!tpu.dma_semaphore, #tpu.memory_space<semaphore_mem>>)
    %add3A_90 = arith.constant 0 : i32
    %add3A_91 = arith.addi %add3A, %add3A_90 : i32
    %min3A_92 = arith.constant 2499 : i32
    %min3A_93 = arith.minsi %add3A_91, %min3A_92 : i32
    %mul3A_94 = arith.constant 128 : i32
    %mul3A_95 = arith.muli %min3A_93, %mul3A_94 : i32
    %dma_wait3A = arith.constant 0 : i32
    %dma_wait3A_96 = tpu.memref_slice %arg2[%dma_wait3A, %mul3A_95] : memref<2x320000xi32, #tpu.memory_space<hbm>> -> memref<2x128xi32, #tpu.memory_space<hbm>>
    %dma_wait3A_97 = arith.constant 0 : i32
    %dma_wait3A_98 = tpu.memref_slice %arg2[%dma_wait3A_97, %mul3A_95] : memref<2x320000xi32, #tpu.memory_space<hbm>> -> memref<2x128xi32, #tpu.memory_space<hbm>>
    tpu.wait_dma2 semaphore(%arg15 : memref<!tpu.dma_semaphore, #tpu.memory_space<semaphore_mem>>) src(%dma_wait3A_98 : memref<2x128xi32, #tpu.memory_space<hbm>>) dst(%arg8 : memref<2x128xi32, #tpu.memory_space<vmem>>)
    %dma_start3A_99 = arith.constant 0 : i32
    %dma_start3A_100 = arith.constant 0 : i32
    %dma_start3A_101 = tpu.memref_slice %arg8[%dma_start3A_99, %dma_start3A_100] : memref<2x128xi32, #tpu.memory_space<vmem>> -> memref<1x128xi32, #tpu.memory_space<vmem>>
    %dma_start3A_102 = tpu.memref_squeeze %dma_start3A_101 : memref<1x128xi32, #tpu.memory_space<vmem>> -> memref<128xi32, #tpu.memory_space<vmem>>
    %dma_start3A_103 = arith.constant 0 : i32
    %dma_start3A_104 = arith.constant 0 : i32
    %dma_start3A_105 = tpu.memref_slice %arg3[%dma_start3A_103, %dma_start3A_104] : memref<10000x128xf32, #tpu.memory_space<hbm>> -> memref<10000x128xf32, #tpu.memory_space<hbm>>
    tpu.enqueue_indirect_dma source(%dma_start3A_105 : memref<10000x128xf32, #tpu.memory_space<hbm>>) target(%arg12 : memref<128x128xf32, #tpu.memory_space<vmem>>) offsets(%dma_start3A_102 : memref<128xi32, #tpu.memory_space<vmem>>) semaphore(%arg19 : memref<!tpu.dma_semaphore, #tpu.memory_space<semaphore_mem>>)
    %add3A_106 = arith.constant 64 : i32
    %add3A_107 = arith.addi %add3A, %add3A_106 : i32
    %min3A_108 = arith.constant 2499 : i32
    %min3A_109 = arith.minsi %add3A_107, %min3A_108 : i32
    %mul3A_110 = arith.constant 128 : i32
    %mul3A_111 = arith.muli %min3A_109, %mul3A_110 : i32
    %dma_start3A_112 = arith.constant 0 : i32
    %dma_start3A_113 = tpu.memref_slice %arg2[%dma_start3A_112, %mul3A_111] : memref<2x320000xi32, #tpu.memory_space<hbm>> -> memref<2x128xi32, #tpu.memory_space<hbm>>
    %dma_start3A_114 = arith.constant 0 : i32
    %dma_start3A_115 = tpu.memref_slice %arg2[%dma_start3A_114, %mul3A_111] : memref<2x320000xi32, #tpu.memory_space<hbm>> -> memref<2x128xi32, #tpu.memory_space<hbm>>
    tpu.enqueue_dma source(%dma_start3A_115 : memref<2x128xi32, #tpu.memory_space<hbm>>) target(%arg10 : memref<2x128xi32, #tpu.memory_space<vmem>>) target_semaphore(%arg17 : memref<!tpu.dma_semaphore, #tpu.memory_space<semaphore_mem>>)
    %add3A_116 = arith.constant 32 : i32
    %add3A_117 = arith.addi %add3A, %add3A_116 : i32
    %min3A_118 = arith.constant 2499 : i32
    %min3A_119 = arith.minsi %add3A_117, %min3A_118 : i32
    %mul3A_120 = arith.constant 128 : i32
    %mul3A_121 = arith.muli %min3A_119, %mul3A_120 : i32
    %dma_wait3A_122 = arith.constant 0 : i32
    %dma_wait3A_123 = tpu.memref_slice %arg2[%dma_wait3A_122, %mul3A_121] : memref<2x320000xi32, #tpu.memory_space<hbm>> -> memref<2x128xi32, #tpu.memory_space<hbm>>
    %dma_wait3A_124 = arith.constant 0 : i32
    %dma_wait3A_125 = tpu.memref_slice %arg2[%dma_wait3A_124, %mul3A_121] : memref<2x320000xi32, #tpu.memory_space<hbm>> -> memref<2x128xi32, #tpu.memory_space<hbm>>
    tpu.wait_dma2 semaphore(%arg16 : memref<!tpu.dma_semaphore, #tpu.memory_space<semaphore_mem>>) src(%dma_wait3A_125 : memref<2x128xi32, #tpu.memory_space<hbm>>) dst(%arg9 : memref<2x128xi32, #tpu.memory_space<vmem>>)
    %dma_start3A_126 = arith.constant 0 : i32
    %dma_start3A_127 = arith.constant 0 : i32
    %dma_start3A_128 = tpu.memref_slice %arg9[%dma_start3A_126, %dma_start3A_127] : memref<2x128xi32, #tpu.memory_space<vmem>> -> memref<1x128xi32, #tpu.memory_space<vmem>>
    %dma_start3A_129 = tpu.memref_squeeze %dma_start3A_128 : memref<1x128xi32, #tpu.memory_space<vmem>> -> memref<128xi32, #tpu.memory_space<vmem>>
    %dma_start3A_130 = arith.constant 0 : i32
    %dma_start3A_131 = arith.constant 0 : i32
    %dma_start3A_132 = tpu.memref_slice %arg3[%dma_start3A_130, %dma_start3A_131] : memref<10000x128xf32, #tpu.memory_space<hbm>> -> memref<10000x128xf32, #tpu.memory_space<hbm>>
    tpu.enqueue_indirect_dma source(%dma_start3A_132 : memref<10000x128xf32, #tpu.memory_space<hbm>>) target(%arg13 : memref<128x128xf32, #tpu.memory_space<vmem>>) offsets(%dma_start3A_129 : memref<128xi32, #tpu.memory_space<vmem>>) semaphore(%arg20 : memref<!tpu.dma_semaphore, #tpu.memory_space<semaphore_mem>>)
    %dma_wait3A_133 = arith.constant 0 : i32
    %dma_wait3A_134 = arith.constant 0 : i32
    %dma_wait3A_135 = tpu.memref_slice %arg8[%dma_wait3A_133, %dma_wait3A_134] : memref<2x128xi32, #tpu.memory_space<vmem>> -> memref<1x128xi32, #tpu.memory_space<vmem>>
    %dma_wait3A_136 = tpu.memref_squeeze %dma_wait3A_135 : memref<1x128xi32, #tpu.memory_space<vmem>> -> memref<128xi32, #tpu.memory_space<vmem>>
    %dma_wait3A_137 = arith.constant 0 : i32
    %dma_wait3A_138 = arith.constant 0 : i32
    %dma_wait3A_139 = tpu.memref_slice %arg3[%dma_wait3A_137, %dma_wait3A_138] : memref<10000x128xf32, #tpu.memory_space<hbm>> -> memref<10000x128xf32, #tpu.memory_space<hbm>>
    tpu.wait_indirect_dma semaphore(%arg19 : memref<!tpu.dma_semaphore, #tpu.memory_space<semaphore_mem>>) src(%dma_wait3A_139 : memref<10000x128xf32, #tpu.memory_space<hbm>>) dst(%arg12 : memref<128x128xf32, #tpu.memory_space<vmem>>)
    %dma_start3A_140 = arith.constant 1 : i32
    %dma_start3A_141 = arith.constant 0 : i32
    %dma_start3A_142 = tpu.memref_slice %arg8[%dma_start3A_140, %dma_start3A_141] : memref<2x128xi32, #tpu.memory_space<vmem>> -> memref<1x128xi32, #tpu.memory_space<vmem>>
    %dma_start3A_143 = tpu.memref_squeeze %dma_start3A_142 : memref<1x128xi32, #tpu.memory_space<vmem>> -> memref<128xi32, #tpu.memory_space<vmem>>
    %dma_start3A_144 = arith.constant 0 : i32
    %dma_start3A_145 = arith.constant 0 : i32
    %dma_start3A_146 = tpu.memref_slice %arg14[%dma_start3A_144, %dma_start3A_145] : memref<10000x128xf32, #tpu.memory_space<vmem_shared>> -> memref<10000x128xf32, #tpu.memory_space<vmem_shared>>
    tpu.enqueue_indirect_dma source(%arg12 : memref<128x128xf32, #tpu.memory_space<vmem>>) target(%dma_start3A_146 : memref<10000x128xf32, #tpu.memory_space<vmem_shared>>) offsets(%dma_start3A_143 : memref<128xi32, #tpu.memory_space<vmem>>) semaphore(%arg21 : memref<!tpu.dma_semaphore, #tpu.memory_space<semaphore_mem>>) {add = true}
    %dma_start3A_147 = arith.constant 1 : i32
    %dma_start3A_148 = arith.constant 0 : i32
    %dma_start3A_149 = tpu.memref_slice %arg8[%dma_start3A_147, %dma_start3A_148] : memref<2x128xi32, #tpu.memory_space<vmem>> -> memref<1x128xi32, #tpu.memory_space<vmem>>
    %dma_start3A_150 = tpu.memref_squeeze %dma_start3A_149 : memref<1x128xi32, #tpu.memory_space<vmem>> -> memref<128xi32, #tpu.memory_space<vmem>>
    %dma_start3A_151 = arith.constant 0 : i32
    %dma_start3A_152 = tpu.memref_slice %arg26[%dma_start3A_151] : memref<10000xf32, #tpu.memory_space<vmem_shared>> -> memref<10000xf32, #tpu.memory_space<vmem_shared>>
    tpu.enqueue_indirect_dma source(%arg25 : memref<128xf32, #tpu.memory_space<vmem>>) target(%dma_start3A_152 : memref<10000xf32, #tpu.memory_space<vmem_shared>>) offsets(%dma_start3A_150 : memref<128xi32, #tpu.memory_space<vmem>>) semaphore(%arg21 : memref<!tpu.dma_semaphore, #tpu.memory_space<semaphore_mem>>) {add = true}
    %add3A_153 = arith.constant 96 : i32
    %add3A_154 = arith.addi %add3A, %add3A_153 : i32
    %min3A_155 = arith.constant 2499 : i32
    %min3A_156 = arith.minsi %add3A_154, %min3A_155 : i32
    %mul3A_157 = arith.constant 128 : i32
    %mul3A_158 = arith.muli %min3A_156, %mul3A_157 : i32
    %dma_start3A_159 = arith.constant 0 : i32
    %dma_start3A_160 = tpu.memref_slice %arg2[%dma_start3A_159, %mul3A_158] : memref<2x320000xi32, #tpu.memory_space<hbm>> -> memref<2x128xi32, #tpu.memory_space<hbm>>
    %dma_start3A_161 = arith.constant 0 : i32
    %dma_start3A_162 = tpu.memref_slice %arg2[%dma_start3A_161, %mul3A_158] : memref<2x320000xi32, #tpu.memory_space<hbm>> -> memref<2x128xi32, #tpu.memory_space<hbm>>
    tpu.enqueue_dma source(%dma_start3A_162 : memref<2x128xi32, #tpu.memory_space<hbm>>) target(%arg11 : memref<2x128xi32, #tpu.memory_space<vmem>>) target_semaphore(%arg18 : memref<!tpu.dma_semaphore, #tpu.memory_space<semaphore_mem>>)
    %scan3A_163 = arith.constant 0 : i32
    %scan3A_164 = arith.constant 0 : i32
    %scan3A_165 = arith.constant 19 : i32
    %scan3A_166 = arith.addi %scan3A_164, %scan3A_165 : i32
    %scan3A_167 = arith.constant 1 : i32
    scf.for %scan3A_250 = %scan3A_164 to %scan3A_166 step %scan3A_167  : i32 {
      %mul3A_251 = arith.constant 4 : i32
      %mul3A_252 = arith.muli %scan3A_250, %mul3A_251 : i32
      %add3A_253 = arith.constant 2 : i32
      %add3A_254 = arith.addi %mul3A_252, %add3A_253 : i32
      %add3A_255 = arith.constant 0 : i32
      %add3A_256 = arith.addi %add3A_254, %add3A_255 : i32
      %mul3A_257 = arith.constant 32 : i32
      %mul3A_258 = arith.muli %add3A_256, %mul3A_257 : i32
      %add3A_259 = arith.addi %add3A, %mul3A_258 : i32
      %min3A_260 = arith.constant 2499 : i32
      %min3A_261 = arith.minsi %add3A_259, %min3A_260 : i32
      %mul3A_262 = arith.constant 128 : i32
      %mul3A_263 = arith.muli %min3A_261, %mul3A_262 : i32
      %dma_wait3A_264 = arith.constant 0 : i32
      %dma_wait3A_265 = tpu.memref_slice %arg2[%dma_wait3A_264, %mul3A_263] : memref<2x320000xi32, #tpu.memory_space<hbm>> -> memref<2x128xi32, #tpu.memory_space<hbm>>
      %dma_wait3A_266 = arith.constant 0 : i32
      %dma_wait3A_267 = tpu.memref_slice %arg2[%dma_wait3A_266, %mul3A_263] : memref<2x320000xi32, #tpu.memory_space<hbm>> -> memref<2x128xi32, #tpu.memory_space<hbm>>
      tpu.wait_dma2 semaphore(%arg17 : memref<!tpu.dma_semaphore, #tpu.memory_space<semaphore_mem>>) src(%dma_wait3A_267 : memref<2x128xi32, #tpu.memory_space<hbm>>) dst(%arg10 : memref<2x128xi32, #tpu.memory_space<vmem>>)
      %dma_wait3A_268 = arith.constant 1 : i32
      %dma_wait3A_269 = arith.constant 0 : i32
      %dma_wait3A_270 = tpu.memref_slice %arg8[%dma_wait3A_268, %dma_wait3A_269] : memref<2x128xi32, #tpu.memory_space<vmem>> -> memref<1x128xi32, #tpu.memory_space<vmem>>
      %dma_wait3A_271 = tpu.memref_squeeze %dma_wait3A_270 : memref<1x128xi32, #tpu.memory_space<vmem>> -> memref<128xi32, #tpu.memory_space<vmem>>
      %dma_wait3A_272 = arith.constant 0 : i32
      %dma_wait3A_273 = arith.constant 0 : i32
      %dma_wait3A_274 = tpu.memref_slice %arg14[%dma_wait3A_272, %dma_wait3A_273] : memref<10000x128xf32, #tpu.memory_space<vmem_shared>> -> memref<10000x128xf32, #tpu.memory_space<vmem_shared>>
      tpu.wait_indirect_dma semaphore(%arg21 : memref<!tpu.dma_semaphore, #tpu.memory_space<semaphore_mem>>) src(%arg12 : memref<128x128xf32, #tpu.memory_space<vmem>>) dst(%dma_wait3A_274 : memref<10000x128xf32, #tpu.memory_space<vmem_shared>>)
      %dma_wait3A_275 = arith.constant 1 : i32
      %dma_wait3A_276 = arith.constant 0 : i32
      %dma_wait3A_277 = tpu.memref_slice %arg8[%dma_wait3A_275, %dma_wait3A_276] : memref<2x128xi32, #tpu.memory_space<vmem>> -> memref<1x128xi32, #tpu.memory_space<vmem>>
      %dma_wait3A_278 = tpu.memref_squeeze %dma_wait3A_277 : memref<1x128xi32, #tpu.memory_space<vmem>> -> memref<128xi32, #tpu.memory_space<vmem>>
      %dma_wait3A_279 = arith.constant 0 : i32
      %dma_wait3A_280 = tpu.memref_slice %arg26[%dma_wait3A_279] : memref<10000xf32, #tpu.memory_space<vmem_shared>> -> memref<10000xf32, #tpu.memory_space<vmem_shared>>
      tpu.wait_indirect_dma semaphore(%arg21 : memref<!tpu.dma_semaphore, #tpu.memory_space<semaphore_mem>>) src(%arg25 : memref<128xf32, #tpu.memory_space<vmem>>) dst(%dma_wait3A_280 : memref<10000xf32, #tpu.memory_space<vmem_shared>>)
      %dma_start3A_281 = arith.constant 0 : i32
      %dma_start3A_282 = arith.constant 0 : i32
      %dma_start3A_283 = tpu.memref_slice %arg10[%dma_start3A_281, %dma_start3A_282] : memref<2x128xi32, #tpu.memory_space<vmem>> -> memref<1x128xi32, #tpu.memory_space<vmem>>
      %dma_start3A_284 = tpu.memref_squeeze %dma_start3A_283 : memref<1x128xi32, #tpu.memory_space<vmem>> -> memref<128xi32, #tpu.memory_space<vmem>>
      %dma_start3A_285 = arith.constant 0 : i32
      %dma_start3A_286 = arith.constant 0 : i32
      %dma_start3A_287 = tpu.memref_slice %arg3[%dma_start3A_285, %dma_start3A_286] : memref<10000x128xf32, #tpu.memory_space<hbm>> -> memref<10000x128xf32, #tpu.memory_space<hbm>>
      tpu.enqueue_indirect_dma source(%dma_start3A_287 : memref<10000x128xf32, #tpu.memory_space<hbm>>) target(%arg12 : memref<128x128xf32, #tpu.memory_space<vmem>>) offsets(%dma_start3A_284 : memref<128xi32, #tpu.memory_space<vmem>>) semaphore(%arg19 : memref<!tpu.dma_semaphore, #tpu.memory_space<semaphore_mem>>)
      %dma_wait3A_288 = arith.constant 0 : i32
      %dma_wait3A_289 = arith.constant 0 : i32
      %dma_wait3A_290 = tpu.memref_slice %arg9[%dma_wait3A_288, %dma_wait3A_289] : memref<2x128xi32, #tpu.memory_space<vmem>> -> memref<1x128xi32, #tpu.memory_space<vmem>>
      %dma_wait3A_291 = tpu.memref_squeeze %dma_wait3A_290 : memref<1x128xi32, #tpu.memory_space<vmem>> -> memref<128xi32, #tpu.memory_space<vmem>>
      %dma_wait3A_292 = arith.constant 0 : i32
      %dma_wait3A_293 = arith.constant 0 : i32
      %dma_wait3A_294 = tpu.memref_slice %arg3[%dma_wait3A_292, %dma_wait3A_293] : memref<10000x128xf32, #tpu.memory_space<hbm>> -> memref<10000x128xf32, #tpu.memory_space<hbm>>
      tpu.wait_indirect_dma semaphore(%arg20 : memref<!tpu.dma_semaphore, #tpu.memory_space<semaphore_mem>>) src(%dma_wait3A_294 : memref<10000x128xf32, #tpu.memory_space<hbm>>) dst(%arg13 : memref<128x128xf32, #tpu.memory_space<vmem>>)
      %dma_start3A_295 = arith.constant 1 : i32
      %dma_start3A_296 = arith.constant 0 : i32
      %dma_start3A_297 = tpu.memref_slice %arg9[%dma_start3A_295, %dma_start3A_296] : memref<2x128xi32, #tpu.memory_space<vmem>> -> memref<1x128xi32, #tpu.memory_space<vmem>>
      %dma_start3A_298 = tpu.memref_squeeze %dma_start3A_297 : memref<1x128xi32, #tpu.memory_space<vmem>> -> memref<128xi32, #tpu.memory_space<vmem>>
      %dma_start3A_299 = arith.constant 0 : i32
      %dma_start3A_300 = arith.constant 0 : i32
      %dma_start3A_301 = tpu.memref_slice %arg14[%dma_start3A_299, %dma_start3A_300] : memref<10000x128xf32, #tpu.memory_space<vmem_shared>> -> memref<10000x128xf32, #tpu.memory_space<vmem_shared>>
      tpu.enqueue_indirect_dma source(%arg13 : memref<128x128xf32, #tpu.memory_space<vmem>>) target(%dma_start3A_301 : memref<10000x128xf32, #tpu.memory_space<vmem_shared>>) offsets(%dma_start3A_298 : memref<128xi32, #tpu.memory_space<vmem>>) semaphore(%arg22 : memref<!tpu.dma_semaphore, #tpu.memory_space<semaphore_mem>>) {add = true}
      %dma_start3A_302 = arith.constant 1 : i32
      %dma_start3A_303 = arith.constant 0 : i32
      %dma_start3A_304 = tpu.memref_slice %arg9[%dma_start3A_302, %dma_start3A_303] : memref<2x128xi32, #tpu.memory_space<vmem>> -> memref<1x128xi32, #tpu.memory_space<vmem>>
      %dma_start3A_305 = tpu.memref_squeeze %dma_start3A_304 : memref<1x128xi32, #tpu.memory_space<vmem>> -> memref<128xi32, #tpu.memory_space<vmem>>
      %dma_start3A_306 = arith.constant 0 : i32
      %dma_start3A_307 = tpu.memref_slice %arg26[%dma_start3A_306] : memref<10000xf32, #tpu.memory_space<vmem_shared>> -> memref<10000xf32, #tpu.memory_space<vmem_shared>>
      tpu.enqueue_indirect_dma source(%arg25 : memref<128xf32, #tpu.memory_space<vmem>>) target(%dma_start3A_307 : memref<10000xf32, #tpu.memory_space<vmem_shared>>) offsets(%dma_start3A_305 : memref<128xi32, #tpu.memory_space<vmem>>) semaphore(%arg22 : memref<!tpu.dma_semaphore, #tpu.memory_space<semaphore_mem>>) {add = true}
      %add3A_308 = arith.constant 2 : i32
      %add3A_309 = arith.addi %add3A_256, %add3A_308 : i32
      %mul3A_310 = arith.constant 32 : i32
      %mul3A_311 = arith.muli %add3A_309, %mul3A_310 : i32
      %add3A_312 = arith.addi %add3A, %mul3A_311 : i32
      %min3A_313 = arith.constant 2499 : i32
      %min3A_314 = arith.minsi %add3A_312, %min3A_313 : i32
      %mul3A_315 = arith.constant 128 : i32
      %mul3A_316 = arith.muli %min3A_314, %mul3A_315 : i32
      %dma_start3A_317 = arith.constant 0 : i32
      %dma_start3A_318 = tpu.memref_slice %arg2[%dma_start3A_317, %mul3A_316] : memref<2x320000xi32, #tpu.memory_space<hbm>> -> memref<2x128xi32, #tpu.memory_space<hbm>>
      %dma_start3A_319 = arith.constant 0 : i32
      %dma_start3A_320 = tpu.memref_slice %arg2[%dma_start3A_319, %mul3A_316] : memref<2x320000xi32, #tpu.memory_space<hbm>> -> memref<2x128xi32, #tpu.memory_space<hbm>>
      tpu.enqueue_dma source(%dma_start3A_320 : memref<2x128xi32, #tpu.memory_space<hbm>>) target(%arg8 : memref<2x128xi32, #tpu.memory_space<vmem>>) target_semaphore(%arg15 : memref<!tpu.dma_semaphore, #tpu.memory_space<semaphore_mem>>)
      %mul3A_321 = arith.constant 4 : i32
      %mul3A_322 = arith.muli %scan3A_250, %mul3A_321 : i32
      %add3A_323 = arith.constant 2 : i32
      %add3A_324 = arith.addi %mul3A_322, %add3A_323 : i32
      %add3A_325 = arith.constant 1 : i32
      %add3A_326 = arith.addi %add3A_324, %add3A_325 : i32
      %mul3A_327 = arith.constant 32 : i32
      %mul3A_328 = arith.muli %add3A_326, %mul3A_327 : i32
      %add3A_329 = arith.addi %add3A, %mul3A_328 : i32
      %min3A_330 = arith.constant 2499 : i32
      %min3A_331 = arith.minsi %add3A_329, %min3A_330 : i32
      %mul3A_332 = arith.constant 128 : i32
      %mul3A_333 = arith.muli %min3A_331, %mul3A_332 : i32
      %dma_wait3A_334 = arith.constant 0 : i32
      %dma_wait3A_335 = tpu.memref_slice %arg2[%dma_wait3A_334, %mul3A_333] : memref<2x320000xi32, #tpu.memory_space<hbm>> -> memref<2x128xi32, #tpu.memory_space<hbm>>
      %dma_wait3A_336 = arith.constant 0 : i32
      %dma_wait3A_337 = tpu.memref_slice %arg2[%dma_wait3A_336, %mul3A_333] : memref<2x320000xi32, #tpu.memory_space<hbm>> -> memref<2x128xi32, #tpu.memory_space<hbm>>
      tpu.wait_dma2 semaphore(%arg18 : memref<!tpu.dma_semaphore, #tpu.memory_space<semaphore_mem>>) src(%dma_wait3A_337 : memref<2x128xi32, #tpu.memory_space<hbm>>) dst(%arg11 : memref<2x128xi32, #tpu.memory_space<vmem>>)
      %dma_wait3A_338 = arith.constant 1 : i32
      %dma_wait3A_339 = arith.constant 0 : i32
      %dma_wait3A_340 = tpu.memref_slice %arg9[%dma_wait3A_338, %dma_wait3A_339] : memref<2x128xi32, #tpu.memory_space<vmem>> -> memref<1x128xi32, #tpu.memory_space<vmem>>
      %dma_wait3A_341 = tpu.memref_squeeze %dma_wait3A_340 : memref<1x128xi32, #tpu.memory_space<vmem>> -> memref<128xi32, #tpu.memory_space<vmem>>
      %dma_wait3A_342 = arith.constant 0 : i32
      %dma_wait3A_343 = arith.constant 0 : i32
      %dma_wait3A_344 = tpu.memref_slice %arg14[%dma_wait3A_342, %dma_wait3A_343] : memref<10000x128xf32, #tpu.memory_space<vmem_shared>> -> memref<10000x128xf32, #tpu.memory_space<vmem_shared>>
      tpu.wait_indirect_dma semaphore(%arg22 : memref<!tpu.dma_semaphore, #tpu.memory_space<semaphore_mem>>) src(%arg13 : memref<128x128xf32, #tpu.memory_space<vmem>>) dst(%dma_wait3A_344 : memref<10000x128xf32, #tpu.memory_space<vmem_shared>>)
      %dma_wait3A_345 = arith.constant 1 : i32
      %dma_wait3A_346 = arith.constant 0 : i32
      %dma_wait3A_347 = tpu.memref_slice %arg9[%dma_wait3A_345, %dma_wait3A_346] : memref<2x128xi32, #tpu.memory_space<vmem>> -> memref<1x128xi32, #tpu.memory_space<vmem>>
      %dma_wait3A_348 = tpu.memref_squeeze %dma_wait3A_347 : memref<1x128xi32, #tpu.memory_space<vmem>> -> memref<128xi32, #tpu.memory_space<vmem>>
      %dma_wait3A_349 = arith.constant 0 : i32
      %dma_wait3A_350 = tpu.memref_slice %arg26[%dma_wait3A_349] : memref<10000xf32, #tpu.memory_space<vmem_shared>> -> memref<10000xf32, #tpu.memory_space<vmem_shared>>
      tpu.wait_indirect_dma semaphore(%arg22 : memref<!tpu.dma_semaphore, #tpu.memory_space<semaphore_mem>>) src(%arg25 : memref<128xf32, #tpu.memory_space<vmem>>) dst(%dma_wait3A_350 : memref<10000xf32, #tpu.memory_space<vmem_shared>>)
      %dma_start3A_351 = arith.constant 0 : i32
      %dma_start3A_352 = arith.constant 0 : i32
      %dma_start3A_353 = tpu.memref_slice %arg11[%dma_start3A_351, %dma_start3A_352] : memref<2x128xi32, #tpu.memory_space<vmem>> -> memref<1x128xi32, #tpu.memory_space<vmem>>
      %dma_start3A_354 = tpu.memref_squeeze %dma_start3A_353 : memref<1x128xi32, #tpu.memory_space<vmem>> -> memref<128xi32, #tpu.memory_space<vmem>>
      %dma_start3A_355 = arith.constant 0 : i32
      %dma_start3A_356 = arith.constant 0 : i32
      %dma_start3A_357 = tpu.memref_slice %arg3[%dma_start3A_355, %dma_start3A_356] : memref<10000x128xf32, #tpu.memory_space<hbm>> -> memref<10000x128xf32, #tpu.memory_space<hbm>>
      tpu.enqueue_indirect_dma source(%dma_start3A_357 : memref<10000x128xf32, #tpu.memory_space<hbm>>) target(%arg13 : memref<128x128xf32, #tpu.memory_space<vmem>>) offsets(%dma_start3A_354 : memref<128xi32, #tpu.memory_space<vmem>>) semaphore(%arg20 : memref<!tpu.dma_semaphore, #tpu.memory_space<semaphore_mem>>)
      %dma_wait3A_358 = arith.constant 0 : i32
      %dma_wait3A_359 = arith.constant 0 : i32
      %dma_wait3A_360 = tpu.memref_slice %arg10[%dma_wait3A_358, %dma_wait3A_359] : memref<2x128xi32, #tpu.memory_space<vmem>> -> memref<1x128xi32, #tpu.memory_space<vmem>>
      %dma_wait3A_361 = tpu.memref_squeeze %dma_wait3A_360 : memref<1x128xi32, #tpu.memory_space<vmem>> -> memref<128xi32, #tpu.memory_space<vmem>>
      %dma_wait3A_362 = arith.constant 0 : i32
      %dma_wait3A_363 = arith.constant 0 : i32
      %dma_wait3A_364 = tpu.memref_slice %arg3[%dma_wait3A_362, %dma_wait3A_363] : memref<10000x128xf32, #tpu.memory_space<hbm>> -> memref<10000x128xf32, #tpu.memory_space<hbm>>
      tpu.wait_indirect_dma semaphore(%arg19 : memref<!tpu.dma_semaphore, #tpu.memory_space<semaphore_mem>>) src(%dma_wait3A_364 : memref<10000x128xf32, #tpu.memory_space<hbm>>) dst(%arg12 : memref<128x128xf32, #tpu.memory_space<vmem>>)
      %dma_start3A_365 = arith.constant 1 : i32
      %dma_start3A_366 = arith.constant 0 : i32
      %dma_start3A_367 = tpu.memref_slice %arg10[%dma_start3A_365, %dma_start3A_366] : memref<2x128xi32, #tpu.memory_space<vmem>> -> memref<1x128xi32, #tpu.memory_space<vmem>>
      %dma_start3A_368 = tpu.memref_squeeze %dma_start3A_367 : memref<1x128xi32, #tpu.memory_space<vmem>> -> memref<128xi32, #tpu.memory_space<vmem>>
      %dma_start3A_369 = arith.constant 0 : i32
      %dma_start3A_370 = arith.constant 0 : i32
      %dma_start3A_371 = tpu.memref_slice %arg14[%dma_start3A_369, %dma_start3A_370] : memref<10000x128xf32, #tpu.memory_space<vmem_shared>> -> memref<10000x128xf32, #tpu.memory_space<vmem_shared>>
      tpu.enqueue_indirect_dma source(%arg12 : memref<128x128xf32, #tpu.memory_space<vmem>>) target(%dma_start3A_371 : memref<10000x128xf32, #tpu.memory_space<vmem_shared>>) offsets(%dma_start3A_368 : memref<128xi32, #tpu.memory_space<vmem>>) semaphore(%arg23 : memref<!tpu.dma_semaphore, #tpu.memory_space<semaphore_mem>>) {add = true}
      %dma_start3A_372 = arith.constant 1 : i32
      %dma_start3A_373 = arith.constant 0 : i32
      %dma_start3A_374 = tpu.memref_slice %arg10[%dma_start3A_372, %dma_start3A_373] : memref<2x128xi32, #tpu.memory_space<vmem>> -> memref<1x128xi32, #tpu.memory_space<vmem>>
      %dma_start3A_375 = tpu.memref_squeeze %dma_start3A_374 : memref<1x128xi32, #tpu.memory_space<vmem>> -> memref<128xi32, #tpu.memory_space<vmem>>
      %dma_start3A_376 = arith.constant 0 : i32
      %dma_start3A_377 = tpu.memref_slice %arg26[%dma_start3A_376] : memref<10000xf32, #tpu.memory_space<vmem_shared>> -> memref<10000xf32, #tpu.memory_space<vmem_shared>>
      tpu.enqueue_indirect_dma source(%arg25 : memref<128xf32, #tpu.memory_space<vmem>>) target(%dma_start3A_377 : memref<10000xf32, #tpu.memory_space<vmem_shared>>) offsets(%dma_start3A_375 : memref<128xi32, #tpu.memory_space<vmem>>) semaphore(%arg23 : memref<!tpu.dma_semaphore, #tpu.memory_space<semaphore_mem>>) {add = true}
      %add3A_378 = arith.constant 2 : i32
      %add3A_379 = arith.addi %add3A_326, %add3A_378 : i32
      %mul3A_380 = arith.constant 32 : i32
      %mul3A_381 = arith.muli %add3A_379, %mul3A_380 : i32
      %add3A_382 = arith.addi %add3A, %mul3A_381 : i32
      %min3A_383 = arith.constant 2499 : i32
      %min3A_384 = arith.minsi %add3A_382, %min3A_383 : i32
      %mul3A_385 = arith.constant 128 : i32
      %mul3A_386 = arith.muli %min3A_384, %mul3A_385 : i32
      %dma_start3A_387 = arith.constant 0 : i32
      %dma_start3A_388 = tpu.memref_slice %arg2[%dma_start3A_387, %mul3A_386] : memref<2x320000xi32, #tpu.memory_space<hbm>> -> memref<2x128xi32, #tpu.memory_space<hbm>>
      %dma_start3A_389 = arith.constant 0 : i32
      %dma_start3A_390 = tpu.memref_slice %arg2[%dma_start3A_389, %mul3A_386] : memref<2x320000xi32, #tpu.memory_space<hbm>> -> memref<2x128xi32, #tpu.memory_space<hbm>>
      tpu.enqueue_dma source(%dma_start3A_390 : memref<2x128xi32, #tpu.memory_space<hbm>>) target(%arg9 : memref<2x128xi32, #tpu.memory_space<vmem>>) target_semaphore(%arg16 : memref<!tpu.dma_semaphore, #tpu.memory_space<semaphore_mem>>)
      %mul3A_391 = arith.constant 4 : i32
      %mul3A_392 = arith.muli %scan3A_250, %mul3A_391 : i32
      %add3A_393 = arith.constant 2 : i32
      %add3A_394 = arith.addi %mul3A_392, %add3A_393 : i32
      %add3A_395 = arith.constant 2 : i32
      %add3A_396 = arith.addi %add3A_394, %add3A_395 : i32
      %mul3A_397 = arith.constant 32 : i32
      %mul3A_398 = arith.muli %add3A_396, %mul3A_397 : i32
      %add3A_399 = arith.addi %add3A, %mul3A_398 : i32
      %min3A_400 = arith.constant 2499 : i32
      %min3A_401 = arith.minsi %add3A_399, %min3A_400 : i32
      %mul3A_402 = arith.constant 128 : i32
      %mul3A_403 = arith.muli %min3A_401, %mul3A_402 : i32
      %dma_wait3A_404 = arith.constant 0 : i32
      %dma_wait3A_405 = tpu.memref_slice %arg2[%dma_wait3A_404, %mul3A_403] : memref<2x320000xi32, #tpu.memory_space<hbm>> -> memref<2x128xi32, #tpu.memory_space<hbm>>
      %dma_wait3A_406 = arith.constant 0 : i32
      %dma_wait3A_407 = tpu.memref_slice %arg2[%dma_wait3A_406, %mul3A_403] : memref<2x320000xi32, #tpu.memory_space<hbm>> -> memref<2x128xi32, #tpu.memory_space<hbm>>
      tpu.wait_dma2 semaphore(%arg15 : memref<!tpu.dma_semaphore, #tpu.memory_space<semaphore_mem>>) src(%dma_wait3A_407 : memref<2x128xi32, #tpu.memory_space<hbm>>) dst(%arg8 : memref<2x128xi32, #tpu.memory_space<vmem>>)
      %dma_wait3A_408 = arith.constant 1 : i32
      %dma_wait3A_409 = arith.constant 0 : i32
      %dma_wait3A_410 = tpu.memref_slice %arg10[%dma_wait3A_408, %dma_wait3A_409] : memref<2x128xi32, #tpu.memory_space<vmem>> -> memref<1x128xi32, #tpu.memory_space<vmem>>
      %dma_wait3A_411 = tpu.memref_squeeze %dma_wait3A_410 : memref<1x128xi32, #tpu.memory_space<vmem>> -> memref<128xi32, #tpu.memory_space<vmem>>
      %dma_wait3A_412 = arith.constant 0 : i32
      %dma_wait3A_413 = arith.constant 0 : i32
      %dma_wait3A_414 = tpu.memref_slice %arg14[%dma_wait3A_412, %dma_wait3A_413] : memref<10000x128xf32, #tpu.memory_space<vmem_shared>> -> memref<10000x128xf32, #tpu.memory_space<vmem_shared>>
      tpu.wait_indirect_dma semaphore(%arg23 : memref<!tpu.dma_semaphore, #tpu.memory_space<semaphore_mem>>) src(%arg12 : memref<128x128xf32, #tpu.memory_space<vmem>>) dst(%dma_wait3A_414 : memref<10000x128xf32, #tpu.memory_space<vmem_shared>>)
      %dma_wait3A_415 = arith.constant 1 : i32
      %dma_wait3A_416 = arith.constant 0 : i32
      %dma_wait3A_417 = tpu.memref_slice %arg10[%dma_wait3A_415, %dma_wait3A_416] : memref<2x128xi32, #tpu.memory_space<vmem>> -> memref<1x128xi32, #tpu.memory_space<vmem>>
      %dma_wait3A_418 = tpu.memref_squeeze %dma_wait3A_417 : memref<1x128xi32, #tpu.memory_space<vmem>> -> memref<128xi32, #tpu.memory_space<vmem>>
      %dma_wait3A_419 = arith.constant 0 : i32
      %dma_wait3A_420 = tpu.memref_slice %arg26[%dma_wait3A_419] : memref<10000xf32, #tpu.memory_space<vmem_shared>> -> memref<10000xf32, #tpu.memory_space<vmem_shared>>
      tpu.wait_indirect_dma semaphore(%arg23 : memref<!tpu.dma_semaphore, #tpu.memory_space<semaphore_mem>>) src(%arg25 : memref<128xf32, #tpu.memory_space<vmem>>) dst(%dma_wait3A_420 : memref<10000xf32, #tpu.memory_space<vmem_shared>>)
      %dma_start3A_421 = arith.constant 0 : i32
      %dma_start3A_422 = arith.constant 0 : i32
      %dma_start3A_423 = tpu.memref_slice %arg8[%dma_start3A_421, %dma_start3A_422] : memref<2x128xi32, #tpu.memory_space<vmem>> -> memref<1x128xi32, #tpu.memory_space<vmem>>
      %dma_start3A_424 = tpu.memref_squeeze %dma_start3A_423 : memref<1x128xi32, #tpu.memory_space<vmem>> -> memref<128xi32, #tpu.memory_space<vmem>>
      %dma_start3A_425 = arith.constant 0 : i32
      %dma_start3A_426 = arith.constant 0 : i32
      %dma_start3A_427 = tpu.memref_slice %arg3[%dma_start3A_425, %dma_start3A_426] : memref<10000x128xf32, #tpu.memory_space<hbm>> -> memref<10000x128xf32, #tpu.memory_space<hbm>>
      tpu.enqueue_indirect_dma source(%dma_start3A_427 : memref<10000x128xf32, #tpu.memory_space<hbm>>) target(%arg12 : memref<128x128xf32, #tpu.memory_space<vmem>>) offsets(%dma_start3A_424 : memref<128xi32, #tpu.memory_space<vmem>>) semaphore(%arg19 : memref<!tpu.dma_semaphore, #tpu.memory_space<semaphore_mem>>)
      %dma_wait3A_428 = arith.constant 0 : i32
      %dma_wait3A_429 = arith.constant 0 : i32
      %dma_wait3A_430 = tpu.memref_slice %arg11[%dma_wait3A_428, %dma_wait3A_429] : memref<2x128xi32, #tpu.memory_space<vmem>> -> memref<1x128xi32, #tpu.memory_space<vmem>>
      %dma_wait3A_431 = tpu.memref_squeeze %dma_wait3A_430 : memref<1x128xi32, #tpu.memory_space<vmem>> -> memref<128xi32, #tpu.memory_space<vmem>>
      %dma_wait3A_432 = arith.constant 0 : i32
      %dma_wait3A_433 = arith.constant 0 : i32
      %dma_wait3A_434 = tpu.memref_slice %arg3[%dma_wait3A_432, %dma_wait3A_433] : memref<10000x128xf32, #tpu.memory_space<hbm>> -> memref<10000x128xf32, #tpu.memory_space<hbm>>
      tpu.wait_indirect_dma semaphore(%arg20 : memref<!tpu.dma_semaphore, #tpu.memory_space<semaphore_mem>>) src(%dma_wait3A_434 : memref<10000x128xf32, #tpu.memory_space<hbm>>) dst(%arg13 : memref<128x128xf32, #tpu.memory_space<vmem>>)
      %dma_start3A_435 = arith.constant 1 : i32
      %dma_start3A_436 = arith.constant 0 : i32
      %dma_start3A_437 = tpu.memref_slice %arg11[%dma_start3A_435, %dma_start3A_436] : memref<2x128xi32, #tpu.memory_space<vmem>> -> memref<1x128xi32, #tpu.memory_space<vmem>>
      %dma_start3A_438 = tpu.memref_squeeze %dma_start3A_437 : memref<1x128xi32, #tpu.memory_space<vmem>> -> memref<128xi32, #tpu.memory_space<vmem>>
      %dma_start3A_439 = arith.constant 0 : i32
      %dma_start3A_440 = arith.constant 0 : i32
      %dma_start3A_441 = tpu.memref_slice %arg14[%dma_start3A_439, %dma_start3A_440] : memref<10000x128xf32, #tpu.memory_space<vmem_shared>> -> memref<10000x128xf32, #tpu.memory_space<vmem_shared>>
      tpu.enqueue_indirect_dma source(%arg13 : memref<128x128xf32, #tpu.memory_space<vmem>>) target(%dma_start3A_441 : memref<10000x128xf32, #tpu.memory_space<vmem_shared>>) offsets(%dma_start3A_438 : memref<128xi32, #tpu.memory_space<vmem>>) semaphore(%arg24 : memref<!tpu.dma_semaphore, #tpu.memory_space<semaphore_mem>>) {add = true}
      %dma_start3A_442 = arith.constant 1 : i32
      %dma_start3A_443 = arith.constant 0 : i32
      %dma_start3A_444 = tpu.memref_slice %arg11[%dma_start3A_442, %dma_start3A_443] : memref<2x128xi32, #tpu.memory_space<vmem>> -> memref<1x128xi32, #tpu.memory_space<vmem>>
      %dma_start3A_445 = tpu.memref_squeeze %dma_start3A_444 : memref<1x128xi32, #tpu.memory_space<vmem>> -> memref<128xi32, #tpu.memory_space<vmem>>
      %dma_start3A_446 = arith.constant 0 : i32
      %dma_start3A_447 = tpu.memref_slice %arg26[%dma_start3A_446] : memref<10000xf32, #tpu.memory_space<vmem_shared>> -> memref<10000xf32, #tpu.memory_space<vmem_shared>>
      tpu.enqueue_indirect_dma source(%arg25 : memref<128xf32, #tpu.memory_space<vmem>>) target(%dma_start3A_447 : memref<10000xf32, #tpu.memory_space<vmem_shared>>) offsets(%dma_start3A_445 : memref<128xi32, #tpu.memory_space<vmem>>) semaphore(%arg24 : memref<!tpu.dma_semaphore, #tpu.memory_space<semaphore_mem>>) {add = true}
      %add3A_448 = arith.constant 2 : i32
      %add3A_449 = arith.addi %add3A_396, %add3A_448 : i32
      %mul3A_450 = arith.constant 32 : i32
      %mul3A_451 = arith.muli %add3A_449, %mul3A_450 : i32
      %add3A_452 = arith.addi %add3A, %mul3A_451 : i32
      %min3A_453 = arith.constant 2499 : i32
      %min3A_454 = arith.minsi %add3A_452, %min3A_453 : i32
      %mul3A_455 = arith.constant 128 : i32
      %mul3A_456 = arith.muli %min3A_454, %mul3A_455 : i32
      %dma_start3A_457 = arith.constant 0 : i32
      %dma_start3A_458 = tpu.memref_slice %arg2[%dma_start3A_457, %mul3A_456] : memref<2x320000xi32, #tpu.memory_space<hbm>> -> memref<2x128xi32, #tpu.memory_space<hbm>>
      %dma_start3A_459 = arith.constant 0 : i32
      %dma_start3A_460 = tpu.memref_slice %arg2[%dma_start3A_459, %mul3A_456] : memref<2x320000xi32, #tpu.memory_space<hbm>> -> memref<2x128xi32, #tpu.memory_space<hbm>>
      tpu.enqueue_dma source(%dma_start3A_460 : memref<2x128xi32, #tpu.memory_space<hbm>>) target(%arg10 : memref<2x128xi32, #tpu.memory_space<vmem>>) target_semaphore(%arg17 : memref<!tpu.dma_semaphore, #tpu.memory_space<semaphore_mem>>)
      %mul3A_461 = arith.constant 4 : i32
      %mul3A_462 = arith.muli %scan3A_250, %mul3A_461 : i32
      %add3A_463 = arith.constant 2 : i32
      %add3A_464 = arith.addi %mul3A_462, %add3A_463 : i32
      %add3A_465 = arith.constant 3 : i32
      %add3A_466 = arith.addi %add3A_464, %add3A_465 : i32
      %mul3A_467 = arith.constant 32 : i32
      %mul3A_468 = arith.muli %add3A_466, %mul3A_467 : i32
      %add3A_469 = arith.addi %add3A, %mul3A_468 : i32
      %min3A_470 = arith.constant 2499 : i32
      %min3A_471 = arith.minsi %add3A_469, %min3A_470 : i32
      %mul3A_472 = arith.constant 128 : i32
      %mul3A_473 = arith.muli %min3A_471, %mul3A_472 : i32
      %dma_wait3A_474 = arith.constant 0 : i32
      %dma_wait3A_475 = tpu.memref_slice %arg2[%dma_wait3A_474, %mul3A_473] : memref<2x320000xi32, #tpu.memory_space<hbm>> -> memref<2x128xi32, #tpu.memory_space<hbm>>
      %dma_wait3A_476 = arith.constant 0 : i32
      %dma_wait3A_477 = tpu.memref_slice %arg2[%dma_wait3A_476, %mul3A_473] : memref<2x320000xi32, #tpu.memory_space<hbm>> -> memref<2x128xi32, #tpu.memory_space<hbm>>
      tpu.wait_dma2 semaphore(%arg16 : memref<!tpu.dma_semaphore, #tpu.memory_space<semaphore_mem>>) src(%dma_wait3A_477 : memref<2x128xi32, #tpu.memory_space<hbm>>) dst(%arg9 : memref<2x128xi32, #tpu.memory_space<vmem>>)
      %dma_wait3A_478 = arith.constant 1 : i32
      %dma_wait3A_479 = arith.constant 0 : i32
      %dma_wait3A_480 = tpu.memref_slice %arg11[%dma_wait3A_478, %dma_wait3A_479] : memref<2x128xi32, #tpu.memory_space<vmem>> -> memref<1x128xi32, #tpu.memory_space<vmem>>
      %dma_wait3A_481 = tpu.memref_squeeze %dma_wait3A_480 : memref<1x128xi32, #tpu.memory_space<vmem>> -> memref<128xi32, #tpu.memory_space<vmem>>
      %dma_wait3A_482 = arith.constant 0 : i32
      %dma_wait3A_483 = arith.constant 0 : i32
      %dma_wait3A_484 = tpu.memref_slice %arg14[%dma_wait3A_482, %dma_wait3A_483] : memref<10000x128xf32, #tpu.memory_space<vmem_shared>> -> memref<10000x128xf32, #tpu.memory_space<vmem_shared>>
      tpu.wait_indirect_dma semaphore(%arg24 : memref<!tpu.dma_semaphore, #tpu.memory_space<semaphore_mem>>) src(%arg13 : memref<128x128xf32, #tpu.memory_space<vmem>>) dst(%dma_wait3A_484 : memref<10000x128xf32, #tpu.memory_space<vmem_shared>>)
      %dma_wait3A_485 = arith.constant 1 : i32
      %dma_wait3A_486 = arith.constant 0 : i32
      %dma_wait3A_487 = tpu.memref_slice %arg11[%dma_wait3A_485, %dma_wait3A_486] : memref<2x128xi32, #tpu.memory_space<vmem>> -> memref<1x128xi32, #tpu.memory_space<vmem>>
      %dma_wait3A_488 = tpu.memref_squeeze %dma_wait3A_487 : memref<1x128xi32, #tpu.memory_space<vmem>> -> memref<128xi32, #tpu.memory_space<vmem>>
      %dma_wait3A_489 = arith.constant 0 : i32
      %dma_wait3A_490 = tpu.memref_slice %arg26[%dma_wait3A_489] : memref<10000xf32, #tpu.memory_space<vmem_shared>> -> memref<10000xf32, #tpu.memory_space<vmem_shared>>
      tpu.wait_indirect_dma semaphore(%arg24 : memref<!tpu.dma_semaphore, #tpu.memory_space<semaphore_mem>>) src(%arg25 : memref<128xf32, #tpu.memory_space<vmem>>) dst(%dma_wait3A_490 : memref<10000xf32, #tpu.memory_space<vmem_shared>>)
      %dma_start3A_491 = arith.constant 0 : i32
      %dma_start3A_492 = arith.constant 0 : i32
      %dma_start3A_493 = tpu.memref_slice %arg9[%dma_start3A_491, %dma_start3A_492] : memref<2x128xi32, #tpu.memory_space<vmem>> -> memref<1x128xi32, #tpu.memory_space<vmem>>
      %dma_start3A_494 = tpu.memref_squeeze %dma_start3A_493 : memref<1x128xi32, #tpu.memory_space<vmem>> -> memref<128xi32, #tpu.memory_space<vmem>>
      %dma_start3A_495 = arith.constant 0 : i32
      %dma_start3A_496 = arith.constant 0 : i32
      %dma_start3A_497 = tpu.memref_slice %arg3[%dma_start3A_495, %dma_start3A_496] : memref<10000x128xf32, #tpu.memory_space<hbm>> -> memref<10000x128xf32, #tpu.memory_space<hbm>>
      tpu.enqueue_indirect_dma source(%dma_start3A_497 : memref<10000x128xf32, #tpu.memory_space<hbm>>) target(%arg13 : memref<128x128xf32, #tpu.memory_space<vmem>>) offsets(%dma_start3A_494 : memref<128xi32, #tpu.memory_space<vmem>>) semaphore(%arg20 : memref<!tpu.dma_semaphore, #tpu.memory_space<semaphore_mem>>)
      %dma_wait3A_498 = arith.constant 0 : i32
      %dma_wait3A_499 = arith.constant 0 : i32
      %dma_wait3A_500 = tpu.memref_slice %arg8[%dma_wait3A_498, %dma_wait3A_499] : memref<2x128xi32, #tpu.memory_space<vmem>> -> memref<1x128xi32, #tpu.memory_space<vmem>>
      %dma_wait3A_501 = tpu.memref_squeeze %dma_wait3A_500 : memref<1x128xi32, #tpu.memory_space<vmem>> -> memref<128xi32, #tpu.memory_space<vmem>>
      %dma_wait3A_502 = arith.constant 0 : i32
      %dma_wait3A_503 = arith.constant 0 : i32
      %dma_wait3A_504 = tpu.memref_slice %arg3[%dma_wait3A_502, %dma_wait3A_503] : memref<10000x128xf32, #tpu.memory_space<hbm>> -> memref<10000x128xf32, #tpu.memory_space<hbm>>
      tpu.wait_indirect_dma semaphore(%arg19 : memref<!tpu.dma_semaphore, #tpu.memory_space<semaphore_mem>>) src(%dma_wait3A_504 : memref<10000x128xf32, #tpu.memory_space<hbm>>) dst(%arg12 : memref<128x128xf32, #tpu.memory_space<vmem>>)
      %dma_start3A_505 = arith.constant 1 : i32
      %dma_start3A_506 = arith.constant 0 : i32
      %dma_start3A_507 = tpu.memref_slice %arg8[%dma_start3A_505, %dma_start3A_506] : memref<2x128xi32, #tpu.memory_space<vmem>> -> memref<1x128xi32, #tpu.memory_space<vmem>>
      %dma_start3A_508 = tpu.memref_squeeze %dma_start3A_507 : memref<1x128xi32, #tpu.memory_space<vmem>> -> memref<128xi32, #tpu.memory_space<vmem>>
      %dma_start3A_509 = arith.constant 0 : i32
      %dma_start3A_510 = arith.constant 0 : i32
      %dma_start3A_511 = tpu.memref_slice %arg14[%dma_start3A_509, %dma_start3A_510] : memref<10000x128xf32, #tpu.memory_space<vmem_shared>> -> memref<10000x128xf32, #tpu.memory_space<vmem_shared>>
      tpu.enqueue_indirect_dma source(%arg12 : memref<128x128xf32, #tpu.memory_space<vmem>>) target(%dma_start3A_511 : memref<10000x128xf32, #tpu.memory_space<vmem_shared>>) offsets(%dma_start3A_508 : memref<128xi32, #tpu.memory_space<vmem>>) semaphore(%arg21 : memref<!tpu.dma_semaphore, #tpu.memory_space<semaphore_mem>>) {add = true}
      %dma_start3A_512 = arith.constant 1 : i32
      %dma_start3A_513 = arith.constant 0 : i32
      %dma_start3A_514 = tpu.memref_slice %arg8[%dma_start3A_512, %dma_start3A_513] : memref<2x128xi32, #tpu.memory_space<vmem>> -> memref<1x128xi32, #tpu.memory_space<vmem>>
      %dma_start3A_515 = tpu.memref_squeeze %dma_start3A_514 : memref<1x128xi32, #tpu.memory_space<vmem>> -> memref<128xi32, #tpu.memory_space<vmem>>
      %dma_start3A_516 = arith.constant 0 : i32
      %dma_start3A_517 = tpu.memref_slice %arg26[%dma_start3A_516] : memref<10000xf32, #tpu.memory_space<vmem_shared>> -> memref<10000xf32, #tpu.memory_space<vmem_shared>>
      tpu.enqueue_indirect_dma source(%arg25 : memref<128xf32, #tpu.memory_space<vmem>>) target(%dma_start3A_517 : memref<10000xf32, #tpu.memory_space<vmem_shared>>) offsets(%dma_start3A_515 : memref<128xi32, #tpu.memory_space<vmem>>) semaphore(%arg21 : memref<!tpu.dma_semaphore, #tpu.memory_space<semaphore_mem>>) {add = true}
      %add3A_518 = arith.constant 2 : i32
      %add3A_519 = arith.addi %add3A_466, %add3A_518 : i32
      %mul3A_520 = arith.constant 32 : i32
      %mul3A_521 = arith.muli %add3A_519, %mul3A_520 : i32
      %add3A_522 = arith.addi %add3A, %mul3A_521 : i32
      %min3A_523 = arith.constant 2499 : i32
      %min3A_524 = arith.minsi %add3A_522, %min3A_523 : i32
      %mul3A_525 = arith.constant 128 : i32
      %mul3A_526 = arith.muli %min3A_524, %mul3A_525 : i32
      %dma_start3A_527 = arith.constant 0 : i32
      %dma_start3A_528 = tpu.memref_slice %arg2[%dma_start3A_527, %mul3A_526] : memref<2x320000xi32, #tpu.memory_space<hbm>> -> memref<2x128xi32, #tpu.memory_space<hbm>>
      %dma_start3A_529 = arith.constant 0 : i32
      %dma_start3A_530 = tpu.memref_slice %arg2[%dma_start3A_529, %mul3A_526] : memref<2x320000xi32, #tpu.memory_space<hbm>> -> memref<2x128xi32, #tpu.memory_space<hbm>>
      tpu.enqueue_dma source(%dma_start3A_530 : memref<2x128xi32, #tpu.memory_space<hbm>>) target(%arg11 : memref<2x128xi32, #tpu.memory_space<vmem>>) target_semaphore(%arg18 : memref<!tpu.dma_semaphore, #tpu.memory_space<semaphore_mem>>)
    }
    %scan3A_168 = arith.constant 19 : i32
    %dma_wait3A_169 = arith.constant 0 : i32
    %dma_wait3A_170 = arith.constant 0 : i32
    %dma_wait3A_171 = tpu.memref_slice %arg9[%dma_wait3A_169, %dma_wait3A_170] : memref<2x128xi32, #tpu.memory_space<vmem>> -> memref<1x128xi32, #tpu.memory_space<vmem>>
    %dma_wait3A_172 = tpu.memref_squeeze %dma_wait3A_171 : memref<1x128xi32, #tpu.memory_space<vmem>> -> memref<128xi32, #tpu.memory_space<vmem>>
    %dma_wait3A_173 = arith.constant 0 : i32
    %dma_wait3A_174 = arith.constant 0 : i32
    %dma_wait3A_175 = tpu.memref_slice %arg3[%dma_wait3A_173, %dma_wait3A_174] : memref<10000x128xf32, #tpu.memory_space<hbm>> -> memref<10000x128xf32, #tpu.memory_space<hbm>>
    tpu.wait_indirect_dma semaphore(%arg20 : memref<!tpu.dma_semaphore, #tpu.memory_space<semaphore_mem>>) src(%dma_wait3A_175 : memref<10000x128xf32, #tpu.memory_space<hbm>>) dst(%arg13 : memref<128x128xf32, #tpu.memory_space<vmem>>)
    %dma_start3A_176 = arith.constant 1 : i32
    %dma_start3A_177 = arith.constant 0 : i32
    %dma_start3A_178 = tpu.memref_slice %arg9[%dma_start3A_176, %dma_start3A_177] : memref<2x128xi32, #tpu.memory_space<vmem>> -> memref<1x128xi32, #tpu.memory_space<vmem>>
    %dma_start3A_179 = tpu.memref_squeeze %dma_start3A_178 : memref<1x128xi32, #tpu.memory_space<vmem>> -> memref<128xi32, #tpu.memory_space<vmem>>
    %dma_start3A_180 = arith.constant 0 : i32
    %dma_start3A_181 = arith.constant 0 : i32
    %dma_start3A_182 = tpu.memref_slice %arg14[%dma_start3A_180, %dma_start3A_181] : memref<10000x128xf32, #tpu.memory_space<vmem_shared>> -> memref<10000x128xf32, #tpu.memory_space<vmem_shared>>
    tpu.enqueue_indirect_dma source(%arg13 : memref<128x128xf32, #tpu.memory_space<vmem>>) target(%dma_start3A_182 : memref<10000x128xf32, #tpu.memory_space<vmem_shared>>) offsets(%dma_start3A_179 : memref<128xi32, #tpu.memory_space<vmem>>) semaphore(%arg22 : memref<!tpu.dma_semaphore, #tpu.memory_space<semaphore_mem>>) {add = true}
    %dma_start3A_183 = arith.constant 1 : i32
    %dma_start3A_184 = arith.constant 0 : i32
    %dma_start3A_185 = tpu.memref_slice %arg9[%dma_start3A_183, %dma_start3A_184] : memref<2x128xi32, #tpu.memory_space<vmem>> -> memref<1x128xi32, #tpu.memory_space<vmem>>
    %dma_start3A_186 = tpu.memref_squeeze %dma_start3A_185 : memref<1x128xi32, #tpu.memory_space<vmem>> -> memref<128xi32, #tpu.memory_space<vmem>>
    %dma_start3A_187 = arith.constant 0 : i32
    %dma_start3A_188 = tpu.memref_slice %arg26[%dma_start3A_187] : memref<10000xf32, #tpu.memory_space<vmem_shared>> -> memref<10000xf32, #tpu.memory_space<vmem_shared>>
    tpu.enqueue_indirect_dma source(%arg25 : memref<128xf32, #tpu.memory_space<vmem>>) target(%dma_start3A_188 : memref<10000xf32, #tpu.memory_space<vmem_shared>>) offsets(%dma_start3A_186 : memref<128xi32, #tpu.memory_space<vmem>>) semaphore(%arg22 : memref<!tpu.dma_semaphore, #tpu.memory_space<semaphore_mem>>) {add = true}
    %add3A_189 = arith.constant 2496 : i32
    %add3A_190 = arith.addi %add3A, %add3A_189 : i32
    %min3A_191 = arith.constant 2499 : i32
    %min3A_192 = arith.minsi %add3A_190, %min3A_191 : i32
    %mul3A_193 = arith.constant 128 : i32
    %mul3A_194 = arith.muli %min3A_192, %mul3A_193 : i32
    %dma_wait3A_195 = arith.constant 0 : i32
    %dma_wait3A_196 = tpu.memref_slice %arg2[%dma_wait3A_195, %mul3A_194] : memref<2x320000xi32, #tpu.memory_space<hbm>> -> memref<2x128xi32, #tpu.memory_space<hbm>>
    %dma_wait3A_197 = arith.constant 0 : i32
    %dma_wait3A_198 = tpu.memref_slice %arg2[%dma_wait3A_197, %mul3A_194] : memref<2x320000xi32, #tpu.memory_space<hbm>> -> memref<2x128xi32, #tpu.memory_space<hbm>>
    tpu.wait_dma2 semaphore(%arg17 : memref<!tpu.dma_semaphore, #tpu.memory_space<semaphore_mem>>) src(%dma_wait3A_198 : memref<2x128xi32, #tpu.memory_space<hbm>>) dst(%arg10 : memref<2x128xi32, #tpu.memory_space<vmem>>)
    %add3A_199 = arith.constant 2528 : i32
    %add3A_200 = arith.addi %add3A, %add3A_199 : i32
    %min3A_201 = arith.constant 2499 : i32
    %min3A_202 = arith.minsi %add3A_200, %min3A_201 : i32
    %mul3A_203 = arith.constant 128 : i32
    %mul3A_204 = arith.muli %min3A_202, %mul3A_203 : i32
    %dma_wait3A_205 = arith.constant 0 : i32
    %dma_wait3A_206 = tpu.memref_slice %arg2[%dma_wait3A_205, %mul3A_204] : memref<2x320000xi32, #tpu.memory_space<hbm>> -> memref<2x128xi32, #tpu.memory_space<hbm>>
    %dma_wait3A_207 = arith.constant 0 : i32
    %dma_wait3A_208 = tpu.memref_slice %arg2[%dma_wait3A_207, %mul3A_204] : memref<2x320000xi32, #tpu.memory_space<hbm>> -> memref<2x128xi32, #tpu.memory_space<hbm>>
    tpu.wait_dma2 semaphore(%arg18 : memref<!tpu.dma_semaphore, #tpu.memory_space<semaphore_mem>>) src(%dma_wait3A_208 : memref<2x128xi32, #tpu.memory_space<hbm>>) dst(%arg11 : memref<2x128xi32, #tpu.memory_space<vmem>>)
    %dma_wait3A_209 = arith.constant 1 : i32
    %dma_wait3A_210 = arith.constant 0 : i32
    %dma_wait3A_211 = tpu.memref_slice %arg8[%dma_wait3A_209, %dma_wait3A_210] : memref<2x128xi32, #tpu.memory_space<vmem>> -> memref<1x128xi32, #tpu.memory_space<vmem>>
    %dma_wait3A_212 = tpu.memref_squeeze %dma_wait3A_211 : memref<1x128xi32, #tpu.memory_space<vmem>> -> memref<128xi32, #tpu.memory_space<vmem>>
    %dma_wait3A_213 = arith.constant 0 : i32
    %dma_wait3A_214 = arith.constant 0 : i32
    %dma_wait3A_215 = tpu.memref_slice %arg14[%dma_wait3A_213, %dma_wait3A_214] : memref<10000x128xf32, #tpu.memory_space<vmem_shared>> -> memref<10000x128xf32, #tpu.memory_space<vmem_shared>>
    tpu.wait_indirect_dma semaphore(%arg21 : memref<!tpu.dma_semaphore, #tpu.memory_space<semaphore_mem>>) src(%arg12 : memref<128x128xf32, #tpu.memory_space<vmem>>) dst(%dma_wait3A_215 : memref<10000x128xf32, #tpu.memory_space<vmem_shared>>)
    %dma_wait3A_216 = arith.constant 1 : i32
    %dma_wait3A_217 = arith.constant 0 : i32
    %dma_wait3A_218 = tpu.memref_slice %arg8[%dma_wait3A_216, %dma_wait3A_217] : memref<2x128xi32, #tpu.memory_space<vmem>> -> memref<1x128xi32, #tpu.memory_space<vmem>>
    %dma_wait3A_219 = tpu.memref_squeeze %dma_wait3A_218 : memref<1x128xi32, #tpu.memory_space<vmem>> -> memref<128xi32, #tpu.memory_space<vmem>>
    %dma_wait3A_220 = arith.constant 0 : i32
    %dma_wait3A_221 = tpu.memref_slice %arg26[%dma_wait3A_220] : memref<10000xf32, #tpu.memory_space<vmem_shared>> -> memref<10000xf32, #tpu.memory_space<vmem_shared>>
    tpu.wait_indirect_dma semaphore(%arg21 : memref<!tpu.dma_semaphore, #tpu.memory_space<semaphore_mem>>) src(%arg25 : memref<128xf32, #tpu.memory_space<vmem>>) dst(%dma_wait3A_221 : memref<10000xf32, #tpu.memory_space<vmem_shared>>)
    %lt3A = arith.constant 4 : i32
    %lt3A_222 = arith.cmpi slt, %add3A, %lt3A : i32
    %convert_element_type3A_223 = arith.extui %lt3A_222 : i1 to i32
    %cond3A_224 = arith.constant 0 : i32
    %cond3A_225 = arith.cmpi ne, %convert_element_type3A_223, %cond3A_224 : i32
    scf.if %cond3A_225 {
      %dma_start3A_250 = arith.constant 0 : i32
      %dma_start3A_251 = arith.constant 0 : i32
      %dma_start3A_252 = tpu.memref_slice %arg10[%dma_start3A_250, %dma_start3A_251] : memref<2x128xi32, #tpu.memory_space<vmem>> -> memref<1x128xi32, #tpu.memory_space<vmem>>
      %dma_start3A_253 = tpu.memref_squeeze %dma_start3A_252 : memref<1x128xi32, #tpu.memory_space<vmem>> -> memref<128xi32, #tpu.memory_space<vmem>>
      %dma_start3A_254 = arith.constant 0 : i32
      %dma_start3A_255 = arith.constant 0 : i32
      %dma_start3A_256 = tpu.memref_slice %arg3[%dma_start3A_254, %dma_start3A_255] : memref<10000x128xf32, #tpu.memory_space<hbm>> -> memref<10000x128xf32, #tpu.memory_space<hbm>>
      tpu.enqueue_indirect_dma source(%dma_start3A_256 : memref<10000x128xf32, #tpu.memory_space<hbm>>) target(%arg12 : memref<128x128xf32, #tpu.memory_space<vmem>>) offsets(%dma_start3A_253 : memref<128xi32, #tpu.memory_space<vmem>>) semaphore(%arg19 : memref<!tpu.dma_semaphore, #tpu.memory_space<semaphore_mem>>)
      %dma_wait3A_257 = arith.constant 0 : i32
      %dma_wait3A_258 = arith.constant 0 : i32
      %dma_wait3A_259 = tpu.memref_slice %arg10[%dma_wait3A_257, %dma_wait3A_258] : memref<2x128xi32, #tpu.memory_space<vmem>> -> memref<1x128xi32, #tpu.memory_space<vmem>>
      %dma_wait3A_260 = tpu.memref_squeeze %dma_wait3A_259 : memref<1x128xi32, #tpu.memory_space<vmem>> -> memref<128xi32, #tpu.memory_space<vmem>>
      %dma_wait3A_261 = arith.constant 0 : i32
      %dma_wait3A_262 = arith.constant 0 : i32
      %dma_wait3A_263 = tpu.memref_slice %arg3[%dma_wait3A_261, %dma_wait3A_262] : memref<10000x128xf32, #tpu.memory_space<hbm>> -> memref<10000x128xf32, #tpu.memory_space<hbm>>
      tpu.wait_indirect_dma semaphore(%arg19 : memref<!tpu.dma_semaphore, #tpu.memory_space<semaphore_mem>>) src(%dma_wait3A_263 : memref<10000x128xf32, #tpu.memory_space<hbm>>) dst(%arg12 : memref<128x128xf32, #tpu.memory_space<vmem>>)
      %dma_start3A_264 = arith.constant 1 : i32
      %dma_start3A_265 = arith.constant 0 : i32
      %dma_start3A_266 = tpu.memref_slice %arg10[%dma_start3A_264, %dma_start3A_265] : memref<2x128xi32, #tpu.memory_space<vmem>> -> memref<1x128xi32, #tpu.memory_space<vmem>>
      %dma_start3A_267 = tpu.memref_squeeze %dma_start3A_266 : memref<1x128xi32, #tpu.memory_space<vmem>> -> memref<128xi32, #tpu.memory_space<vmem>>
      %dma_start3A_268 = arith.constant 0 : i32
      %dma_start3A_269 = arith.constant 0 : i32
      %dma_start3A_270 = tpu.memref_slice %arg14[%dma_start3A_268, %dma_start3A_269] : memref<10000x128xf32, #tpu.memory_space<vmem_shared>> -> memref<10000x128xf32, #tpu.memory_space<vmem_shared>>
      tpu.enqueue_indirect_dma source(%arg12 : memref<128x128xf32, #tpu.memory_space<vmem>>) target(%dma_start3A_270 : memref<10000x128xf32, #tpu.memory_space<vmem_shared>>) offsets(%dma_start3A_267 : memref<128xi32, #tpu.memory_space<vmem>>) semaphore(%arg23 : memref<!tpu.dma_semaphore, #tpu.memory_space<semaphore_mem>>) {add = true}
      %dma_start3A_271 = arith.constant 1 : i32
      %dma_start3A_272 = arith.constant 0 : i32
      %dma_start3A_273 = tpu.memref_slice %arg10[%dma_start3A_271, %dma_start3A_272] : memref<2x128xi32, #tpu.memory_space<vmem>> -> memref<1x128xi32, #tpu.memory_space<vmem>>
      %dma_start3A_274 = tpu.memref_squeeze %dma_start3A_273 : memref<1x128xi32, #tpu.memory_space<vmem>> -> memref<128xi32, #tpu.memory_space<vmem>>
      %dma_start3A_275 = arith.constant 0 : i32
      %dma_start3A_276 = tpu.memref_slice %arg26[%dma_start3A_275] : memref<10000xf32, #tpu.memory_space<vmem_shared>> -> memref<10000xf32, #tpu.memory_space<vmem_shared>>
      tpu.enqueue_indirect_dma source(%arg25 : memref<128xf32, #tpu.memory_space<vmem>>) target(%dma_start3A_276 : memref<10000xf32, #tpu.memory_space<vmem_shared>>) offsets(%dma_start3A_274 : memref<128xi32, #tpu.memory_space<vmem>>) semaphore(%arg23 : memref<!tpu.dma_semaphore, #tpu.memory_space<semaphore_mem>>) {add = true}
      %dma_wait3A_277 = arith.constant 1 : i32
      %dma_wait3A_278 = arith.constant 0 : i32
      %dma_wait3A_279 = tpu.memref_slice %arg10[%dma_wait3A_277, %dma_wait3A_278] : memref<2x128xi32, #tpu.memory_space<vmem>> -> memref<1x128xi32, #tpu.memory_space<vmem>>
      %dma_wait3A_280 = tpu.memref_squeeze %dma_wait3A_279 : memref<1x128xi32, #tpu.memory_space<vmem>> -> memref<128xi32, #tpu.memory_space<vmem>>
      %dma_wait3A_281 = arith.constant 0 : i32
      %dma_wait3A_282 = arith.constant 0 : i32
      %dma_wait3A_283 = tpu.memref_slice %arg14[%dma_wait3A_281, %dma_wait3A_282] : memref<10000x128xf32, #tpu.memory_space<vmem_shared>> -> memref<10000x128xf32, #tpu.memory_space<vmem_shared>>
      tpu.wait_indirect_dma semaphore(%arg23 : memref<!tpu.dma_semaphore, #tpu.memory_space<semaphore_mem>>) src(%arg12 : memref<128x128xf32, #tpu.memory_space<vmem>>) dst(%dma_wait3A_283 : memref<10000x128xf32, #tpu.memory_space<vmem_shared>>)
      %dma_wait3A_284 = arith.constant 1 : i32
      %dma_wait3A_285 = arith.constant 0 : i32
      %dma_wait3A_286 = tpu.memref_slice %arg10[%dma_wait3A_284, %dma_wait3A_285] : memref<2x128xi32, #tpu.memory_space<vmem>> -> memref<1x128xi32, #tpu.memory_space<vmem>>
      %dma_wait3A_287 = tpu.memref_squeeze %dma_wait3A_286 : memref<1x128xi32, #tpu.memory_space<vmem>> -> memref<128xi32, #tpu.memory_space<vmem>>
      %dma_wait3A_288 = arith.constant 0 : i32
      %dma_wait3A_289 = tpu.memref_slice %arg26[%dma_wait3A_288] : memref<10000xf32, #tpu.memory_space<vmem_shared>> -> memref<10000xf32, #tpu.memory_space<vmem_shared>>
      tpu.wait_indirect_dma semaphore(%arg23 : memref<!tpu.dma_semaphore, #tpu.memory_space<semaphore_mem>>) src(%arg25 : memref<128xf32, #tpu.memory_space<vmem>>) dst(%dma_wait3A_289 : memref<10000xf32, #tpu.memory_space<vmem_shared>>)
    } else {
    }
    %dma_wait3A_226 = arith.constant 1 : i32
    %dma_wait3A_227 = arith.constant 0 : i32
    %dma_wait3A_228 = tpu.memref_slice %arg9[%dma_wait3A_226, %dma_wait3A_227] : memref<2x128xi32, #tpu.memory_space<vmem>> -> memref<1x128xi32, #tpu.memory_space<vmem>>
    %dma_wait3A_229 = tpu.memref_squeeze %dma_wait3A_228 : memref<1x128xi32, #tpu.memory_space<vmem>> -> memref<128xi32, #tpu.memory_space<vmem>>
    %dma_wait3A_230 = arith.constant 0 : i32
    %dma_wait3A_231 = arith.constant 0 : i32
    %dma_wait3A_232 = tpu.memref_slice %arg14[%dma_wait3A_230, %dma_wait3A_231] : memref<10000x128xf32, #tpu.memory_space<vmem_shared>> -> memref<10000x128xf32, #tpu.memory_space<vmem_shared>>
    tpu.wait_indirect_dma semaphore(%arg22 : memref<!tpu.dma_semaphore, #tpu.memory_space<semaphore_mem>>) src(%arg13 : memref<128x128xf32, #tpu.memory_space<vmem>>) dst(%dma_wait3A_232 : memref<10000x128xf32, #tpu.memory_space<vmem_shared>>)
    %dma_wait3A_233 = arith.constant 1 : i32
    %dma_wait3A_234 = arith.constant 0 : i32
    %dma_wait3A_235 = tpu.memref_slice %arg9[%dma_wait3A_233, %dma_wait3A_234] : memref<2x128xi32, #tpu.memory_space<vmem>> -> memref<1x128xi32, #tpu.memory_space<vmem>>
    %dma_wait3A_236 = tpu.memref_squeeze %dma_wait3A_235 : memref<1x128xi32, #tpu.memory_space<vmem>> -> memref<128xi32, #tpu.memory_space<vmem>>
    %dma_wait3A_237 = arith.constant 0 : i32
    %dma_wait3A_238 = tpu.memref_slice %arg26[%dma_wait3A_237] : memref<10000xf32, #tpu.memory_space<vmem_shared>> -> memref<10000xf32, #tpu.memory_space<vmem_shared>>
    tpu.wait_indirect_dma semaphore(%arg22 : memref<!tpu.dma_semaphore, #tpu.memory_space<semaphore_mem>>) src(%arg25 : memref<128xf32, #tpu.memory_space<vmem>>) dst(%dma_wait3A_238 : memref<10000xf32, #tpu.memory_space<vmem_shared>>)
    %barrier3A_239 = arith.constant 0 : index
    tpu.barrier barrier_id(%barrier3A_239)
    %eq3A_240 = arith.constant 0 : i32
    %eq3A_241 = arith.cmpi eq, %arg0, %eq3A_240 : i32
    %convert_element_type3A_242 = arith.extui %eq3A_241 : i1 to i32
    %cond3A_243 = arith.constant 0 : i32
    %cond3A_244 = arith.cmpi ne, %convert_element_type3A_242, %cond3A_243 : i32
    scf.if %cond3A_244 {
      "tpu.region"() ({
        %run_scoped3A = tpu.sem_alloc : memref<!tpu.dma_semaphore, #tpu.memory_space<semaphore_mem>>
        %dma_start3A_255 = arith.constant 0 : i32
        %dma_start3A_256 = tpu.memref_slice %arg4[%mul3A_2, %dma_start3A_255] : memref<10000x128xf32, #tpu.memory_space<hbm>> -> memref<624x128xf32, #tpu.memory_space<hbm>>
        %dma_start3A_257 = arith.constant 0 : i32
        %dma_start3A_258 = tpu.memref_slice %arg14[%mul3A_2, %dma_start3A_257] : memref<10000x128xf32, #tpu.memory_space<vmem_shared>> -> memref<624x128xf32, #tpu.memory_space<vmem_shared>>
        tpu.enqueue_dma source(%dma_start3A_258 : memref<624x128xf32, #tpu.memory_space<vmem_shared>>) target(%dma_start3A_256 : memref<624x128xf32, #tpu.memory_space<hbm>>) target_semaphore(%run_scoped3A : memref<!tpu.dma_semaphore, #tpu.memory_space<semaphore_mem>>)
        %dma_wait3A_259 = arith.constant 0 : i32
        %dma_wait3A_260 = tpu.memref_slice %arg4[%mul3A_2, %dma_wait3A_259] : memref<10000x128xf32, #tpu.memory_space<hbm>> -> memref<624x128xf32, #tpu.memory_space<hbm>>
        %dma_wait3A_261 = arith.constant 0 : i32
        %dma_wait3A_262 = tpu.memref_slice %arg14[%mul3A_2, %dma_wait3A_261] : memref<10000x128xf32, #tpu.memory_space<vmem_shared>> -> memref<624x128xf32, #tpu.memory_space<vmem_shared>>
        tpu.wait_dma2 semaphore(%run_scoped3A : memref<!tpu.dma_semaphore, #tpu.memory_space<semaphore_mem>>) src(%dma_wait3A_262 : memref<624x128xf32, #tpu.memory_space<vmem_shared>>) dst(%dma_wait3A_260 : memref<624x128xf32, #tpu.memory_space<hbm>>)
        tpu.yield
      }) : () -> ()
      "tpu.region"() ({
        %run_scoped3A = tpu.sem_alloc : memref<!tpu.dma_semaphore, #tpu.memory_space<semaphore_mem>>
        %dma_start3A_255 = tpu.memref_slice %arg26[%mul3A_2] : memref<10000xf32, #tpu.memory_space<vmem_shared>> -> memref<624xf32, #tpu.memory_space<vmem_shared>>
        %dma_start3A_256 = tpu.memref_slice %arg26[%mul3A_2] : memref<10000xf32, #tpu.memory_space<vmem_shared>> -> memref<624xf32, #tpu.memory_space<vmem_shared>>
        tpu.enqueue_dma source(%dma_start3A_256 : memref<624xf32, #tpu.memory_space<vmem_shared>>) target(%arg27 : memref<624xf32, #tpu.memory_space<vmem>>) target_semaphore(%run_scoped3A : memref<!tpu.dma_semaphore, #tpu.memory_space<semaphore_mem>>)
        %dma_wait3A_257 = tpu.memref_slice %arg26[%mul3A_2] : memref<10000xf32, #tpu.memory_space<vmem_shared>> -> memref<624xf32, #tpu.memory_space<vmem_shared>>
        %dma_wait3A_258 = tpu.memref_slice %arg26[%mul3A_2] : memref<10000xf32, #tpu.memory_space<vmem_shared>> -> memref<624xf32, #tpu.memory_space<vmem_shared>>
        tpu.wait_dma2 semaphore(%run_scoped3A : memref<!tpu.dma_semaphore, #tpu.memory_space<semaphore_mem>>) src(%dma_wait3A_258 : memref<624xf32, #tpu.memory_space<vmem_shared>>) dst(%arg27 : memref<624xf32, #tpu.memory_space<vmem>>)
        tpu.yield
      }) : () -> ()
      "tpu.region"() ({
        %run_scoped3A = tpu.sem_alloc : memref<!tpu.dma_semaphore, #tpu.memory_space<semaphore_mem>>
        %dma_start3A_255 = tpu.memref_slice %arg6[%mul3A_2] : memref<10000xf32, #tpu.memory_space<hbm>> -> memref<624xf32, #tpu.memory_space<hbm>>
        %dma_start3A_256 = tpu.memref_slice %arg6[%mul3A_2] : memref<10000xf32, #tpu.memory_space<hbm>> -> memref<624xf32, #tpu.memory_space<hbm>>
        tpu.enqueue_dma source(%arg27 : memref<624xf32, #tpu.memory_space<vmem>>) target(%dma_start3A_256 : memref<624xf32, #tpu.memory_space<hbm>>) target_semaphore(%run_scoped3A : memref<!tpu.dma_semaphore, #tpu.memory_space<semaphore_mem>>)
        %dma_wait3A_257 = tpu.memref_slice %arg6[%mul3A_2] : memref<10000xf32, #tpu.memory_space<hbm>> -> memref<624xf32, #tpu.memory_space<hbm>>
        %dma_wait3A_258 = tpu.memref_slice %arg6[%mul3A_2] : memref<10000xf32, #tpu.memory_space<hbm>> -> memref<624xf32, #tpu.memory_space<hbm>>
        tpu.wait_dma2 semaphore(%run_scoped3A : memref<!tpu.dma_semaphore, #tpu.memory_space<semaphore_mem>>) src(%arg27 : memref<624xf32, #tpu.memory_space<vmem>>) dst(%dma_wait3A_258 : memref<624xf32, #tpu.memory_space<hbm>>)
        tpu.yield
      }) : () -> ()
      %eq3A_250 = arith.constant 15 : i32
      %eq3A_251 = arith.cmpi eq, %arg1, %eq3A_250 : i32
      %convert_element_type3A_252 = arith.extui %eq3A_251 : i1 to i32
      %cond3A_253 = arith.constant 0 : i32
      %cond3A_254 = arith.cmpi ne, %convert_element_type3A_252, %cond3A_253 : i32
      scf.if %cond3A_254 {
        "tpu.region"() ({
          %run_scoped3A = tpu.sem_alloc : memref<!tpu.dma_semaphore, #tpu.memory_space<semaphore_mem>>
          %dma_start3A_255 = arith.constant 9984 : i32
          %dma_start3A_256 = arith.constant 0 : i32
          %dma_start3A_257 = tpu.memref_slice %arg4[%dma_start3A_255, %dma_start3A_256] : memref<10000x128xf32, #tpu.memory_space<hbm>> -> memref<16x128xf32, #tpu.memory_space<hbm>>
          %dma_start3A_258 = arith.constant 9984 : i32
          %dma_start3A_259 = arith.constant 0 : i32
          %dma_start3A_260 = tpu.memref_slice %arg14[%dma_start3A_258, %dma_start3A_259] : memref<10000x128xf32, #tpu.memory_space<vmem_shared>> -> memref<16x128xf32, #tpu.memory_space<vmem_shared>>
          tpu.enqueue_dma source(%dma_start3A_260 : memref<16x128xf32, #tpu.memory_space<vmem_shared>>) target(%dma_start3A_257 : memref<16x128xf32, #tpu.memory_space<hbm>>) target_semaphore(%run_scoped3A : memref<!tpu.dma_semaphore, #tpu.memory_space<semaphore_mem>>)
          %dma_wait3A_261 = arith.constant 9984 : i32
          %dma_wait3A_262 = arith.constant 0 : i32
          %dma_wait3A_263 = tpu.memref_slice %arg4[%dma_wait3A_261, %dma_wait3A_262] : memref<10000x128xf32, #tpu.memory_space<hbm>> -> memref<16x128xf32, #tpu.memory_space<hbm>>
          %dma_wait3A_264 = arith.constant 9984 : i32
          %dma_wait3A_265 = arith.constant 0 : i32
          %dma_wait3A_266 = tpu.memref_slice %arg14[%dma_wait3A_264, %dma_wait3A_265] : memref<10000x128xf32, #tpu.memory_space<vmem_shared>> -> memref<16x128xf32, #tpu.memory_space<vmem_shared>>
          tpu.wait_dma2 semaphore(%run_scoped3A : memref<!tpu.dma_semaphore, #tpu.memory_space<semaphore_mem>>) src(%dma_wait3A_266 : memref<16x128xf32, #tpu.memory_space<vmem_shared>>) dst(%dma_wait3A_263 : memref<16x128xf32, #tpu.memory_space<hbm>>)
          tpu.yield
        }) : () -> ()
        "tpu.region"() ({
          %run_scoped3A = tpu.sem_alloc : memref<!tpu.dma_semaphore, #tpu.memory_space<semaphore_mem>>
          %dma_start3A_255 = arith.constant 0 : i32
          %dma_start3A_256 = tpu.memref_slice %arg27[%dma_start3A_255] : memref<624xf32, #tpu.memory_space<vmem>> -> memref<16xf32, #tpu.memory_space<vmem>>
          %dma_start3A_257 = arith.constant 9984 : i32
          %dma_start3A_258 = tpu.memref_slice %arg26[%dma_start3A_257] : memref<10000xf32, #tpu.memory_space<vmem_shared>> -> memref<16xf32, #tpu.memory_space<vmem_shared>>
          %dma_start3A_259 = arith.constant 0 : i32
          %dma_start3A_260 = tpu.memref_slice %arg27[%dma_start3A_259] : memref<624xf32, #tpu.memory_space<vmem>> -> memref<16xf32, #tpu.memory_space<vmem>>
          %dma_start3A_261 = arith.constant 9984 : i32
          %dma_start3A_262 = tpu.memref_slice %arg26[%dma_start3A_261] : memref<10000xf32, #tpu.memory_space<vmem_shared>> -> memref<16xf32, #tpu.memory_space<vmem_shared>>
          tpu.enqueue_dma source(%dma_start3A_262 : memref<16xf32, #tpu.memory_space<vmem_shared>>) target(%dma_start3A_260 : memref<16xf32, #tpu.memory_space<vmem>>) target_semaphore(%run_scoped3A : memref<!tpu.dma_semaphore, #tpu.memory_space<semaphore_mem>>)
          %dma_wait3A_263 = arith.constant 0 : i32
          %dma_wait3A_264 = tpu.memref_slice %arg27[%dma_wait3A_263] : memref<624xf32, #tpu.memory_space<vmem>> -> memref<16xf32, #tpu.memory_space<vmem>>
          %dma_wait3A_265 = arith.constant 9984 : i32
          %dma_wait3A_266 = tpu.memref_slice %arg26[%dma_wait3A_265] : memref<10000xf32, #tpu.memory_space<vmem_shared>> -> memref<16xf32, #tpu.memory_space<vmem_shared>>
          %dma_wait3A_267 = arith.constant 0 : i32
          %dma_wait3A_268 = tpu.memref_slice %arg27[%dma_wait3A_267] : memref<624xf32, #tpu.memory_space<vmem>> -> memref<16xf32, #tpu.memory_space<vmem>>
          %dma_wait3A_269 = arith.constant 9984 : i32
          %dma_wait3A_270 = tpu.memref_slice %arg26[%dma_wait3A_269] : memref<10000xf32, #tpu.memory_space<vmem_shared>> -> memref<16xf32, #tpu.memory_space<vmem_shared>>
          tpu.wait_dma2 semaphore(%run_scoped3A : memref<!tpu.dma_semaphore, #tpu.memory_space<semaphore_mem>>) src(%dma_wait3A_270 : memref<16xf32, #tpu.memory_space<vmem_shared>>) dst(%dma_wait3A_268 : memref<16xf32, #tpu.memory_space<vmem>>)
          tpu.yield
        }) : () -> ()
        "tpu.region"() ({
          %run_scoped3A = tpu.sem_alloc : memref<!tpu.dma_semaphore, #tpu.memory_space<semaphore_mem>>
          %dma_start3A_255 = arith.constant 0 : i32
          %dma_start3A_256 = tpu.memref_slice %arg27[%dma_start3A_255] : memref<624xf32, #tpu.memory_space<vmem>> -> memref<16xf32, #tpu.memory_space<vmem>>
          %dma_start3A_257 = arith.constant 9984 : i32
          %dma_start3A_258 = tpu.memref_slice %arg6[%dma_start3A_257] : memref<10000xf32, #tpu.memory_space<hbm>> -> memref<16xf32, #tpu.memory_space<hbm>>
          %dma_start3A_259 = arith.constant 9984 : i32
          %dma_start3A_260 = tpu.memref_slice %arg6[%dma_start3A_259] : memref<10000xf32, #tpu.memory_space<hbm>> -> memref<16xf32, #tpu.memory_space<hbm>>
          %dma_start3A_261 = arith.constant 0 : i32
          %dma_start3A_262 = tpu.memref_slice %arg27[%dma_start3A_261] : memref<624xf32, #tpu.memory_space<vmem>> -> memref<16xf32, #tpu.memory_space<vmem>>
          tpu.enqueue_dma source(%dma_start3A_262 : memref<16xf32, #tpu.memory_space<vmem>>) target(%dma_start3A_260 : memref<16xf32, #tpu.memory_space<hbm>>) target_semaphore(%run_scoped3A : memref<!tpu.dma_semaphore, #tpu.memory_space<semaphore_mem>>)
          %dma_wait3A_263 = arith.constant 0 : i32
          %dma_wait3A_264 = tpu.memref_slice %arg27[%dma_wait3A_263] : memref<624xf32, #tpu.memory_space<vmem>> -> memref<16xf32, #tpu.memory_space<vmem>>
          %dma_wait3A_265 = arith.constant 9984 : i32
          %dma_wait3A_266 = tpu.memref_slice %arg6[%dma_wait3A_265] : memref<10000xf32, #tpu.memory_space<hbm>> -> memref<16xf32, #tpu.memory_space<hbm>>
          %dma_wait3A_267 = arith.constant 9984 : i32
          %dma_wait3A_268 = tpu.memref_slice %arg6[%dma_wait3A_267] : memref<10000xf32, #tpu.memory_space<hbm>> -> memref<16xf32, #tpu.memory_space<hbm>>
          %dma_wait3A_269 = arith.constant 0 : i32
          %dma_wait3A_270 = tpu.memref_slice %arg27[%dma_wait3A_269] : memref<624xf32, #tpu.memory_space<vmem>> -> memref<16xf32, #tpu.memory_space<vmem>>
          tpu.wait_dma2 semaphore(%run_scoped3A : memref<!tpu.dma_semaphore, #tpu.memory_space<semaphore_mem>>) src(%dma_wait3A_270 : memref<16xf32, #tpu.memory_space<vmem>>) dst(%dma_wait3A_268 : memref<16xf32, #tpu.memory_space<hbm>>)
          tpu.yield
        }) : () -> ()
      } else {
      }
    } else {
    }
    %eq3A_245 = arith.constant 1 : i32
    %eq3A_246 = arith.cmpi eq, %arg0, %eq3A_245 : i32
    %convert_element_type3A_247 = arith.extui %eq3A_246 : i1 to i32
    %cond3A_248 = arith.constant 0 : i32
    %cond3A_249 = arith.cmpi ne, %convert_element_type3A_247, %cond3A_248 : i32
    scf.if %cond3A_249 {
      "tpu.region"() ({
        %run_scoped3A = tpu.sem_alloc : memref<!tpu.dma_semaphore, #tpu.memory_space<semaphore_mem>>
        %dma_start3A_255 = arith.constant 0 : i32
        %dma_start3A_256 = tpu.memref_slice %arg5[%mul3A_2, %dma_start3A_255] : memref<10000x128xf32, #tpu.memory_space<hbm>> -> memref<624x128xf32, #tpu.memory_space<hbm>>
        %dma_start3A_257 = arith.constant 0 : i32
        %dma_start3A_258 = tpu.memref_slice %arg14[%mul3A_2, %dma_start3A_257] : memref<10000x128xf32, #tpu.memory_space<vmem_shared>> -> memref<624x128xf32, #tpu.memory_space<vmem_shared>>
        tpu.enqueue_dma source(%dma_start3A_258 : memref<624x128xf32, #tpu.memory_space<vmem_shared>>) target(%dma_start3A_256 : memref<624x128xf32, #tpu.memory_space<hbm>>) target_semaphore(%run_scoped3A : memref<!tpu.dma_semaphore, #tpu.memory_space<semaphore_mem>>)
        %dma_wait3A_259 = arith.constant 0 : i32
        %dma_wait3A_260 = tpu.memref_slice %arg5[%mul3A_2, %dma_wait3A_259] : memref<10000x128xf32, #tpu.memory_space<hbm>> -> memref<624x128xf32, #tpu.memory_space<hbm>>
        %dma_wait3A_261 = arith.constant 0 : i32
        %dma_wait3A_262 = tpu.memref_slice %arg14[%mul3A_2, %dma_wait3A_261] : memref<10000x128xf32, #tpu.memory_space<vmem_shared>> -> memref<624x128xf32, #tpu.memory_space<vmem_shared>>
        tpu.wait_dma2 semaphore(%run_scoped3A : memref<!tpu.dma_semaphore, #tpu.memory_space<semaphore_mem>>) src(%dma_wait3A_262 : memref<624x128xf32, #tpu.memory_space<vmem_shared>>) dst(%dma_wait3A_260 : memref<624x128xf32, #tpu.memory_space<hbm>>)
        tpu.yield
      }) : () -> ()
      "tpu.region"() ({
        %run_scoped3A = tpu.sem_alloc : memref<!tpu.dma_semaphore, #tpu.memory_space<semaphore_mem>>
        %dma_start3A_255 = tpu.memref_slice %arg26[%mul3A_2] : memref<10000xf32, #tpu.memory_space<vmem_shared>> -> memref<624xf32, #tpu.memory_space<vmem_shared>>
        %dma_start3A_256 = tpu.memref_slice %arg26[%mul3A_2] : memref<10000xf32, #tpu.memory_space<vmem_shared>> -> memref<624xf32, #tpu.memory_space<vmem_shared>>
        tpu.enqueue_dma source(%dma_start3A_256 : memref<624xf32, #tpu.memory_space<vmem_shared>>) target(%arg27 : memref<624xf32, #tpu.memory_space<vmem>>) target_semaphore(%run_scoped3A : memref<!tpu.dma_semaphore, #tpu.memory_space<semaphore_mem>>)
        %dma_wait3A_257 = tpu.memref_slice %arg26[%mul3A_2] : memref<10000xf32, #tpu.memory_space<vmem_shared>> -> memref<624xf32, #tpu.memory_space<vmem_shared>>
        %dma_wait3A_258 = tpu.memref_slice %arg26[%mul3A_2] : memref<10000xf32, #tpu.memory_space<vmem_shared>> -> memref<624xf32, #tpu.memory_space<vmem_shared>>
        tpu.wait_dma2 semaphore(%run_scoped3A : memref<!tpu.dma_semaphore, #tpu.memory_space<semaphore_mem>>) src(%dma_wait3A_258 : memref<624xf32, #tpu.memory_space<vmem_shared>>) dst(%arg27 : memref<624xf32, #tpu.memory_space<vmem>>)
        tpu.yield
      }) : () -> ()
      "tpu.region"() ({
        %run_scoped3A = tpu.sem_alloc : memref<!tpu.dma_semaphore, #tpu.memory_space<semaphore_mem>>
        %dma_start3A_255 = tpu.memref_slice %arg7[%mul3A_2] : memref<10000xf32, #tpu.memory_space<hbm>> -> memref<624xf32, #tpu.memory_space<hbm>>
        %dma_start3A_256 = tpu.memref_slice %arg7[%mul3A_2] : memref<10000xf32, #tpu.memory_space<hbm>> -> memref<624xf32, #tpu.memory_space<hbm>>
        tpu.enqueue_dma source(%arg27 : memref<624xf32, #tpu.memory_space<vmem>>) target(%dma_start3A_256 : memref<624xf32, #tpu.memory_space<hbm>>) target_semaphore(%run_scoped3A : memref<!tpu.dma_semaphore, #tpu.memory_space<semaphore_mem>>)
        %dma_wait3A_257 = tpu.memref_slice %arg7[%mul3A_2] : memref<10000xf32, #tpu.memory_space<hbm>> -> memref<624xf32, #tpu.memory_space<hbm>>
        %dma_wait3A_258 = tpu.memref_slice %arg7[%mul3A_2] : memref<10000xf32, #tpu.memory_space<hbm>> -> memref<624xf32, #tpu.memory_space<hbm>>
        tpu.wait_dma2 semaphore(%run_scoped3A : memref<!tpu.dma_semaphore, #tpu.memory_space<semaphore_mem>>) src(%arg27 : memref<624xf32, #tpu.memory_space<vmem>>) dst(%dma_wait3A_258 : memref<624xf32, #tpu.memory_space<hbm>>)
        tpu.yield
      }) : () -> ()
      %eq3A_250 = arith.constant 15 : i32
      %eq3A_251 = arith.cmpi eq, %arg1, %eq3A_250 : i32
      %convert_element_type3A_252 = arith.extui %eq3A_251 : i1 to i32
      %cond3A_253 = arith.constant 0 : i32
      %cond3A_254 = arith.cmpi ne, %convert_element_type3A_252, %cond3A_253 : i32
      scf.if %cond3A_254 {
        "tpu.region"() ({
          %run_scoped3A = tpu.sem_alloc : memref<!tpu.dma_semaphore, #tpu.memory_space<semaphore_mem>>
          %dma_start3A_255 = arith.constant 9984 : i32
          %dma_start3A_256 = arith.constant 0 : i32
          %dma_start3A_257 = tpu.memref_slice %arg5[%dma_start3A_255, %dma_start3A_256] : memref<10000x128xf32, #tpu.memory_space<hbm>> -> memref<16x128xf32, #tpu.memory_space<hbm>>
          %dma_start3A_258 = arith.constant 9984 : i32
          %dma_start3A_259 = arith.constant 0 : i32
          %dma_start3A_260 = tpu.memref_slice %arg14[%dma_start3A_258, %dma_start3A_259] : memref<10000x128xf32, #tpu.memory_space<vmem_shared>> -> memref<16x128xf32, #tpu.memory_space<vmem_shared>>
          tpu.enqueue_dma source(%dma_start3A_260 : memref<16x128xf32, #tpu.memory_space<vmem_shared>>) target(%dma_start3A_257 : memref<16x128xf32, #tpu.memory_space<hbm>>) target_semaphore(%run_scoped3A : memref<!tpu.dma_semaphore, #tpu.memory_space<semaphore_mem>>)
          %dma_wait3A_261 = arith.constant 9984 : i32
          %dma_wait3A_262 = arith.constant 0 : i32
          %dma_wait3A_263 = tpu.memref_slice %arg5[%dma_wait3A_261, %dma_wait3A_262] : memref<10000x128xf32, #tpu.memory_space<hbm>> -> memref<16x128xf32, #tpu.memory_space<hbm>>
          %dma_wait3A_264 = arith.constant 9984 : i32
          %dma_wait3A_265 = arith.constant 0 : i32
          %dma_wait3A_266 = tpu.memref_slice %arg14[%dma_wait3A_264, %dma_wait3A_265] : memref<10000x128xf32, #tpu.memory_space<vmem_shared>> -> memref<16x128xf32, #tpu.memory_space<vmem_shared>>
          tpu.wait_dma2 semaphore(%run_scoped3A : memref<!tpu.dma_semaphore, #tpu.memory_space<semaphore_mem>>) src(%dma_wait3A_266 : memref<16x128xf32, #tpu.memory_space<vmem_shared>>) dst(%dma_wait3A_263 : memref<16x128xf32, #tpu.memory_space<hbm>>)
          tpu.yield
        }) : () -> ()
        "tpu.region"() ({
          %run_scoped3A = tpu.sem_alloc : memref<!tpu.dma_semaphore, #tpu.memory_space<semaphore_mem>>
          %dma_start3A_255 = arith.constant 0 : i32
          %dma_start3A_256 = tpu.memref_slice %arg27[%dma_start3A_255] : memref<624xf32, #tpu.memory_space<vmem>> -> memref<16xf32, #tpu.memory_space<vmem>>
          %dma_start3A_257 = arith.constant 9984 : i32
          %dma_start3A_258 = tpu.memref_slice %arg26[%dma_start3A_257] : memref<10000xf32, #tpu.memory_space<vmem_shared>> -> memref<16xf32, #tpu.memory_space<vmem_shared>>
          %dma_start3A_259 = arith.constant 0 : i32
          %dma_start3A_260 = tpu.memref_slice %arg27[%dma_start3A_259] : memref<624xf32, #tpu.memory_space<vmem>> -> memref<16xf32, #tpu.memory_space<vmem>>
          %dma_start3A_261 = arith.constant 9984 : i32
          %dma_start3A_262 = tpu.memref_slice %arg26[%dma_start3A_261] : memref<10000xf32, #tpu.memory_space<vmem_shared>> -> memref<16xf32, #tpu.memory_space<vmem_shared>>
          tpu.enqueue_dma source(%dma_start3A_262 : memref<16xf32, #tpu.memory_space<vmem_shared>>) target(%dma_start3A_260 : memref<16xf32, #tpu.memory_space<vmem>>) target_semaphore(%run_scoped3A : memref<!tpu.dma_semaphore, #tpu.memory_space<semaphore_mem>>)
          %dma_wait3A_263 = arith.constant 0 : i32
          %dma_wait3A_264 = tpu.memref_slice %arg27[%dma_wait3A_263] : memref<624xf32, #tpu.memory_space<vmem>> -> memref<16xf32, #tpu.memory_space<vmem>>
          %dma_wait3A_265 = arith.constant 9984 : i32
          %dma_wait3A_266 = tpu.memref_slice %arg26[%dma_wait3A_265] : memref<10000xf32, #tpu.memory_space<vmem_shared>> -> memref<16xf32, #tpu.memory_space<vmem_shared>>
          %dma_wait3A_267 = arith.constant 0 : i32
          %dma_wait3A_268 = tpu.memref_slice %arg27[%dma_wait3A_267] : memref<624xf32, #tpu.memory_space<vmem>> -> memref<16xf32, #tpu.memory_space<vmem>>
          %dma_wait3A_269 = arith.constant 9984 : i32
          %dma_wait3A_270 = tpu.memref_slice %arg26[%dma_wait3A_269] : memref<10000xf32, #tpu.memory_space<vmem_shared>> -> memref<16xf32, #tpu.memory_space<vmem_shared>>
          tpu.wait_dma2 semaphore(%run_scoped3A : memref<!tpu.dma_semaphore, #tpu.memory_space<semaphore_mem>>) src(%dma_wait3A_270 : memref<16xf32, #tpu.memory_space<vmem_shared>>) dst(%dma_wait3A_268 : memref<16xf32, #tpu.memory_space<vmem>>)
          tpu.yield
        }) : () -> ()
        "tpu.region"() ({
          %run_scoped3A = tpu.sem_alloc : memref<!tpu.dma_semaphore, #tpu.memory_space<semaphore_mem>>
          %dma_start3A_255 = arith.constant 0 : i32
          %dma_start3A_256 = tpu.memref_slice %arg27[%dma_start3A_255] : memref<624xf32, #tpu.memory_space<vmem>> -> memref<16xf32, #tpu.memory_space<vmem>>
          %dma_start3A_257 = arith.constant 9984 : i32
          %dma_start3A_258 = tpu.memref_slice %arg7[%dma_start3A_257] : memref<10000xf32, #tpu.memory_space<hbm>> -> memref<16xf32, #tpu.memory_space<hbm>>
          %dma_start3A_259 = arith.constant 9984 : i32
          %dma_start3A_260 = tpu.memref_slice %arg7[%dma_start3A_259] : memref<10000xf32, #tpu.memory_space<hbm>> -> memref<16xf32, #tpu.memory_space<hbm>>
          %dma_start3A_261 = arith.constant 0 : i32
          %dma_start3A_262 = tpu.memref_slice %arg27[%dma_start3A_261] : memref<624xf32, #tpu.memory_space<vmem>> -> memref<16xf32, #tpu.memory_space<vmem>>
          tpu.enqueue_dma source(%dma_start3A_262 : memref<16xf32, #tpu.memory_space<vmem>>) target(%dma_start3A_260 : memref<16xf32, #tpu.memory_space<hbm>>) target_semaphore(%run_scoped3A : memref<!tpu.dma_semaphore, #tpu.memory_space<semaphore_mem>>)
          %dma_wait3A_263 = arith.constant 0 : i32
          %dma_wait3A_264 = tpu.memref_slice %arg27[%dma_wait3A_263] : memref<624xf32, #tpu.memory_space<vmem>> -> memref<16xf32, #tpu.memory_space<vmem>>
          %dma_wait3A_265 = arith.constant 9984 : i32
          %dma_wait3A_266 = tpu.memref_slice %arg7[%dma_wait3A_265] : memref<10000xf32, #tpu.memory_space<hbm>> -> memref<16xf32, #tpu.memory_space<hbm>>
          %dma_wait3A_267 = arith.constant 9984 : i32
          %dma_wait3A_268 = tpu.memref_slice %arg7[%dma_wait3A_267] : memref<10000xf32, #tpu.memory_space<hbm>> -> memref<16xf32, #tpu.memory_space<hbm>>
          %dma_wait3A_269 = arith.constant 0 : i32
          %dma_wait3A_270 = tpu.memref_slice %arg27[%dma_wait3A_269] : memref<624xf32, #tpu.memory_space<vmem>> -> memref<16xf32, #tpu.memory_space<vmem>>
          tpu.wait_dma2 semaphore(%run_scoped3A : memref<!tpu.dma_semaphore, #tpu.memory_space<semaphore_mem>>) src(%dma_wait3A_270 : memref<16xf32, #tpu.memory_space<vmem>>) dst(%dma_wait3A_268 : memref<16xf32, #tpu.memory_space<hbm>>)
          tpu.yield
        }) : () -> ()
      } else {
      }
    } else {
    }
    return
  }
}

#map = affine_map<(d0, d1) -> (0, 0)>
module attributes {stable_mosaic.version = 14 : i64} {
  func.func @body(%arg0: i32, %arg1: i32, %arg2: memref<2x320000xi32, #tpu.memory_space<hbm>>, %arg3: memref<10000x128xf32, #tpu.memory_space<hbm>>, %arg4: memref<10000x128xf32, #tpu.memory_space<hbm>>, %arg5: memref<10000x128xf32, #tpu.memory_space<hbm>>, %arg6: memref<2x128xi32, #tpu.memory_space<vmem>>, %arg7: memref<2x128xi32, #tpu.memory_space<vmem>>, %arg8: memref<2x128xi32, #tpu.memory_space<vmem>>, %arg9: memref<2x128xi32, #tpu.memory_space<vmem>>, %arg10: memref<128x128xf32, #tpu.memory_space<vmem>>, %arg11: memref<128x128xf32, #tpu.memory_space<vmem>>, %arg12: memref<10000x128xf32, #tpu.memory_space<vmem_shared>>, %arg13: memref<!tpu.dma_semaphore, #tpu.memory_space<semaphore_mem>>, %arg14: memref<!tpu.dma_semaphore, #tpu.memory_space<semaphore_mem>>, %arg15: memref<!tpu.dma_semaphore, #tpu.memory_space<semaphore_mem>>, %arg16: memref<!tpu.dma_semaphore, #tpu.memory_space<semaphore_mem>>, %arg17: memref<!tpu.dma_semaphore, #tpu.memory_space<semaphore_mem>>, %arg18: memref<!tpu.dma_semaphore, #tpu.memory_space<semaphore_mem>>, %arg19: memref<!tpu.dma_semaphore, #tpu.memory_space<semaphore_mem>>, %arg20: memref<!tpu.dma_semaphore, #tpu.memory_space<semaphore_mem>>, %arg21: memref<!tpu.dma_semaphore, #tpu.memory_space<semaphore_mem>>, %arg22: memref<!tpu.dma_semaphore, #tpu.memory_space<semaphore_mem>>) attributes {dimension_semantics = [#tpu.dimension_semantics<core_parallel>, #tpu.dimension_semantics<subcore_parallel>], iteration_bounds = array<i64: 2, 16>, scalar_prefetch = 0 : i64, scratch_operands = 17 : i64, tpu.core_type = #tpu.core_type<sc_vector_subcore>, window_params = [{transform_indices = #map}, {transform_indices = #map}, {transform_indices = #map}, {transform_indices = #map}]} {
    %mul3A = arith.constant 16 : i32
    %mul3A_0 = arith.muli %arg0, %mul3A : i32
    %add3A = arith.addi %mul3A_0, %arg1 : i32
    %mul3A_1 = arith.constant 624 : i32
    %mul3A_2 = arith.muli %arg1, %mul3A_1 : i32
    %scan3A = arith.constant 0 : i32
    %scan3A_3 = arith.constant 0 : i32
    %scan3A_4 = arith.constant 1024 : i32
    %scan3A_5 = arith.addi %scan3A_3, %scan3A_4 : i32
    %scan3A_6 = arith.constant 1 : i32
    scf.for %scan3A_174 = %scan3A_3 to %scan3A_5 step %scan3A_6  : i32 {
      %jit3A = arith.constant 8 : i32
      %div3A = arith.divsi %scan3A_174, %jit3A : i32
      %sign3A = arith.constant 0 : i32
      %sign3A_175 = arith.cmpi sgt, %scan3A_174, %sign3A : i32
      %sign3A_176 = arith.extui %sign3A_175 : i1 to i32
      %sign3A_177 = arith.constant 0 : i32
      %sign3A_178 = arith.cmpi slt, %scan3A_174, %sign3A_177 : i32
      %sign3A_179 = arith.extui %sign3A_178 : i1 to i32
      %sign3A_180 = arith.subi %sign3A_176, %sign3A_179 : i32
      %sign3A_181 = arith.constant 0 : i32
      %sign3A_182 = arith.cmpi sgt, %jit3A, %sign3A_181 : i32
      %sign3A_183 = arith.extui %sign3A_182 : i1 to i32
      %sign3A_184 = arith.constant 0 : i32
      %sign3A_185 = arith.cmpi slt, %jit3A, %sign3A_184 : i32
      %sign3A_186 = arith.extui %sign3A_185 : i1 to i32
      %sign3A_187 = arith.subi %sign3A_183, %sign3A_186 : i32
      %ne3A = arith.cmpi ne, %sign3A_180, %sign3A_187 : i32
      %rem3A = arith.remsi %scan3A_174, %jit3A : i32
      %ne3A_188 = arith.constant 0 : i32
      %ne3A_189 = arith.cmpi ne, %rem3A, %ne3A_188 : i32
      %and3A = arith.andi %ne3A, %ne3A_189 : i1
      %sub3A = arith.constant 1 : i32
      %sub3A_190 = arith.subi %div3A, %sub3A : i32
      %select_n3A = arith.select %and3A, %sub3A_190, %div3A : i32
      %jit3A_191 = arith.constant 8 : i32
      %eq3A_192 = arith.constant 0 : i32
      %eq3A_193 = arith.cmpi eq, %jit3A_191, %eq3A_192 : i32
      %jit3A_194 = arith.constant 1 : i32
      %select_n3A_195 = arith.select %eq3A_193, %jit3A_194, %jit3A_191 : i32
      %rem3A_196 = arith.remsi %scan3A_174, %select_n3A_195 : i32
      %ne3A_197 = arith.constant 0 : i32
      %ne3A_198 = arith.cmpi ne, %rem3A_196, %ne3A_197 : i32
      %lt3A_199 = arith.constant 0 : i32
      %lt3A_200 = arith.cmpi slt, %rem3A_196, %lt3A_199 : i32
      %lt3A_201 = arith.constant 0 : i32
      %lt3A_202 = arith.cmpi slt, %select_n3A_195, %lt3A_201 : i32
      %ne3A_203 = arith.xori %lt3A_200, %lt3A_202 : i1
      %and3A_204 = arith.andi %ne3A_203, %ne3A_198 : i1
      %add3A_205 = arith.addi %rem3A_196, %select_n3A_195 : i32
      %select_n3A_206 = arith.select %and3A_204, %add3A_205, %rem3A_196 : i32
      %mul3A_207 = arith.constant 16 : i32
      %mul3A_208 = arith.muli %select_n3A_206, %mul3A_207 : i32
      %broadcast_in_dim3A = arith.constant 0.000000e+00 : f32
      %broadcast_in_dim3A_209 = vector.broadcast %broadcast_in_dim3A : f32 to vector<16xf32>
      %swap3A = arith.index_cast %select_n3A : i32 to index
      %swap3A_210 = arith.index_cast %mul3A_208 : i32 to index
      %swap3A_211 = tpu.vector_load %arg10[%swap3A, %swap3A_210] {strides = array<i32>} : memref<128x128xf32, #tpu.memory_space<vmem>>, vector<1x16xf32>,
      %swap3A_212 = vector.shape_cast %swap3A_211 : vector<1x16xf32> to vector<16xf32>
      %swap3A_213 = vector.shape_cast %broadcast_in_dim3A_209 : vector<16xf32> to vector<1x16xf32>
      tpu.vector_store %arg10[%swap3A, %swap3A_210], %swap3A_213 {strides = array<i32>} : memref<128x128xf32, #tpu.memory_space<vmem>>, vector<1x16xf32>,
    }
    %scan3A_7 = arith.constant 1024 : i32
    %add3A_8 = arith.constant 0 : i32
    %add3A_9 = arith.addi %mul3A_2, %add3A_8 : i32
    "tpu.region"() ({
      %run_scoped3A = tpu.sem_alloc : memref<!tpu.dma_semaphore, #tpu.memory_space<semaphore_mem>>
      %dma_start3A_174 = arith.constant 0 : i32
      %dma_start3A_175 = tpu.memref_slice %arg12[%add3A_9, %dma_start3A_174] : memref<10000x128xf32, #tpu.memory_space<vmem_shared>> -> memref<128x128xf32, #tpu.memory_space<vmem_shared>>
      %dma_start3A_176 = arith.constant 0 : i32
      %dma_start3A_177 = tpu.memref_slice %arg12[%add3A_9, %dma_start3A_176] : memref<10000x128xf32, #tpu.memory_space<vmem_shared>> -> memref<128x128xf32, #tpu.memory_space<vmem_shared>>
      tpu.enqueue_dma source(%arg10 : memref<128x128xf32, #tpu.memory_space<vmem>>) target(%dma_start3A_177 : memref<128x128xf32, #tpu.memory_space<vmem_shared>>) target_semaphore(%run_scoped3A : memref<!tpu.dma_semaphore, #tpu.memory_space<semaphore_mem>>)
      %dma_wait3A_178 = arith.constant 0 : i32
      %dma_wait3A_179 = tpu.memref_slice %arg12[%add3A_9, %dma_wait3A_178] : memref<10000x128xf32, #tpu.memory_space<vmem_shared>> -> memref<128x128xf32, #tpu.memory_space<vmem_shared>>
      %dma_wait3A_180 = arith.constant 0 : i32
      %dma_wait3A_181 = tpu.memref_slice %arg12[%add3A_9, %dma_wait3A_180] : memref<10000x128xf32, #tpu.memory_space<vmem_shared>> -> memref<128x128xf32, #tpu.memory_space<vmem_shared>>
      tpu.wait_dma2 semaphore(%run_scoped3A : memref<!tpu.dma_semaphore, #tpu.memory_space<semaphore_mem>>) src(%arg10 : memref<128x128xf32, #tpu.memory_space<vmem>>) dst(%dma_wait3A_181 : memref<128x128xf32, #tpu.memory_space<vmem_shared>>)
      tpu.yield
    }) : () -> ()
    %add3A_10 = arith.constant 128 : i32
    %add3A_11 = arith.addi %mul3A_2, %add3A_10 : i32
    "tpu.region"() ({
      %run_scoped3A = tpu.sem_alloc : memref<!tpu.dma_semaphore, #tpu.memory_space<semaphore_mem>>
      %dma_start3A_174 = arith.constant 0 : i32
      %dma_start3A_175 = tpu.memref_slice %arg12[%add3A_11, %dma_start3A_174] : memref<10000x128xf32, #tpu.memory_space<vmem_shared>> -> memref<128x128xf32, #tpu.memory_space<vmem_shared>>
      %dma_start3A_176 = arith.constant 0 : i32
      %dma_start3A_177 = tpu.memref_slice %arg12[%add3A_11, %dma_start3A_176] : memref<10000x128xf32, #tpu.memory_space<vmem_shared>> -> memref<128x128xf32, #tpu.memory_space<vmem_shared>>
      tpu.enqueue_dma source(%arg10 : memref<128x128xf32, #tpu.memory_space<vmem>>) target(%dma_start3A_177 : memref<128x128xf32, #tpu.memory_space<vmem_shared>>) target_semaphore(%run_scoped3A : memref<!tpu.dma_semaphore, #tpu.memory_space<semaphore_mem>>)
      %dma_wait3A_178 = arith.constant 0 : i32
      %dma_wait3A_179 = tpu.memref_slice %arg12[%add3A_11, %dma_wait3A_178] : memref<10000x128xf32, #tpu.memory_space<vmem_shared>> -> memref<128x128xf32, #tpu.memory_space<vmem_shared>>
      %dma_wait3A_180 = arith.constant 0 : i32
      %dma_wait3A_181 = tpu.memref_slice %arg12[%add3A_11, %dma_wait3A_180] : memref<10000x128xf32, #tpu.memory_space<vmem_shared>> -> memref<128x128xf32, #tpu.memory_space<vmem_shared>>
      tpu.wait_dma2 semaphore(%run_scoped3A : memref<!tpu.dma_semaphore, #tpu.memory_space<semaphore_mem>>) src(%arg10 : memref<128x128xf32, #tpu.memory_space<vmem>>) dst(%dma_wait3A_181 : memref<128x128xf32, #tpu.memory_space<vmem_shared>>)
      tpu.yield
    }) : () -> ()
    %add3A_12 = arith.constant 256 : i32
    %add3A_13 = arith.addi %mul3A_2, %add3A_12 : i32
    "tpu.region"() ({
      %run_scoped3A = tpu.sem_alloc : memref<!tpu.dma_semaphore, #tpu.memory_space<semaphore_mem>>
      %dma_start3A_174 = arith.constant 0 : i32
      %dma_start3A_175 = tpu.memref_slice %arg12[%add3A_13, %dma_start3A_174] : memref<10000x128xf32, #tpu.memory_space<vmem_shared>> -> memref<128x128xf32, #tpu.memory_space<vmem_shared>>
      %dma_start3A_176 = arith.constant 0 : i32
      %dma_start3A_177 = tpu.memref_slice %arg12[%add3A_13, %dma_start3A_176] : memref<10000x128xf32, #tpu.memory_space<vmem_shared>> -> memref<128x128xf32, #tpu.memory_space<vmem_shared>>
      tpu.enqueue_dma source(%arg10 : memref<128x128xf32, #tpu.memory_space<vmem>>) target(%dma_start3A_177 : memref<128x128xf32, #tpu.memory_space<vmem_shared>>) target_semaphore(%run_scoped3A : memref<!tpu.dma_semaphore, #tpu.memory_space<semaphore_mem>>)
      %dma_wait3A_178 = arith.constant 0 : i32
      %dma_wait3A_179 = tpu.memref_slice %arg12[%add3A_13, %dma_wait3A_178] : memref<10000x128xf32, #tpu.memory_space<vmem_shared>> -> memref<128x128xf32, #tpu.memory_space<vmem_shared>>
      %dma_wait3A_180 = arith.constant 0 : i32
      %dma_wait3A_181 = tpu.memref_slice %arg12[%add3A_13, %dma_wait3A_180] : memref<10000x128xf32, #tpu.memory_space<vmem_shared>> -> memref<128x128xf32, #tpu.memory_space<vmem_shared>>
      tpu.wait_dma2 semaphore(%run_scoped3A : memref<!tpu.dma_semaphore, #tpu.memory_space<semaphore_mem>>) src(%arg10 : memref<128x128xf32, #tpu.memory_space<vmem>>) dst(%dma_wait3A_181 : memref<128x128xf32, #tpu.memory_space<vmem_shared>>)
      tpu.yield
    }) : () -> ()
    %add3A_14 = arith.constant 384 : i32
    %add3A_15 = arith.addi %mul3A_2, %add3A_14 : i32
    "tpu.region"() ({
      %run_scoped3A = tpu.sem_alloc : memref<!tpu.dma_semaphore, #tpu.memory_space<semaphore_mem>>
      %dma_start3A_174 = arith.constant 0 : i32
      %dma_start3A_175 = tpu.memref_slice %arg12[%add3A_15, %dma_start3A_174] : memref<10000x128xf32, #tpu.memory_space<vmem_shared>> -> memref<128x128xf32, #tpu.memory_space<vmem_shared>>
      %dma_start3A_176 = arith.constant 0 : i32
      %dma_start3A_177 = tpu.memref_slice %arg12[%add3A_15, %dma_start3A_176] : memref<10000x128xf32, #tpu.memory_space<vmem_shared>> -> memref<128x128xf32, #tpu.memory_space<vmem_shared>>
      tpu.enqueue_dma source(%arg10 : memref<128x128xf32, #tpu.memory_space<vmem>>) target(%dma_start3A_177 : memref<128x128xf32, #tpu.memory_space<vmem_shared>>) target_semaphore(%run_scoped3A : memref<!tpu.dma_semaphore, #tpu.memory_space<semaphore_mem>>)
      %dma_wait3A_178 = arith.constant 0 : i32
      %dma_wait3A_179 = tpu.memref_slice %arg12[%add3A_15, %dma_wait3A_178] : memref<10000x128xf32, #tpu.memory_space<vmem_shared>> -> memref<128x128xf32, #tpu.memory_space<vmem_shared>>
      %dma_wait3A_180 = arith.constant 0 : i32
      %dma_wait3A_181 = tpu.memref_slice %arg12[%add3A_15, %dma_wait3A_180] : memref<10000x128xf32, #tpu.memory_space<vmem_shared>> -> memref<128x128xf32, #tpu.memory_space<vmem_shared>>
      tpu.wait_dma2 semaphore(%run_scoped3A : memref<!tpu.dma_semaphore, #tpu.memory_space<semaphore_mem>>) src(%arg10 : memref<128x128xf32, #tpu.memory_space<vmem>>) dst(%dma_wait3A_181 : memref<128x128xf32, #tpu.memory_space<vmem_shared>>)
      tpu.yield
    }) : () -> ()
    %add3A_16 = arith.constant 512 : i32
    %add3A_17 = arith.addi %mul3A_2, %add3A_16 : i32
    "tpu.region"() ({
      %run_scoped3A = tpu.sem_alloc : memref<!tpu.dma_semaphore, #tpu.memory_space<semaphore_mem>>
      %dma_start3A_174 = arith.constant 0 : i32
      %dma_start3A_175 = arith.constant 0 : i32
      %dma_start3A_176 = tpu.memref_slice %arg10[%dma_start3A_174, %dma_start3A_175] : memref<128x128xf32, #tpu.memory_space<vmem>> -> memref<112x128xf32, #tpu.memory_space<vmem>>
      %dma_start3A_177 = arith.constant 0 : i32
      %dma_start3A_178 = tpu.memref_slice %arg12[%add3A_17, %dma_start3A_177] : memref<10000x128xf32, #tpu.memory_space<vmem_shared>> -> memref<112x128xf32, #tpu.memory_space<vmem_shared>>
      %dma_start3A_179 = arith.constant 0 : i32
      %dma_start3A_180 = tpu.memref_slice %arg12[%add3A_17, %dma_start3A_179] : memref<10000x128xf32, #tpu.memory_space<vmem_shared>> -> memref<112x128xf32, #tpu.memory_space<vmem_shared>>
      %dma_start3A_181 = arith.constant 0 : i32
      %dma_start3A_182 = arith.constant 0 : i32
      %dma_start3A_183 = tpu.memref_slice %arg10[%dma_start3A_181, %dma_start3A_182] : memref<128x128xf32, #tpu.memory_space<vmem>> -> memref<112x128xf32, #tpu.memory_space<vmem>>
      tpu.enqueue_dma source(%dma_start3A_183 : memref<112x128xf32, #tpu.memory_space<vmem>>) target(%dma_start3A_180 : memref<112x128xf32, #tpu.memory_space<vmem_shared>>) target_semaphore(%run_scoped3A : memref<!tpu.dma_semaphore, #tpu.memory_space<semaphore_mem>>)
      %dma_wait3A_184 = arith.constant 0 : i32
      %dma_wait3A_185 = arith.constant 0 : i32
      %dma_wait3A_186 = tpu.memref_slice %arg10[%dma_wait3A_184, %dma_wait3A_185] : memref<128x128xf32, #tpu.memory_space<vmem>> -> memref<112x128xf32, #tpu.memory_space<vmem>>
      %dma_wait3A_187 = arith.constant 0 : i32
      %dma_wait3A_188 = tpu.memref_slice %arg12[%add3A_17, %dma_wait3A_187] : memref<10000x128xf32, #tpu.memory_space<vmem_shared>> -> memref<112x128xf32, #tpu.memory_space<vmem_shared>>
      %dma_wait3A_189 = arith.constant 0 : i32
      %dma_wait3A_190 = tpu.memref_slice %arg12[%add3A_17, %dma_wait3A_189] : memref<10000x128xf32, #tpu.memory_space<vmem_shared>> -> memref<112x128xf32, #tpu.memory_space<vmem_shared>>
      %dma_wait3A_191 = arith.constant 0 : i32
      %dma_wait3A_192 = arith.constant 0 : i32
      %dma_wait3A_193 = tpu.memref_slice %arg10[%dma_wait3A_191, %dma_wait3A_192] : memref<128x128xf32, #tpu.memory_space<vmem>> -> memref<112x128xf32, #tpu.memory_space<vmem>>
      tpu.wait_dma2 semaphore(%run_scoped3A : memref<!tpu.dma_semaphore, #tpu.memory_space<semaphore_mem>>) src(%dma_wait3A_193 : memref<112x128xf32, #tpu.memory_space<vmem>>) dst(%dma_wait3A_190 : memref<112x128xf32, #tpu.memory_space<vmem_shared>>)
      tpu.yield
    }) : () -> ()
    %eq3A = arith.constant 15 : i32
    %eq3A_18 = arith.cmpi eq, %arg1, %eq3A : i32
    %convert_element_type3A = arith.extui %eq3A_18 : i1 to i32
    %cond3A = arith.constant 0 : i32
    %cond3A_19 = arith.cmpi ne, %convert_element_type3A, %cond3A : i32
    scf.if %cond3A_19 {
      "tpu.region"() ({
        %run_scoped3A = tpu.sem_alloc : memref<!tpu.dma_semaphore, #tpu.memory_space<semaphore_mem>>
        %dma_start3A_174 = arith.constant 0 : i32
        %dma_start3A_175 = arith.constant 0 : i32
        %dma_start3A_176 = tpu.memref_slice %arg10[%dma_start3A_174, %dma_start3A_175] : memref<128x128xf32, #tpu.memory_space<vmem>> -> memref<16x128xf32, #tpu.memory_space<vmem>>
        %dma_start3A_177 = arith.constant 9984 : i32
        %dma_start3A_178 = arith.constant 0 : i32
        %dma_start3A_179 = tpu.memref_slice %arg12[%dma_start3A_177, %dma_start3A_178] : memref<10000x128xf32, #tpu.memory_space<vmem_shared>> -> memref<16x128xf32, #tpu.memory_space<vmem_shared>>
        %dma_start3A_180 = arith.constant 9984 : i32
        %dma_start3A_181 = arith.constant 0 : i32
        %dma_start3A_182 = tpu.memref_slice %arg12[%dma_start3A_180, %dma_start3A_181] : memref<10000x128xf32, #tpu.memory_space<vmem_shared>> -> memref<16x128xf32, #tpu.memory_space<vmem_shared>>
        %dma_start3A_183 = arith.constant 0 : i32
        %dma_start3A_184 = arith.constant 0 : i32
        %dma_start3A_185 = tpu.memref_slice %arg10[%dma_start3A_183, %dma_start3A_184] : memref<128x128xf32, #tpu.memory_space<vmem>> -> memref<16x128xf32, #tpu.memory_space<vmem>>
        tpu.enqueue_dma source(%dma_start3A_185 : memref<16x128xf32, #tpu.memory_space<vmem>>) target(%dma_start3A_182 : memref<16x128xf32, #tpu.memory_space<vmem_shared>>) target_semaphore(%run_scoped3A : memref<!tpu.dma_semaphore, #tpu.memory_space<semaphore_mem>>)
        %dma_wait3A_186 = arith.constant 0 : i32
        %dma_wait3A_187 = arith.constant 0 : i32
        %dma_wait3A_188 = tpu.memref_slice %arg10[%dma_wait3A_186, %dma_wait3A_187] : memref<128x128xf32, #tpu.memory_space<vmem>> -> memref<16x128xf32, #tpu.memory_space<vmem>>
        %dma_wait3A_189 = arith.constant 9984 : i32
        %dma_wait3A_190 = arith.constant 0 : i32
        %dma_wait3A_191 = tpu.memref_slice %arg12[%dma_wait3A_189, %dma_wait3A_190] : memref<10000x128xf32, #tpu.memory_space<vmem_shared>> -> memref<16x128xf32, #tpu.memory_space<vmem_shared>>
        %dma_wait3A_192 = arith.constant 9984 : i32
        %dma_wait3A_193 = arith.constant 0 : i32
        %dma_wait3A_194 = tpu.memref_slice %arg12[%dma_wait3A_192, %dma_wait3A_193] : memref<10000x128xf32, #tpu.memory_space<vmem_shared>> -> memref<16x128xf32, #tpu.memory_space<vmem_shared>>
        %dma_wait3A_195 = arith.constant 0 : i32
        %dma_wait3A_196 = arith.constant 0 : i32
        %dma_wait3A_197 = tpu.memref_slice %arg10[%dma_wait3A_195, %dma_wait3A_196] : memref<128x128xf32, #tpu.memory_space<vmem>> -> memref<16x128xf32, #tpu.memory_space<vmem>>
        tpu.wait_dma2 semaphore(%run_scoped3A : memref<!tpu.dma_semaphore, #tpu.memory_space<semaphore_mem>>) src(%dma_wait3A_197 : memref<16x128xf32, #tpu.memory_space<vmem>>) dst(%dma_wait3A_194 : memref<16x128xf32, #tpu.memory_space<vmem_shared>>)
        tpu.yield
      }) : () -> ()
    } else {
    }
    %barrier3A = arith.constant 0 : index
    tpu.barrier barrier_id(%barrier3A)
    %add3A_20 = arith.constant 0 : i32
    %add3A_21 = arith.addi %add3A, %add3A_20 : i32
    %min3A = arith.constant 2499 : i32
    %min3A_22 = arith.minsi %add3A_21, %min3A : i32
    %mul3A_23 = arith.constant 128 : i32
    %mul3A_24 = arith.muli %min3A_22, %mul3A_23 : i32
    %dma_start3A = arith.constant 0 : i32
    %dma_start3A_25 = tpu.memref_slice %arg2[%dma_start3A, %mul3A_24] : memref<2x320000xi32, #tpu.memory_space<hbm>> -> memref<2x128xi32, #tpu.memory_space<hbm>>
    %dma_start3A_26 = arith.constant 0 : i32
    %dma_start3A_27 = tpu.memref_slice %arg2[%dma_start3A_26, %mul3A_24] : memref<2x320000xi32, #tpu.memory_space<hbm>> -> memref<2x128xi32, #tpu.memory_space<hbm>>
    tpu.enqueue_dma source(%dma_start3A_27 : memref<2x128xi32, #tpu.memory_space<hbm>>) target(%arg6 : memref<2x128xi32, #tpu.memory_space<vmem>>) target_semaphore(%arg13 : memref<!tpu.dma_semaphore, #tpu.memory_space<semaphore_mem>>)
    %add3A_28 = arith.constant 32 : i32
    %add3A_29 = arith.addi %add3A, %add3A_28 : i32
    %min3A_30 = arith.constant 2499 : i32
    %min3A_31 = arith.minsi %add3A_29, %min3A_30 : i32
    %mul3A_32 = arith.constant 128 : i32
    %mul3A_33 = arith.muli %min3A_31, %mul3A_32 : i32
    %dma_start3A_34 = arith.constant 0 : i32
    %dma_start3A_35 = tpu.memref_slice %arg2[%dma_start3A_34, %mul3A_33] : memref<2x320000xi32, #tpu.memory_space<hbm>> -> memref<2x128xi32, #tpu.memory_space<hbm>>
    %dma_start3A_36 = arith.constant 0 : i32
    %dma_start3A_37 = tpu.memref_slice %arg2[%dma_start3A_36, %mul3A_33] : memref<2x320000xi32, #tpu.memory_space<hbm>> -> memref<2x128xi32, #tpu.memory_space<hbm>>
    tpu.enqueue_dma source(%dma_start3A_37 : memref<2x128xi32, #tpu.memory_space<hbm>>) target(%arg7 : memref<2x128xi32, #tpu.memory_space<vmem>>) target_semaphore(%arg14 : memref<!tpu.dma_semaphore, #tpu.memory_space<semaphore_mem>>)
    %add3A_38 = arith.constant 0 : i32
    %add3A_39 = arith.addi %add3A, %add3A_38 : i32
    %min3A_40 = arith.constant 2499 : i32
    %min3A_41 = arith.minsi %add3A_39, %min3A_40 : i32
    %mul3A_42 = arith.constant 128 : i32
    %mul3A_43 = arith.muli %min3A_41, %mul3A_42 : i32
    %dma_wait3A = arith.constant 0 : i32
    %dma_wait3A_44 = tpu.memref_slice %arg2[%dma_wait3A, %mul3A_43] : memref<2x320000xi32, #tpu.memory_space<hbm>> -> memref<2x128xi32, #tpu.memory_space<hbm>>
    %dma_wait3A_45 = arith.constant 0 : i32
    %dma_wait3A_46 = tpu.memref_slice %arg2[%dma_wait3A_45, %mul3A_43] : memref<2x320000xi32, #tpu.memory_space<hbm>> -> memref<2x128xi32, #tpu.memory_space<hbm>>
    tpu.wait_dma2 semaphore(%arg13 : memref<!tpu.dma_semaphore, #tpu.memory_space<semaphore_mem>>) src(%dma_wait3A_46 : memref<2x128xi32, #tpu.memory_space<hbm>>) dst(%arg6 : memref<2x128xi32, #tpu.memory_space<vmem>>)
    %dma_start3A_47 = arith.constant 0 : i32
    %dma_start3A_48 = arith.constant 0 : i32
    %dma_start3A_49 = tpu.memref_slice %arg6[%dma_start3A_47, %dma_start3A_48] : memref<2x128xi32, #tpu.memory_space<vmem>> -> memref<1x128xi32, #tpu.memory_space<vmem>>
    %dma_start3A_50 = tpu.memref_squeeze %dma_start3A_49 : memref<1x128xi32, #tpu.memory_space<vmem>> -> memref<128xi32, #tpu.memory_space<vmem>>
    %dma_start3A_51 = arith.constant 0 : i32
    %dma_start3A_52 = arith.constant 0 : i32
    %dma_start3A_53 = tpu.memref_slice %arg3[%dma_start3A_51, %dma_start3A_52] : memref<10000x128xf32, #tpu.memory_space<hbm>> -> memref<10000x128xf32, #tpu.memory_space<hbm>>
    tpu.enqueue_indirect_dma source(%dma_start3A_53 : memref<10000x128xf32, #tpu.memory_space<hbm>>) target(%arg10 : memref<128x128xf32, #tpu.memory_space<vmem>>) offsets(%dma_start3A_50 : memref<128xi32, #tpu.memory_space<vmem>>) semaphore(%arg17 : memref<!tpu.dma_semaphore, #tpu.memory_space<semaphore_mem>>)
    %add3A_54 = arith.constant 64 : i32
    %add3A_55 = arith.addi %add3A, %add3A_54 : i32
    %min3A_56 = arith.constant 2499 : i32
    %min3A_57 = arith.minsi %add3A_55, %min3A_56 : i32
    %mul3A_58 = arith.constant 128 : i32
    %mul3A_59 = arith.muli %min3A_57, %mul3A_58 : i32
    %dma_start3A_60 = arith.constant 0 : i32
    %dma_start3A_61 = tpu.memref_slice %arg2[%dma_start3A_60, %mul3A_59] : memref<2x320000xi32, #tpu.memory_space<hbm>> -> memref<2x128xi32, #tpu.memory_space<hbm>>
    %dma_start3A_62 = arith.constant 0 : i32
    %dma_start3A_63 = tpu.memref_slice %arg2[%dma_start3A_62, %mul3A_59] : memref<2x320000xi32, #tpu.memory_space<hbm>> -> memref<2x128xi32, #tpu.memory_space<hbm>>
    tpu.enqueue_dma source(%dma_start3A_63 : memref<2x128xi32, #tpu.memory_space<hbm>>) target(%arg8 : memref<2x128xi32, #tpu.memory_space<vmem>>) target_semaphore(%arg15 : memref<!tpu.dma_semaphore, #tpu.memory_space<semaphore_mem>>)
    %add3A_64 = arith.constant 32 : i32
    %add3A_65 = arith.addi %add3A, %add3A_64 : i32
    %min3A_66 = arith.constant 2499 : i32
    %min3A_67 = arith.minsi %add3A_65, %min3A_66 : i32
    %mul3A_68 = arith.constant 128 : i32
    %mul3A_69 = arith.muli %min3A_67, %mul3A_68 : i32
    %dma_wait3A_70 = arith.constant 0 : i32
    %dma_wait3A_71 = tpu.memref_slice %arg2[%dma_wait3A_70, %mul3A_69] : memref<2x320000xi32, #tpu.memory_space<hbm>> -> memref<2x128xi32, #tpu.memory_space<hbm>>
    %dma_wait3A_72 = arith.constant 0 : i32
    %dma_wait3A_73 = tpu.memref_slice %arg2[%dma_wait3A_72, %mul3A_69] : memref<2x320000xi32, #tpu.memory_space<hbm>> -> memref<2x128xi32, #tpu.memory_space<hbm>>
    tpu.wait_dma2 semaphore(%arg14 : memref<!tpu.dma_semaphore, #tpu.memory_space<semaphore_mem>>) src(%dma_wait3A_73 : memref<2x128xi32, #tpu.memory_space<hbm>>) dst(%arg7 : memref<2x128xi32, #tpu.memory_space<vmem>>)
    %dma_start3A_74 = arith.constant 0 : i32
    %dma_start3A_75 = arith.constant 0 : i32
    %dma_start3A_76 = tpu.memref_slice %arg7[%dma_start3A_74, %dma_start3A_75] : memref<2x128xi32, #tpu.memory_space<vmem>> -> memref<1x128xi32, #tpu.memory_space<vmem>>
    %dma_start3A_77 = tpu.memref_squeeze %dma_start3A_76 : memref<1x128xi32, #tpu.memory_space<vmem>> -> memref<128xi32, #tpu.memory_space<vmem>>
    %dma_start3A_78 = arith.constant 0 : i32
    %dma_start3A_79 = arith.constant 0 : i32
    %dma_start3A_80 = tpu.memref_slice %arg3[%dma_start3A_78, %dma_start3A_79] : memref<10000x128xf32, #tpu.memory_space<hbm>> -> memref<10000x128xf32, #tpu.memory_space<hbm>>
    tpu.enqueue_indirect_dma source(%dma_start3A_80 : memref<10000x128xf32, #tpu.memory_space<hbm>>) target(%arg11 : memref<128x128xf32, #tpu.memory_space<vmem>>) offsets(%dma_start3A_77 : memref<128xi32, #tpu.memory_space<vmem>>) semaphore(%arg18 : memref<!tpu.dma_semaphore, #tpu.memory_space<semaphore_mem>>)
    %dma_wait3A_81 = arith.constant 0 : i32
    %dma_wait3A_82 = arith.constant 0 : i32
    %dma_wait3A_83 = tpu.memref_slice %arg6[%dma_wait3A_81, %dma_wait3A_82] : memref<2x128xi32, #tpu.memory_space<vmem>> -> memref<1x128xi32, #tpu.memory_space<vmem>>
    %dma_wait3A_84 = tpu.memref_squeeze %dma_wait3A_83 : memref<1x128xi32, #tpu.memory_space<vmem>> -> memref<128xi32, #tpu.memory_space<vmem>>
    %dma_wait3A_85 = arith.constant 0 : i32
    %dma_wait3A_86 = arith.constant 0 : i32
    %dma_wait3A_87 = tpu.memref_slice %arg3[%dma_wait3A_85, %dma_wait3A_86] : memref<10000x128xf32, #tpu.memory_space<hbm>> -> memref<10000x128xf32, #tpu.memory_space<hbm>>
    tpu.wait_indirect_dma semaphore(%arg17 : memref<!tpu.dma_semaphore, #tpu.memory_space<semaphore_mem>>) src(%dma_wait3A_87 : memref<10000x128xf32, #tpu.memory_space<hbm>>) dst(%arg10 : memref<128x128xf32, #tpu.memory_space<vmem>>)
    %dma_start3A_88 = arith.constant 1 : i32
    %dma_start3A_89 = arith.constant 0 : i32
    %dma_start3A_90 = tpu.memref_slice %arg6[%dma_start3A_88, %dma_start3A_89] : memref<2x128xi32, #tpu.memory_space<vmem>> -> memref<1x128xi32, #tpu.memory_space<vmem>>
    %dma_start3A_91 = tpu.memref_squeeze %dma_start3A_90 : memref<1x128xi32, #tpu.memory_space<vmem>> -> memref<128xi32, #tpu.memory_space<vmem>>
    %dma_start3A_92 = arith.constant 0 : i32
    %dma_start3A_93 = arith.constant 0 : i32
    %dma_start3A_94 = tpu.memref_slice %arg12[%dma_start3A_92, %dma_start3A_93] : memref<10000x128xf32, #tpu.memory_space<vmem_shared>> -> memref<10000x128xf32, #tpu.memory_space<vmem_shared>>
    tpu.enqueue_indirect_dma source(%arg10 : memref<128x128xf32, #tpu.memory_space<vmem>>) target(%dma_start3A_94 : memref<10000x128xf32, #tpu.memory_space<vmem_shared>>) offsets(%dma_start3A_91 : memref<128xi32, #tpu.memory_space<vmem>>) semaphore(%arg19 : memref<!tpu.dma_semaphore, #tpu.memory_space<semaphore_mem>>) {add = true}
    %add3A_95 = arith.constant 96 : i32
    %add3A_96 = arith.addi %add3A, %add3A_95 : i32
    %min3A_97 = arith.constant 2499 : i32
    %min3A_98 = arith.minsi %add3A_96, %min3A_97 : i32
    %mul3A_99 = arith.constant 128 : i32
    %mul3A_100 = arith.muli %min3A_98, %mul3A_99 : i32
    %dma_start3A_101 = arith.constant 0 : i32
    %dma_start3A_102 = tpu.memref_slice %arg2[%dma_start3A_101, %mul3A_100] : memref<2x320000xi32, #tpu.memory_space<hbm>> -> memref<2x128xi32, #tpu.memory_space<hbm>>
    %dma_start3A_103 = arith.constant 0 : i32
    %dma_start3A_104 = tpu.memref_slice %arg2[%dma_start3A_103, %mul3A_100] : memref<2x320000xi32, #tpu.memory_space<hbm>> -> memref<2x128xi32, #tpu.memory_space<hbm>>
    tpu.enqueue_dma source(%dma_start3A_104 : memref<2x128xi32, #tpu.memory_space<hbm>>) target(%arg9 : memref<2x128xi32, #tpu.memory_space<vmem>>) target_semaphore(%arg16 : memref<!tpu.dma_semaphore, #tpu.memory_space<semaphore_mem>>)
    %scan3A_105 = arith.constant 0 : i32
    %scan3A_106 = arith.constant 0 : i32
    %scan3A_107 = arith.constant 19 : i32
    %scan3A_108 = arith.addi %scan3A_106, %scan3A_107 : i32
    %scan3A_109 = arith.constant 1 : i32
    scf.for %scan3A_174 = %scan3A_106 to %scan3A_108 step %scan3A_109  : i32 {
      %mul3A_175 = arith.constant 4 : i32
      %mul3A_176 = arith.muli %scan3A_174, %mul3A_175 : i32
      %add3A_177 = arith.constant 2 : i32
      %add3A_178 = arith.addi %mul3A_176, %add3A_177 : i32
      %add3A_179 = arith.constant 0 : i32
      %add3A_180 = arith.addi %add3A_178, %add3A_179 : i32
      %mul3A_181 = arith.constant 32 : i32
      %mul3A_182 = arith.muli %add3A_180, %mul3A_181 : i32
      %add3A_183 = arith.addi %add3A, %mul3A_182 : i32
      %min3A_184 = arith.constant 2499 : i32
      %min3A_185 = arith.minsi %add3A_183, %min3A_184 : i32
      %mul3A_186 = arith.constant 128 : i32
      %mul3A_187 = arith.muli %min3A_185, %mul3A_186 : i32
      %dma_wait3A_188 = arith.constant 0 : i32
      %dma_wait3A_189 = tpu.memref_slice %arg2[%dma_wait3A_188, %mul3A_187] : memref<2x320000xi32, #tpu.memory_space<hbm>> -> memref<2x128xi32, #tpu.memory_space<hbm>>
      %dma_wait3A_190 = arith.constant 0 : i32
      %dma_wait3A_191 = tpu.memref_slice %arg2[%dma_wait3A_190, %mul3A_187] : memref<2x320000xi32, #tpu.memory_space<hbm>> -> memref<2x128xi32, #tpu.memory_space<hbm>>
      tpu.wait_dma2 semaphore(%arg15 : memref<!tpu.dma_semaphore, #tpu.memory_space<semaphore_mem>>) src(%dma_wait3A_191 : memref<2x128xi32, #tpu.memory_space<hbm>>) dst(%arg8 : memref<2x128xi32, #tpu.memory_space<vmem>>)
      %dma_wait3A_192 = arith.constant 1 : i32
      %dma_wait3A_193 = arith.constant 0 : i32
      %dma_wait3A_194 = tpu.memref_slice %arg6[%dma_wait3A_192, %dma_wait3A_193] : memref<2x128xi32, #tpu.memory_space<vmem>> -> memref<1x128xi32, #tpu.memory_space<vmem>>
      %dma_wait3A_195 = tpu.memref_squeeze %dma_wait3A_194 : memref<1x128xi32, #tpu.memory_space<vmem>> -> memref<128xi32, #tpu.memory_space<vmem>>
      %dma_wait3A_196 = arith.constant 0 : i32
      %dma_wait3A_197 = arith.constant 0 : i32
      %dma_wait3A_198 = tpu.memref_slice %arg12[%dma_wait3A_196, %dma_wait3A_197] : memref<10000x128xf32, #tpu.memory_space<vmem_shared>> -> memref<10000x128xf32, #tpu.memory_space<vmem_shared>>
      tpu.wait_indirect_dma semaphore(%arg19 : memref<!tpu.dma_semaphore, #tpu.memory_space<semaphore_mem>>) src(%arg10 : memref<128x128xf32, #tpu.memory_space<vmem>>) dst(%dma_wait3A_198 : memref<10000x128xf32, #tpu.memory_space<vmem_shared>>)
      %dma_start3A_199 = arith.constant 0 : i32
      %dma_start3A_200 = arith.constant 0 : i32
      %dma_start3A_201 = tpu.memref_slice %arg8[%dma_start3A_199, %dma_start3A_200] : memref<2x128xi32, #tpu.memory_space<vmem>> -> memref<1x128xi32, #tpu.memory_space<vmem>>
      %dma_start3A_202 = tpu.memref_squeeze %dma_start3A_201 : memref<1x128xi32, #tpu.memory_space<vmem>> -> memref<128xi32, #tpu.memory_space<vmem>>
      %dma_start3A_203 = arith.constant 0 : i32
      %dma_start3A_204 = arith.constant 0 : i32
      %dma_start3A_205 = tpu.memref_slice %arg3[%dma_start3A_203, %dma_start3A_204] : memref<10000x128xf32, #tpu.memory_space<hbm>> -> memref<10000x128xf32, #tpu.memory_space<hbm>>
      tpu.enqueue_indirect_dma source(%dma_start3A_205 : memref<10000x128xf32, #tpu.memory_space<hbm>>) target(%arg10 : memref<128x128xf32, #tpu.memory_space<vmem>>) offsets(%dma_start3A_202 : memref<128xi32, #tpu.memory_space<vmem>>) semaphore(%arg17 : memref<!tpu.dma_semaphore, #tpu.memory_space<semaphore_mem>>)
      %dma_wait3A_206 = arith.constant 0 : i32
      %dma_wait3A_207 = arith.constant 0 : i32
      %dma_wait3A_208 = tpu.memref_slice %arg7[%dma_wait3A_206, %dma_wait3A_207] : memref<2x128xi32, #tpu.memory_space<vmem>> -> memref<1x128xi32, #tpu.memory_space<vmem>>
      %dma_wait3A_209 = tpu.memref_squeeze %dma_wait3A_208 : memref<1x128xi32, #tpu.memory_space<vmem>> -> memref<128xi32, #tpu.memory_space<vmem>>
      %dma_wait3A_210 = arith.constant 0 : i32
      %dma_wait3A_211 = arith.constant 0 : i32
      %dma_wait3A_212 = tpu.memref_slice %arg3[%dma_wait3A_210, %dma_wait3A_211] : memref<10000x128xf32, #tpu.memory_space<hbm>> -> memref<10000x128xf32, #tpu.memory_space<hbm>>
      tpu.wait_indirect_dma semaphore(%arg18 : memref<!tpu.dma_semaphore, #tpu.memory_space<semaphore_mem>>) src(%dma_wait3A_212 : memref<10000x128xf32, #tpu.memory_space<hbm>>) dst(%arg11 : memref<128x128xf32, #tpu.memory_space<vmem>>)
      %dma_start3A_213 = arith.constant 1 : i32
      %dma_start3A_214 = arith.constant 0 : i32
      %dma_start3A_215 = tpu.memref_slice %arg7[%dma_start3A_213, %dma_start3A_214] : memref<2x128xi32, #tpu.memory_space<vmem>> -> memref<1x128xi32, #tpu.memory_space<vmem>>
      %dma_start3A_216 = tpu.memref_squeeze %dma_start3A_215 : memref<1x128xi32, #tpu.memory_space<vmem>> -> memref<128xi32, #tpu.memory_space<vmem>>
      %dma_start3A_217 = arith.constant 0 : i32
      %dma_start3A_218 = arith.constant 0 : i32
      %dma_start3A_219 = tpu.memref_slice %arg12[%dma_start3A_217, %dma_start3A_218] : memref<10000x128xf32, #tpu.memory_space<vmem_shared>> -> memref<10000x128xf32, #tpu.memory_space<vmem_shared>>
      tpu.enqueue_indirect_dma source(%arg11 : memref<128x128xf32, #tpu.memory_space<vmem>>) target(%dma_start3A_219 : memref<10000x128xf32, #tpu.memory_space<vmem_shared>>) offsets(%dma_start3A_216 : memref<128xi32, #tpu.memory_space<vmem>>) semaphore(%arg20 : memref<!tpu.dma_semaphore, #tpu.memory_space<semaphore_mem>>) {add = true}
      %add3A_220 = arith.constant 2 : i32
      %add3A_221 = arith.addi %add3A_180, %add3A_220 : i32
      %mul3A_222 = arith.constant 32 : i32
      %mul3A_223 = arith.muli %add3A_221, %mul3A_222 : i32
      %add3A_224 = arith.addi %add3A, %mul3A_223 : i32
      %min3A_225 = arith.constant 2499 : i32
      %min3A_226 = arith.minsi %add3A_224, %min3A_225 : i32
      %mul3A_227 = arith.constant 128 : i32
      %mul3A_228 = arith.muli %min3A_226, %mul3A_227 : i32
      %dma_start3A_229 = arith.constant 0 : i32
      %dma_start3A_230 = tpu.memref_slice %arg2[%dma_start3A_229, %mul3A_228] : memref<2x320000xi32, #tpu.memory_space<hbm>> -> memref<2x128xi32, #tpu.memory_space<hbm>>
      %dma_start3A_231 = arith.constant 0 : i32
      %dma_start3A_232 = tpu.memref_slice %arg2[%dma_start3A_231, %mul3A_228] : memref<2x320000xi32, #tpu.memory_space<hbm>> -> memref<2x128xi32, #tpu.memory_space<hbm>>
      tpu.enqueue_dma source(%dma_start3A_232 : memref<2x128xi32, #tpu.memory_space<hbm>>) target(%arg6 : memref<2x128xi32, #tpu.memory_space<vmem>>) target_semaphore(%arg13 : memref<!tpu.dma_semaphore, #tpu.memory_space<semaphore_mem>>)
      %mul3A_233 = arith.constant 4 : i32
      %mul3A_234 = arith.muli %scan3A_174, %mul3A_233 : i32
      %add3A_235 = arith.constant 2 : i32
      %add3A_236 = arith.addi %mul3A_234, %add3A_235 : i32
      %add3A_237 = arith.constant 1 : i32
      %add3A_238 = arith.addi %add3A_236, %add3A_237 : i32
      %mul3A_239 = arith.constant 32 : i32
      %mul3A_240 = arith.muli %add3A_238, %mul3A_239 : i32
      %add3A_241 = arith.addi %add3A, %mul3A_240 : i32
      %min3A_242 = arith.constant 2499 : i32
      %min3A_243 = arith.minsi %add3A_241, %min3A_242 : i32
      %mul3A_244 = arith.constant 128 : i32
      %mul3A_245 = arith.muli %min3A_243, %mul3A_244 : i32
      %dma_wait3A_246 = arith.constant 0 : i32
      %dma_wait3A_247 = tpu.memref_slice %arg2[%dma_wait3A_246, %mul3A_245] : memref<2x320000xi32, #tpu.memory_space<hbm>> -> memref<2x128xi32, #tpu.memory_space<hbm>>
      %dma_wait3A_248 = arith.constant 0 : i32
      %dma_wait3A_249 = tpu.memref_slice %arg2[%dma_wait3A_248, %mul3A_245] : memref<2x320000xi32, #tpu.memory_space<hbm>> -> memref<2x128xi32, #tpu.memory_space<hbm>>
      tpu.wait_dma2 semaphore(%arg16 : memref<!tpu.dma_semaphore, #tpu.memory_space<semaphore_mem>>) src(%dma_wait3A_249 : memref<2x128xi32, #tpu.memory_space<hbm>>) dst(%arg9 : memref<2x128xi32, #tpu.memory_space<vmem>>)
      %dma_wait3A_250 = arith.constant 1 : i32
      %dma_wait3A_251 = arith.constant 0 : i32
      %dma_wait3A_252 = tpu.memref_slice %arg7[%dma_wait3A_250, %dma_wait3A_251] : memref<2x128xi32, #tpu.memory_space<vmem>> -> memref<1x128xi32, #tpu.memory_space<vmem>>
      %dma_wait3A_253 = tpu.memref_squeeze %dma_wait3A_252 : memref<1x128xi32, #tpu.memory_space<vmem>> -> memref<128xi32, #tpu.memory_space<vmem>>
      %dma_wait3A_254 = arith.constant 0 : i32
      %dma_wait3A_255 = arith.constant 0 : i32
      %dma_wait3A_256 = tpu.memref_slice %arg12[%dma_wait3A_254, %dma_wait3A_255] : memref<10000x128xf32, #tpu.memory_space<vmem_shared>> -> memref<10000x128xf32, #tpu.memory_space<vmem_shared>>
      tpu.wait_indirect_dma semaphore(%arg20 : memref<!tpu.dma_semaphore, #tpu.memory_space<semaphore_mem>>) src(%arg11 : memref<128x128xf32, #tpu.memory_space<vmem>>) dst(%dma_wait3A_256 : memref<10000x128xf32, #tpu.memory_space<vmem_shared>>)
      %dma_start3A_257 = arith.constant 0 : i32
      %dma_start3A_258 = arith.constant 0 : i32
      %dma_start3A_259 = tpu.memref_slice %arg9[%dma_start3A_257, %dma_start3A_258] : memref<2x128xi32, #tpu.memory_space<vmem>> -> memref<1x128xi32, #tpu.memory_space<vmem>>
      %dma_start3A_260 = tpu.memref_squeeze %dma_start3A_259 : memref<1x128xi32, #tpu.memory_space<vmem>> -> memref<128xi32, #tpu.memory_space<vmem>>
      %dma_start3A_261 = arith.constant 0 : i32
      %dma_start3A_262 = arith.constant 0 : i32
      %dma_start3A_263 = tpu.memref_slice %arg3[%dma_start3A_261, %dma_start3A_262] : memref<10000x128xf32, #tpu.memory_space<hbm>> -> memref<10000x128xf32, #tpu.memory_space<hbm>>
      tpu.enqueue_indirect_dma source(%dma_start3A_263 : memref<10000x128xf32, #tpu.memory_space<hbm>>) target(%arg11 : memref<128x128xf32, #tpu.memory_space<vmem>>) offsets(%dma_start3A_260 : memref<128xi32, #tpu.memory_space<vmem>>) semaphore(%arg18 : memref<!tpu.dma_semaphore, #tpu.memory_space<semaphore_mem>>)
      %dma_wait3A_264 = arith.constant 0 : i32
      %dma_wait3A_265 = arith.constant 0 : i32
      %dma_wait3A_266 = tpu.memref_slice %arg8[%dma_wait3A_264, %dma_wait3A_265] : memref<2x128xi32, #tpu.memory_space<vmem>> -> memref<1x128xi32, #tpu.memory_space<vmem>>
      %dma_wait3A_267 = tpu.memref_squeeze %dma_wait3A_266 : memref<1x128xi32, #tpu.memory_space<vmem>> -> memref<128xi32, #tpu.memory_space<vmem>>
      %dma_wait3A_268 = arith.constant 0 : i32
      %dma_wait3A_269 = arith.constant 0 : i32
      %dma_wait3A_270 = tpu.memref_slice %arg3[%dma_wait3A_268, %dma_wait3A_269] : memref<10000x128xf32, #tpu.memory_space<hbm>> -> memref<10000x128xf32, #tpu.memory_space<hbm>>
      tpu.wait_indirect_dma semaphore(%arg17 : memref<!tpu.dma_semaphore, #tpu.memory_space<semaphore_mem>>) src(%dma_wait3A_270 : memref<10000x128xf32, #tpu.memory_space<hbm>>) dst(%arg10 : memref<128x128xf32, #tpu.memory_space<vmem>>)
      %dma_start3A_271 = arith.constant 1 : i32
      %dma_start3A_272 = arith.constant 0 : i32
      %dma_start3A_273 = tpu.memref_slice %arg8[%dma_start3A_271, %dma_start3A_272] : memref<2x128xi32, #tpu.memory_space<vmem>> -> memref<1x128xi32, #tpu.memory_space<vmem>>
      %dma_start3A_274 = tpu.memref_squeeze %dma_start3A_273 : memref<1x128xi32, #tpu.memory_space<vmem>> -> memref<128xi32, #tpu.memory_space<vmem>>
      %dma_start3A_275 = arith.constant 0 : i32
      %dma_start3A_276 = arith.constant 0 : i32
      %dma_start3A_277 = tpu.memref_slice %arg12[%dma_start3A_275, %dma_start3A_276] : memref<10000x128xf32, #tpu.memory_space<vmem_shared>> -> memref<10000x128xf32, #tpu.memory_space<vmem_shared>>
      tpu.enqueue_indirect_dma source(%arg10 : memref<128x128xf32, #tpu.memory_space<vmem>>) target(%dma_start3A_277 : memref<10000x128xf32, #tpu.memory_space<vmem_shared>>) offsets(%dma_start3A_274 : memref<128xi32, #tpu.memory_space<vmem>>) semaphore(%arg21 : memref<!tpu.dma_semaphore, #tpu.memory_space<semaphore_mem>>) {add = true}
      %add3A_278 = arith.constant 2 : i32
      %add3A_279 = arith.addi %add3A_238, %add3A_278 : i32
      %mul3A_280 = arith.constant 32 : i32
      %mul3A_281 = arith.muli %add3A_279, %mul3A_280 : i32
      %add3A_282 = arith.addi %add3A, %mul3A_281 : i32
      %min3A_283 = arith.constant 2499 : i32
      %min3A_284 = arith.minsi %add3A_282, %min3A_283 : i32
      %mul3A_285 = arith.constant 128 : i32
      %mul3A_286 = arith.muli %min3A_284, %mul3A_285 : i32
      %dma_start3A_287 = arith.constant 0 : i32
      %dma_start3A_288 = tpu.memref_slice %arg2[%dma_start3A_287, %mul3A_286] : memref<2x320000xi32, #tpu.memory_space<hbm>> -> memref<2x128xi32, #tpu.memory_space<hbm>>
      %dma_start3A_289 = arith.constant 0 : i32
      %dma_start3A_290 = tpu.memref_slice %arg2[%dma_start3A_289, %mul3A_286] : memref<2x320000xi32, #tpu.memory_space<hbm>> -> memref<2x128xi32, #tpu.memory_space<hbm>>
      tpu.enqueue_dma source(%dma_start3A_290 : memref<2x128xi32, #tpu.memory_space<hbm>>) target(%arg7 : memref<2x128xi32, #tpu.memory_space<vmem>>) target_semaphore(%arg14 : memref<!tpu.dma_semaphore, #tpu.memory_space<semaphore_mem>>)
      %mul3A_291 = arith.constant 4 : i32
      %mul3A_292 = arith.muli %scan3A_174, %mul3A_291 : i32
      %add3A_293 = arith.constant 2 : i32
      %add3A_294 = arith.addi %mul3A_292, %add3A_293 : i32
      %add3A_295 = arith.constant 2 : i32
      %add3A_296 = arith.addi %add3A_294, %add3A_295 : i32
      %mul3A_297 = arith.constant 32 : i32
      %mul3A_298 = arith.muli %add3A_296, %mul3A_297 : i32
      %add3A_299 = arith.addi %add3A, %mul3A_298 : i32
      %min3A_300 = arith.constant 2499 : i32
      %min3A_301 = arith.minsi %add3A_299, %min3A_300 : i32
      %mul3A_302 = arith.constant 128 : i32
      %mul3A_303 = arith.muli %min3A_301, %mul3A_302 : i32
      %dma_wait3A_304 = arith.constant 0 : i32
      %dma_wait3A_305 = tpu.memref_slice %arg2[%dma_wait3A_304, %mul3A_303] : memref<2x320000xi32, #tpu.memory_space<hbm>> -> memref<2x128xi32, #tpu.memory_space<hbm>>
      %dma_wait3A_306 = arith.constant 0 : i32
      %dma_wait3A_307 = tpu.memref_slice %arg2[%dma_wait3A_306, %mul3A_303] : memref<2x320000xi32, #tpu.memory_space<hbm>> -> memref<2x128xi32, #tpu.memory_space<hbm>>
      tpu.wait_dma2 semaphore(%arg13 : memref<!tpu.dma_semaphore, #tpu.memory_space<semaphore_mem>>) src(%dma_wait3A_307 : memref<2x128xi32, #tpu.memory_space<hbm>>) dst(%arg6 : memref<2x128xi32, #tpu.memory_space<vmem>>)
      %dma_wait3A_308 = arith.constant 1 : i32
      %dma_wait3A_309 = arith.constant 0 : i32
      %dma_wait3A_310 = tpu.memref_slice %arg8[%dma_wait3A_308, %dma_wait3A_309] : memref<2x128xi32, #tpu.memory_space<vmem>> -> memref<1x128xi32, #tpu.memory_space<vmem>>
      %dma_wait3A_311 = tpu.memref_squeeze %dma_wait3A_310 : memref<1x128xi32, #tpu.memory_space<vmem>> -> memref<128xi32, #tpu.memory_space<vmem>>
      %dma_wait3A_312 = arith.constant 0 : i32
      %dma_wait3A_313 = arith.constant 0 : i32
      %dma_wait3A_314 = tpu.memref_slice %arg12[%dma_wait3A_312, %dma_wait3A_313] : memref<10000x128xf32, #tpu.memory_space<vmem_shared>> -> memref<10000x128xf32, #tpu.memory_space<vmem_shared>>
      tpu.wait_indirect_dma semaphore(%arg21 : memref<!tpu.dma_semaphore, #tpu.memory_space<semaphore_mem>>) src(%arg10 : memref<128x128xf32, #tpu.memory_space<vmem>>) dst(%dma_wait3A_314 : memref<10000x128xf32, #tpu.memory_space<vmem_shared>>)
      %dma_start3A_315 = arith.constant 0 : i32
      %dma_start3A_316 = arith.constant 0 : i32
      %dma_start3A_317 = tpu.memref_slice %arg6[%dma_start3A_315, %dma_start3A_316] : memref<2x128xi32, #tpu.memory_space<vmem>> -> memref<1x128xi32, #tpu.memory_space<vmem>>
      %dma_start3A_318 = tpu.memref_squeeze %dma_start3A_317 : memref<1x128xi32, #tpu.memory_space<vmem>> -> memref<128xi32, #tpu.memory_space<vmem>>
      %dma_start3A_319 = arith.constant 0 : i32
      %dma_start3A_320 = arith.constant 0 : i32
      %dma_start3A_321 = tpu.memref_slice %arg3[%dma_start3A_319, %dma_start3A_320] : memref<10000x128xf32, #tpu.memory_space<hbm>> -> memref<10000x128xf32, #tpu.memory_space<hbm>>
      tpu.enqueue_indirect_dma source(%dma_start3A_321 : memref<10000x128xf32, #tpu.memory_space<hbm>>) target(%arg10 : memref<128x128xf32, #tpu.memory_space<vmem>>) offsets(%dma_start3A_318 : memref<128xi32, #tpu.memory_space<vmem>>) semaphore(%arg17 : memref<!tpu.dma_semaphore, #tpu.memory_space<semaphore_mem>>)
      %dma_wait3A_322 = arith.constant 0 : i32
      %dma_wait3A_323 = arith.constant 0 : i32
      %dma_wait3A_324 = tpu.memref_slice %arg9[%dma_wait3A_322, %dma_wait3A_323] : memref<2x128xi32, #tpu.memory_space<vmem>> -> memref<1x128xi32, #tpu.memory_space<vmem>>
      %dma_wait3A_325 = tpu.memref_squeeze %dma_wait3A_324 : memref<1x128xi32, #tpu.memory_space<vmem>> -> memref<128xi32, #tpu.memory_space<vmem>>
      %dma_wait3A_326 = arith.constant 0 : i32
      %dma_wait3A_327 = arith.constant 0 : i32
      %dma_wait3A_328 = tpu.memref_slice %arg3[%dma_wait3A_326, %dma_wait3A_327] : memref<10000x128xf32, #tpu.memory_space<hbm>> -> memref<10000x128xf32, #tpu.memory_space<hbm>>
      tpu.wait_indirect_dma semaphore(%arg18 : memref<!tpu.dma_semaphore, #tpu.memory_space<semaphore_mem>>) src(%dma_wait3A_328 : memref<10000x128xf32, #tpu.memory_space<hbm>>) dst(%arg11 : memref<128x128xf32, #tpu.memory_space<vmem>>)
      %dma_start3A_329 = arith.constant 1 : i32
      %dma_start3A_330 = arith.constant 0 : i32
      %dma_start3A_331 = tpu.memref_slice %arg9[%dma_start3A_329, %dma_start3A_330] : memref<2x128xi32, #tpu.memory_space<vmem>> -> memref<1x128xi32, #tpu.memory_space<vmem>>
      %dma_start3A_332 = tpu.memref_squeeze %dma_start3A_331 : memref<1x128xi32, #tpu.memory_space<vmem>> -> memref<128xi32, #tpu.memory_space<vmem>>
      %dma_start3A_333 = arith.constant 0 : i32
      %dma_start3A_334 = arith.constant 0 : i32
      %dma_start3A_335 = tpu.memref_slice %arg12[%dma_start3A_333, %dma_start3A_334] : memref<10000x128xf32, #tpu.memory_space<vmem_shared>> -> memref<10000x128xf32, #tpu.memory_space<vmem_shared>>
      tpu.enqueue_indirect_dma source(%arg11 : memref<128x128xf32, #tpu.memory_space<vmem>>) target(%dma_start3A_335 : memref<10000x128xf32, #tpu.memory_space<vmem_shared>>) offsets(%dma_start3A_332 : memref<128xi32, #tpu.memory_space<vmem>>) semaphore(%arg22 : memref<!tpu.dma_semaphore, #tpu.memory_space<semaphore_mem>>) {add = true}
      %add3A_336 = arith.constant 2 : i32
      %add3A_337 = arith.addi %add3A_296, %add3A_336 : i32
      %mul3A_338 = arith.constant 32 : i32
      %mul3A_339 = arith.muli %add3A_337, %mul3A_338 : i32
      %add3A_340 = arith.addi %add3A, %mul3A_339 : i32
      %min3A_341 = arith.constant 2499 : i32
      %min3A_342 = arith.minsi %add3A_340, %min3A_341 : i32
      %mul3A_343 = arith.constant 128 : i32
      %mul3A_344 = arith.muli %min3A_342, %mul3A_343 : i32
      %dma_start3A_345 = arith.constant 0 : i32
      %dma_start3A_346 = tpu.memref_slice %arg2[%dma_start3A_345, %mul3A_344] : memref<2x320000xi32, #tpu.memory_space<hbm>> -> memref<2x128xi32, #tpu.memory_space<hbm>>
      %dma_start3A_347 = arith.constant 0 : i32
      %dma_start3A_348 = tpu.memref_slice %arg2[%dma_start3A_347, %mul3A_344] : memref<2x320000xi32, #tpu.memory_space<hbm>> -> memref<2x128xi32, #tpu.memory_space<hbm>>
      tpu.enqueue_dma source(%dma_start3A_348 : memref<2x128xi32, #tpu.memory_space<hbm>>) target(%arg8 : memref<2x128xi32, #tpu.memory_space<vmem>>) target_semaphore(%arg15 : memref<!tpu.dma_semaphore, #tpu.memory_space<semaphore_mem>>)
      %mul3A_349 = arith.constant 4 : i32
      %mul3A_350 = arith.muli %scan3A_174, %mul3A_349 : i32
      %add3A_351 = arith.constant 2 : i32
      %add3A_352 = arith.addi %mul3A_350, %add3A_351 : i32
      %add3A_353 = arith.constant 3 : i32
      %add3A_354 = arith.addi %add3A_352, %add3A_353 : i32
      %mul3A_355 = arith.constant 32 : i32
      %mul3A_356 = arith.muli %add3A_354, %mul3A_355 : i32
      %add3A_357 = arith.addi %add3A, %mul3A_356 : i32
      %min3A_358 = arith.constant 2499 : i32
      %min3A_359 = arith.minsi %add3A_357, %min3A_358 : i32
      %mul3A_360 = arith.constant 128 : i32
      %mul3A_361 = arith.muli %min3A_359, %mul3A_360 : i32
      %dma_wait3A_362 = arith.constant 0 : i32
      %dma_wait3A_363 = tpu.memref_slice %arg2[%dma_wait3A_362, %mul3A_361] : memref<2x320000xi32, #tpu.memory_space<hbm>> -> memref<2x128xi32, #tpu.memory_space<hbm>>
      %dma_wait3A_364 = arith.constant 0 : i32
      %dma_wait3A_365 = tpu.memref_slice %arg2[%dma_wait3A_364, %mul3A_361] : memref<2x320000xi32, #tpu.memory_space<hbm>> -> memref<2x128xi32, #tpu.memory_space<hbm>>
      tpu.wait_dma2 semaphore(%arg14 : memref<!tpu.dma_semaphore, #tpu.memory_space<semaphore_mem>>) src(%dma_wait3A_365 : memref<2x128xi32, #tpu.memory_space<hbm>>) dst(%arg7 : memref<2x128xi32, #tpu.memory_space<vmem>>)
      %dma_wait3A_366 = arith.constant 1 : i32
      %dma_wait3A_367 = arith.constant 0 : i32
      %dma_wait3A_368 = tpu.memref_slice %arg9[%dma_wait3A_366, %dma_wait3A_367] : memref<2x128xi32, #tpu.memory_space<vmem>> -> memref<1x128xi32, #tpu.memory_space<vmem>>
      %dma_wait3A_369 = tpu.memref_squeeze %dma_wait3A_368 : memref<1x128xi32, #tpu.memory_space<vmem>> -> memref<128xi32, #tpu.memory_space<vmem>>
      %dma_wait3A_370 = arith.constant 0 : i32
      %dma_wait3A_371 = arith.constant 0 : i32
      %dma_wait3A_372 = tpu.memref_slice %arg12[%dma_wait3A_370, %dma_wait3A_371] : memref<10000x128xf32, #tpu.memory_space<vmem_shared>> -> memref<10000x128xf32, #tpu.memory_space<vmem_shared>>
      tpu.wait_indirect_dma semaphore(%arg22 : memref<!tpu.dma_semaphore, #tpu.memory_space<semaphore_mem>>) src(%arg11 : memref<128x128xf32, #tpu.memory_space<vmem>>) dst(%dma_wait3A_372 : memref<10000x128xf32, #tpu.memory_space<vmem_shared>>)
      %dma_start3A_373 = arith.constant 0 : i32
      %dma_start3A_374 = arith.constant 0 : i32
      %dma_start3A_375 = tpu.memref_slice %arg7[%dma_start3A_373, %dma_start3A_374] : memref<2x128xi32, #tpu.memory_space<vmem>> -> memref<1x128xi32, #tpu.memory_space<vmem>>
      %dma_start3A_376 = tpu.memref_squeeze %dma_start3A_375 : memref<1x128xi32, #tpu.memory_space<vmem>> -> memref<128xi32, #tpu.memory_space<vmem>>
      %dma_start3A_377 = arith.constant 0 : i32
      %dma_start3A_378 = arith.constant 0 : i32
      %dma_start3A_379 = tpu.memref_slice %arg3[%dma_start3A_377, %dma_start3A_378] : memref<10000x128xf32, #tpu.memory_space<hbm>> -> memref<10000x128xf32, #tpu.memory_space<hbm>>
      tpu.enqueue_indirect_dma source(%dma_start3A_379 : memref<10000x128xf32, #tpu.memory_space<hbm>>) target(%arg11 : memref<128x128xf32, #tpu.memory_space<vmem>>) offsets(%dma_start3A_376 : memref<128xi32, #tpu.memory_space<vmem>>) semaphore(%arg18 : memref<!tpu.dma_semaphore, #tpu.memory_space<semaphore_mem>>)
      %dma_wait3A_380 = arith.constant 0 : i32
      %dma_wait3A_381 = arith.constant 0 : i32
      %dma_wait3A_382 = tpu.memref_slice %arg6[%dma_wait3A_380, %dma_wait3A_381] : memref<2x128xi32, #tpu.memory_space<vmem>> -> memref<1x128xi32, #tpu.memory_space<vmem>>
      %dma_wait3A_383 = tpu.memref_squeeze %dma_wait3A_382 : memref<1x128xi32, #tpu.memory_space<vmem>> -> memref<128xi32, #tpu.memory_space<vmem>>
      %dma_wait3A_384 = arith.constant 0 : i32
      %dma_wait3A_385 = arith.constant 0 : i32
      %dma_wait3A_386 = tpu.memref_slice %arg3[%dma_wait3A_384, %dma_wait3A_385] : memref<10000x128xf32, #tpu.memory_space<hbm>> -> memref<10000x128xf32, #tpu.memory_space<hbm>>
      tpu.wait_indirect_dma semaphore(%arg17 : memref<!tpu.dma_semaphore, #tpu.memory_space<semaphore_mem>>) src(%dma_wait3A_386 : memref<10000x128xf32, #tpu.memory_space<hbm>>) dst(%arg10 : memref<128x128xf32, #tpu.memory_space<vmem>>)
      %dma_start3A_387 = arith.constant 1 : i32
      %dma_start3A_388 = arith.constant 0 : i32
      %dma_start3A_389 = tpu.memref_slice %arg6[%dma_start3A_387, %dma_start3A_388] : memref<2x128xi32, #tpu.memory_space<vmem>> -> memref<1x128xi32, #tpu.memory_space<vmem>>
      %dma_start3A_390 = tpu.memref_squeeze %dma_start3A_389 : memref<1x128xi32, #tpu.memory_space<vmem>> -> memref<128xi32, #tpu.memory_space<vmem>>
      %dma_start3A_391 = arith.constant 0 : i32
      %dma_start3A_392 = arith.constant 0 : i32
      %dma_start3A_393 = tpu.memref_slice %arg12[%dma_start3A_391, %dma_start3A_392] : memref<10000x128xf32, #tpu.memory_space<vmem_shared>> -> memref<10000x128xf32, #tpu.memory_space<vmem_shared>>
      tpu.enqueue_indirect_dma source(%arg10 : memref<128x128xf32, #tpu.memory_space<vmem>>) target(%dma_start3A_393 : memref<10000x128xf32, #tpu.memory_space<vmem_shared>>) offsets(%dma_start3A_390 : memref<128xi32, #tpu.memory_space<vmem>>) semaphore(%arg19 : memref<!tpu.dma_semaphore, #tpu.memory_space<semaphore_mem>>) {add = true}
      %add3A_394 = arith.constant 2 : i32
      %add3A_395 = arith.addi %add3A_354, %add3A_394 : i32
      %mul3A_396 = arith.constant 32 : i32
      %mul3A_397 = arith.muli %add3A_395, %mul3A_396 : i32
      %add3A_398 = arith.addi %add3A, %mul3A_397 : i32
      %min3A_399 = arith.constant 2499 : i32
      %min3A_400 = arith.minsi %add3A_398, %min3A_399 : i32
      %mul3A_401 = arith.constant 128 : i32
      %mul3A_402 = arith.muli %min3A_400, %mul3A_401 : i32
      %dma_start3A_403 = arith.constant 0 : i32
      %dma_start3A_404 = tpu.memref_slice %arg2[%dma_start3A_403, %mul3A_402] : memref<2x320000xi32, #tpu.memory_space<hbm>> -> memref<2x128xi32, #tpu.memory_space<hbm>>
      %dma_start3A_405 = arith.constant 0 : i32
      %dma_start3A_406 = tpu.memref_slice %arg2[%dma_start3A_405, %mul3A_402] : memref<2x320000xi32, #tpu.memory_space<hbm>> -> memref<2x128xi32, #tpu.memory_space<hbm>>
      tpu.enqueue_dma source(%dma_start3A_406 : memref<2x128xi32, #tpu.memory_space<hbm>>) target(%arg9 : memref<2x128xi32, #tpu.memory_space<vmem>>) target_semaphore(%arg16 : memref<!tpu.dma_semaphore, #tpu.memory_space<semaphore_mem>>)
    }
    %scan3A_110 = arith.constant 19 : i32
    %dma_wait3A_111 = arith.constant 0 : i32
    %dma_wait3A_112 = arith.constant 0 : i32
    %dma_wait3A_113 = tpu.memref_slice %arg7[%dma_wait3A_111, %dma_wait3A_112] : memref<2x128xi32, #tpu.memory_space<vmem>> -> memref<1x128xi32, #tpu.memory_space<vmem>>
    %dma_wait3A_114 = tpu.memref_squeeze %dma_wait3A_113 : memref<1x128xi32, #tpu.memory_space<vmem>> -> memref<128xi32, #tpu.memory_space<vmem>>
    %dma_wait3A_115 = arith.constant 0 : i32
    %dma_wait3A_116 = arith.constant 0 : i32
    %dma_wait3A_117 = tpu.memref_slice %arg3[%dma_wait3A_115, %dma_wait3A_116] : memref<10000x128xf32, #tpu.memory_space<hbm>> -> memref<10000x128xf32, #tpu.memory_space<hbm>>
    tpu.wait_indirect_dma semaphore(%arg18 : memref<!tpu.dma_semaphore, #tpu.memory_space<semaphore_mem>>) src(%dma_wait3A_117 : memref<10000x128xf32, #tpu.memory_space<hbm>>) dst(%arg11 : memref<128x128xf32, #tpu.memory_space<vmem>>)
    %dma_start3A_118 = arith.constant 1 : i32
    %dma_start3A_119 = arith.constant 0 : i32
    %dma_start3A_120 = tpu.memref_slice %arg7[%dma_start3A_118, %dma_start3A_119] : memref<2x128xi32, #tpu.memory_space<vmem>> -> memref<1x128xi32, #tpu.memory_space<vmem>>
    %dma_start3A_121 = tpu.memref_squeeze %dma_start3A_120 : memref<1x128xi32, #tpu.memory_space<vmem>> -> memref<128xi32, #tpu.memory_space<vmem>>
    %dma_start3A_122 = arith.constant 0 : i32
    %dma_start3A_123 = arith.constant 0 : i32
    %dma_start3A_124 = tpu.memref_slice %arg12[%dma_start3A_122, %dma_start3A_123] : memref<10000x128xf32, #tpu.memory_space<vmem_shared>> -> memref<10000x128xf32, #tpu.memory_space<vmem_shared>>
    tpu.enqueue_indirect_dma source(%arg11 : memref<128x128xf32, #tpu.memory_space<vmem>>) target(%dma_start3A_124 : memref<10000x128xf32, #tpu.memory_space<vmem_shared>>) offsets(%dma_start3A_121 : memref<128xi32, #tpu.memory_space<vmem>>) semaphore(%arg20 : memref<!tpu.dma_semaphore, #tpu.memory_space<semaphore_mem>>) {add = true}
    %add3A_125 = arith.constant 2496 : i32
    %add3A_126 = arith.addi %add3A, %add3A_125 : i32
    %min3A_127 = arith.constant 2499 : i32
    %min3A_128 = arith.minsi %add3A_126, %min3A_127 : i32
    %mul3A_129 = arith.constant 128 : i32
    %mul3A_130 = arith.muli %min3A_128, %mul3A_129 : i32
    %dma_wait3A_131 = arith.constant 0 : i32
    %dma_wait3A_132 = tpu.memref_slice %arg2[%dma_wait3A_131, %mul3A_130] : memref<2x320000xi32, #tpu.memory_space<hbm>> -> memref<2x128xi32, #tpu.memory_space<hbm>>
    %dma_wait3A_133 = arith.constant 0 : i32
    %dma_wait3A_134 = tpu.memref_slice %arg2[%dma_wait3A_133, %mul3A_130] : memref<2x320000xi32, #tpu.memory_space<hbm>> -> memref<2x128xi32, #tpu.memory_space<hbm>>
    tpu.wait_dma2 semaphore(%arg15 : memref<!tpu.dma_semaphore, #tpu.memory_space<semaphore_mem>>) src(%dma_wait3A_134 : memref<2x128xi32, #tpu.memory_space<hbm>>) dst(%arg8 : memref<2x128xi32, #tpu.memory_space<vmem>>)
    %add3A_135 = arith.constant 2528 : i32
    %add3A_136 = arith.addi %add3A, %add3A_135 : i32
    %min3A_137 = arith.constant 2499 : i32
    %min3A_138 = arith.minsi %add3A_136, %min3A_137 : i32
    %mul3A_139 = arith.constant 128 : i32
    %mul3A_140 = arith.muli %min3A_138, %mul3A_139 : i32
    %dma_wait3A_141 = arith.constant 0 : i32
    %dma_wait3A_142 = tpu.memref_slice %arg2[%dma_wait3A_141, %mul3A_140] : memref<2x320000xi32, #tpu.memory_space<hbm>> -> memref<2x128xi32, #tpu.memory_space<hbm>>
    %dma_wait3A_143 = arith.constant 0 : i32
    %dma_wait3A_144 = tpu.memref_slice %arg2[%dma_wait3A_143, %mul3A_140] : memref<2x320000xi32, #tpu.memory_space<hbm>> -> memref<2x128xi32, #tpu.memory_space<hbm>>
    tpu.wait_dma2 semaphore(%arg16 : memref<!tpu.dma_semaphore, #tpu.memory_space<semaphore_mem>>) src(%dma_wait3A_144 : memref<2x128xi32, #tpu.memory_space<hbm>>) dst(%arg9 : memref<2x128xi32, #tpu.memory_space<vmem>>)
    %dma_wait3A_145 = arith.constant 1 : i32
    %dma_wait3A_146 = arith.constant 0 : i32
    %dma_wait3A_147 = tpu.memref_slice %arg6[%dma_wait3A_145, %dma_wait3A_146] : memref<2x128xi32, #tpu.memory_space<vmem>> -> memref<1x128xi32, #tpu.memory_space<vmem>>
    %dma_wait3A_148 = tpu.memref_squeeze %dma_wait3A_147 : memref<1x128xi32, #tpu.memory_space<vmem>> -> memref<128xi32, #tpu.memory_space<vmem>>
    %dma_wait3A_149 = arith.constant 0 : i32
    %dma_wait3A_150 = arith.constant 0 : i32
    %dma_wait3A_151 = tpu.memref_slice %arg12[%dma_wait3A_149, %dma_wait3A_150] : memref<10000x128xf32, #tpu.memory_space<vmem_shared>> -> memref<10000x128xf32, #tpu.memory_space<vmem_shared>>
    tpu.wait_indirect_dma semaphore(%arg19 : memref<!tpu.dma_semaphore, #tpu.memory_space<semaphore_mem>>) src(%arg10 : memref<128x128xf32, #tpu.memory_space<vmem>>) dst(%dma_wait3A_151 : memref<10000x128xf32, #tpu.memory_space<vmem_shared>>)
    %lt3A = arith.constant 4 : i32
    %lt3A_152 = arith.cmpi slt, %add3A, %lt3A : i32
    %convert_element_type3A_153 = arith.extui %lt3A_152 : i1 to i32
    %cond3A_154 = arith.constant 0 : i32
    %cond3A_155 = arith.cmpi ne, %convert_element_type3A_153, %cond3A_154 : i32
    scf.if %cond3A_155 {
      %dma_start3A_174 = arith.constant 0 : i32
      %dma_start3A_175 = arith.constant 0 : i32
      %dma_start3A_176 = tpu.memref_slice %arg8[%dma_start3A_174, %dma_start3A_175] : memref<2x128xi32, #tpu.memory_space<vmem>> -> memref<1x128xi32, #tpu.memory_space<vmem>>
      %dma_start3A_177 = tpu.memref_squeeze %dma_start3A_176 : memref<1x128xi32, #tpu.memory_space<vmem>> -> memref<128xi32, #tpu.memory_space<vmem>>
      %dma_start3A_178 = arith.constant 0 : i32
      %dma_start3A_179 = arith.constant 0 : i32
      %dma_start3A_180 = tpu.memref_slice %arg3[%dma_start3A_178, %dma_start3A_179] : memref<10000x128xf32, #tpu.memory_space<hbm>> -> memref<10000x128xf32, #tpu.memory_space<hbm>>
      tpu.enqueue_indirect_dma source(%dma_start3A_180 : memref<10000x128xf32, #tpu.memory_space<hbm>>) target(%arg10 : memref<128x128xf32, #tpu.memory_space<vmem>>) offsets(%dma_start3A_177 : memref<128xi32, #tpu.memory_space<vmem>>) semaphore(%arg17 : memref<!tpu.dma_semaphore, #tpu.memory_space<semaphore_mem>>)
      %dma_wait3A_181 = arith.constant 0 : i32
      %dma_wait3A_182 = arith.constant 0 : i32
      %dma_wait3A_183 = tpu.memref_slice %arg8[%dma_wait3A_181, %dma_wait3A_182] : memref<2x128xi32, #tpu.memory_space<vmem>> -> memref<1x128xi32, #tpu.memory_space<vmem>>
      %dma_wait3A_184 = tpu.memref_squeeze %dma_wait3A_183 : memref<1x128xi32, #tpu.memory_space<vmem>> -> memref<128xi32, #tpu.memory_space<vmem>>
      %dma_wait3A_185 = arith.constant 0 : i32
      %dma_wait3A_186 = arith.constant 0 : i32
      %dma_wait3A_187 = tpu.memref_slice %arg3[%dma_wait3A_185, %dma_wait3A_186] : memref<10000x128xf32, #tpu.memory_space<hbm>> -> memref<10000x128xf32, #tpu.memory_space<hbm>>
      tpu.wait_indirect_dma semaphore(%arg17 : memref<!tpu.dma_semaphore, #tpu.memory_space<semaphore_mem>>) src(%dma_wait3A_187 : memref<10000x128xf32, #tpu.memory_space<hbm>>) dst(%arg10 : memref<128x128xf32, #tpu.memory_space<vmem>>)
      %dma_start3A_188 = arith.constant 1 : i32
      %dma_start3A_189 = arith.constant 0 : i32
      %dma_start3A_190 = tpu.memref_slice %arg8[%dma_start3A_188, %dma_start3A_189] : memref<2x128xi32, #tpu.memory_space<vmem>> -> memref<1x128xi32, #tpu.memory_space<vmem>>
      %dma_start3A_191 = tpu.memref_squeeze %dma_start3A_190 : memref<1x128xi32, #tpu.memory_space<vmem>> -> memref<128xi32, #tpu.memory_space<vmem>>
      %dma_start3A_192 = arith.constant 0 : i32
      %dma_start3A_193 = arith.constant 0 : i32
      %dma_start3A_194 = tpu.memref_slice %arg12[%dma_start3A_192, %dma_start3A_193] : memref<10000x128xf32, #tpu.memory_space<vmem_shared>> -> memref<10000x128xf32, #tpu.memory_space<vmem_shared>>
      tpu.enqueue_indirect_dma source(%arg10 : memref<128x128xf32, #tpu.memory_space<vmem>>) target(%dma_start3A_194 : memref<10000x128xf32, #tpu.memory_space<vmem_shared>>) offsets(%dma_start3A_191 : memref<128xi32, #tpu.memory_space<vmem>>) semaphore(%arg21 : memref<!tpu.dma_semaphore, #tpu.memory_space<semaphore_mem>>) {add = true}
      %dma_wait3A_195 = arith.constant 1 : i32
      %dma_wait3A_196 = arith.constant 0 : i32
      %dma_wait3A_197 = tpu.memref_slice %arg8[%dma_wait3A_195, %dma_wait3A_196] : memref<2x128xi32, #tpu.memory_space<vmem>> -> memref<1x128xi32, #tpu.memory_space<vmem>>
      %dma_wait3A_198 = tpu.memref_squeeze %dma_wait3A_197 : memref<1x128xi32, #tpu.memory_space<vmem>> -> memref<128xi32, #tpu.memory_space<vmem>>
      %dma_wait3A_199 = arith.constant 0 : i32
      %dma_wait3A_200 = arith.constant 0 : i32
      %dma_wait3A_201 = tpu.memref_slice %arg12[%dma_wait3A_199, %dma_wait3A_200] : memref<10000x128xf32, #tpu.memory_space<vmem_shared>> -> memref<10000x128xf32, #tpu.memory_space<vmem_shared>>
      tpu.wait_indirect_dma semaphore(%arg21 : memref<!tpu.dma_semaphore, #tpu.memory_space<semaphore_mem>>) src(%arg10 : memref<128x128xf32, #tpu.memory_space<vmem>>) dst(%dma_wait3A_201 : memref<10000x128xf32, #tpu.memory_space<vmem_shared>>)
    } else {
    }
    %dma_wait3A_156 = arith.constant 1 : i32
    %dma_wait3A_157 = arith.constant 0 : i32
    %dma_wait3A_158 = tpu.memref_slice %arg7[%dma_wait3A_156, %dma_wait3A_157] : memref<2x128xi32, #tpu.memory_space<vmem>> -> memref<1x128xi32, #tpu.memory_space<vmem>>
    %dma_wait3A_159 = tpu.memref_squeeze %dma_wait3A_158 : memref<1x128xi32, #tpu.memory_space<vmem>> -> memref<128xi32, #tpu.memory_space<vmem>>
    %dma_wait3A_160 = arith.constant 0 : i32
    %dma_wait3A_161 = arith.constant 0 : i32
    %dma_wait3A_162 = tpu.memref_slice %arg12[%dma_wait3A_160, %dma_wait3A_161] : memref<10000x128xf32, #tpu.memory_space<vmem_shared>> -> memref<10000x128xf32, #tpu.memory_space<vmem_shared>>
    tpu.wait_indirect_dma semaphore(%arg20 : memref<!tpu.dma_semaphore, #tpu.memory_space<semaphore_mem>>) src(%arg11 : memref<128x128xf32, #tpu.memory_space<vmem>>) dst(%dma_wait3A_162 : memref<10000x128xf32, #tpu.memory_space<vmem_shared>>)
    %barrier3A_163 = arith.constant 0 : index
    tpu.barrier barrier_id(%barrier3A_163)
    %eq3A_164 = arith.constant 0 : i32
    %eq3A_165 = arith.cmpi eq, %arg0, %eq3A_164 : i32
    %convert_element_type3A_166 = arith.extui %eq3A_165 : i1 to i32
    %cond3A_167 = arith.constant 0 : i32
    %cond3A_168 = arith.cmpi ne, %convert_element_type3A_166, %cond3A_167 : i32
    scf.if %cond3A_168 {
      "tpu.region"() ({
        %run_scoped3A = tpu.sem_alloc : memref<!tpu.dma_semaphore, #tpu.memory_space<semaphore_mem>>
        %dma_start3A_179 = arith.constant 0 : i32
        %dma_start3A_180 = tpu.memref_slice %arg4[%mul3A_2, %dma_start3A_179] : memref<10000x128xf32, #tpu.memory_space<hbm>> -> memref<624x128xf32, #tpu.memory_space<hbm>>
        %dma_start3A_181 = arith.constant 0 : i32
        %dma_start3A_182 = tpu.memref_slice %arg12[%mul3A_2, %dma_start3A_181] : memref<10000x128xf32, #tpu.memory_space<vmem_shared>> -> memref<624x128xf32, #tpu.memory_space<vmem_shared>>
        tpu.enqueue_dma source(%dma_start3A_182 : memref<624x128xf32, #tpu.memory_space<vmem_shared>>) target(%dma_start3A_180 : memref<624x128xf32, #tpu.memory_space<hbm>>) target_semaphore(%run_scoped3A : memref<!tpu.dma_semaphore, #tpu.memory_space<semaphore_mem>>)
        %dma_wait3A_183 = arith.constant 0 : i32
        %dma_wait3A_184 = tpu.memref_slice %arg4[%mul3A_2, %dma_wait3A_183] : memref<10000x128xf32, #tpu.memory_space<hbm>> -> memref<624x128xf32, #tpu.memory_space<hbm>>
        %dma_wait3A_185 = arith.constant 0 : i32
        %dma_wait3A_186 = tpu.memref_slice %arg12[%mul3A_2, %dma_wait3A_185] : memref<10000x128xf32, #tpu.memory_space<vmem_shared>> -> memref<624x128xf32, #tpu.memory_space<vmem_shared>>
        tpu.wait_dma2 semaphore(%run_scoped3A : memref<!tpu.dma_semaphore, #tpu.memory_space<semaphore_mem>>) src(%dma_wait3A_186 : memref<624x128xf32, #tpu.memory_space<vmem_shared>>) dst(%dma_wait3A_184 : memref<624x128xf32, #tpu.memory_space<hbm>>)
        tpu.yield
      }) : () -> ()
      %eq3A_174 = arith.constant 15 : i32
      %eq3A_175 = arith.cmpi eq, %arg1, %eq3A_174 : i32
      %convert_element_type3A_176 = arith.extui %eq3A_175 : i1 to i32
      %cond3A_177 = arith.constant 0 : i32
      %cond3A_178 = arith.cmpi ne, %convert_element_type3A_176, %cond3A_177 : i32
      scf.if %cond3A_178 {
        "tpu.region"() ({
          %run_scoped3A = tpu.sem_alloc : memref<!tpu.dma_semaphore, #tpu.memory_space<semaphore_mem>>
          %dma_start3A_179 = arith.constant 9984 : i32
          %dma_start3A_180 = arith.constant 0 : i32
          %dma_start3A_181 = tpu.memref_slice %arg4[%dma_start3A_179, %dma_start3A_180] : memref<10000x128xf32, #tpu.memory_space<hbm>> -> memref<16x128xf32, #tpu.memory_space<hbm>>
          %dma_start3A_182 = arith.constant 9984 : i32
          %dma_start3A_183 = arith.constant 0 : i32
          %dma_start3A_184 = tpu.memref_slice %arg12[%dma_start3A_182, %dma_start3A_183] : memref<10000x128xf32, #tpu.memory_space<vmem_shared>> -> memref<16x128xf32, #tpu.memory_space<vmem_shared>>
          tpu.enqueue_dma source(%dma_start3A_184 : memref<16x128xf32, #tpu.memory_space<vmem_shared>>) target(%dma_start3A_181 : memref<16x128xf32, #tpu.memory_space<hbm>>) target_semaphore(%run_scoped3A : memref<!tpu.dma_semaphore, #tpu.memory_space<semaphore_mem>>)
          %dma_wait3A_185 = arith.constant 9984 : i32
          %dma_wait3A_186 = arith.constant 0 : i32
          %dma_wait3A_187 = tpu.memref_slice %arg4[%dma_wait3A_185, %dma_wait3A_186] : memref<10000x128xf32, #tpu.memory_space<hbm>> -> memref<16x128xf32, #tpu.memory_space<hbm>>
          %dma_wait3A_188 = arith.constant 9984 : i32
          %dma_wait3A_189 = arith.constant 0 : i32
          %dma_wait3A_190 = tpu.memref_slice %arg12[%dma_wait3A_188, %dma_wait3A_189] : memref<10000x128xf32, #tpu.memory_space<vmem_shared>> -> memref<16x128xf32, #tpu.memory_space<vmem_shared>>
          tpu.wait_dma2 semaphore(%run_scoped3A : memref<!tpu.dma_semaphore, #tpu.memory_space<semaphore_mem>>) src(%dma_wait3A_190 : memref<16x128xf32, #tpu.memory_space<vmem_shared>>) dst(%dma_wait3A_187 : memref<16x128xf32, #tpu.memory_space<hbm>>)
          tpu.yield
        }) : () -> ()
      } else {
      }
    } else {
    }
    %eq3A_169 = arith.constant 1 : i32
    %eq3A_170 = arith.cmpi eq, %arg0, %eq3A_169 : i32
    %convert_element_type3A_171 = arith.extui %eq3A_170 : i1 to i32
    %cond3A_172 = arith.constant 0 : i32
    %cond3A_173 = arith.cmpi ne, %convert_element_type3A_171, %cond3A_172 : i32
    scf.if %cond3A_173 {
      "tpu.region"() ({
        %run_scoped3A = tpu.sem_alloc : memref<!tpu.dma_semaphore, #tpu.memory_space<semaphore_mem>>
        %dma_start3A_179 = arith.constant 0 : i32
        %dma_start3A_180 = tpu.memref_slice %arg5[%mul3A_2, %dma_start3A_179] : memref<10000x128xf32, #tpu.memory_space<hbm>> -> memref<624x128xf32, #tpu.memory_space<hbm>>
        %dma_start3A_181 = arith.constant 0 : i32
        %dma_start3A_182 = tpu.memref_slice %arg12[%mul3A_2, %dma_start3A_181] : memref<10000x128xf32, #tpu.memory_space<vmem_shared>> -> memref<624x128xf32, #tpu.memory_space<vmem_shared>>
        tpu.enqueue_dma source(%dma_start3A_182 : memref<624x128xf32, #tpu.memory_space<vmem_shared>>) target(%dma_start3A_180 : memref<624x128xf32, #tpu.memory_space<hbm>>) target_semaphore(%run_scoped3A : memref<!tpu.dma_semaphore, #tpu.memory_space<semaphore_mem>>)
        %dma_wait3A_183 = arith.constant 0 : i32
        %dma_wait3A_184 = tpu.memref_slice %arg5[%mul3A_2, %dma_wait3A_183] : memref<10000x128xf32, #tpu.memory_space<hbm>> -> memref<624x128xf32, #tpu.memory_space<hbm>>
        %dma_wait3A_185 = arith.constant 0 : i32
        %dma_wait3A_186 = tpu.memref_slice %arg12[%mul3A_2, %dma_wait3A_185] : memref<10000x128xf32, #tpu.memory_space<vmem_shared>> -> memref<624x128xf32, #tpu.memory_space<vmem_shared>>
        tpu.wait_dma2 semaphore(%run_scoped3A : memref<!tpu.dma_semaphore, #tpu.memory_space<semaphore_mem>>) src(%dma_wait3A_186 : memref<624x128xf32, #tpu.memory_space<vmem_shared>>) dst(%dma_wait3A_184 : memref<624x128xf32, #tpu.memory_space<hbm>>)
        tpu.yield
      }) : () -> ()
      %eq3A_174 = arith.constant 15 : i32
      %eq3A_175 = arith.cmpi eq, %arg1, %eq3A_174 : i32
      %convert_element_type3A_176 = arith.extui %eq3A_175 : i1 to i32
      %cond3A_177 = arith.constant 0 : i32
      %cond3A_178 = arith.cmpi ne, %convert_element_type3A_176, %cond3A_177 : i32
      scf.if %cond3A_178 {
        "tpu.region"() ({
          %run_scoped3A = tpu.sem_alloc : memref<!tpu.dma_semaphore, #tpu.memory_space<semaphore_mem>>
          %dma_start3A_179 = arith.constant 9984 : i32
          %dma_start3A_180 = arith.constant 0 : i32
          %dma_start3A_181 = tpu.memref_slice %arg5[%dma_start3A_179, %dma_start3A_180] : memref<10000x128xf32, #tpu.memory_space<hbm>> -> memref<16x128xf32, #tpu.memory_space<hbm>>
          %dma_start3A_182 = arith.constant 9984 : i32
          %dma_start3A_183 = arith.constant 0 : i32
          %dma_start3A_184 = tpu.memref_slice %arg12[%dma_start3A_182, %dma_start3A_183] : memref<10000x128xf32, #tpu.memory_space<vmem_shared>> -> memref<16x128xf32, #tpu.memory_space<vmem_shared>>
          tpu.enqueue_dma source(%dma_start3A_184 : memref<16x128xf32, #tpu.memory_space<vmem_shared>>) target(%dma_start3A_181 : memref<16x128xf32, #tpu.memory_space<hbm>>) target_semaphore(%run_scoped3A : memref<!tpu.dma_semaphore, #tpu.memory_space<semaphore_mem>>)
          %dma_wait3A_185 = arith.constant 9984 : i32
          %dma_wait3A_186 = arith.constant 0 : i32
          %dma_wait3A_187 = tpu.memref_slice %arg5[%dma_wait3A_185, %dma_wait3A_186] : memref<10000x128xf32, #tpu.memory_space<hbm>> -> memref<16x128xf32, #tpu.memory_space<hbm>>
          %dma_wait3A_188 = arith.constant 9984 : i32
          %dma_wait3A_189 = arith.constant 0 : i32
          %dma_wait3A_190 = tpu.memref_slice %arg12[%dma_wait3A_188, %dma_wait3A_189] : memref<10000x128xf32, #tpu.memory_space<vmem_shared>> -> memref<16x128xf32, #tpu.memory_space<vmem_shared>>
          tpu.wait_dma2 semaphore(%run_scoped3A : memref<!tpu.dma_semaphore, #tpu.memory_space<semaphore_mem>>) src(%dma_wait3A_190 : memref<16x128xf32, #tpu.memory_space<vmem_shared>>) dst(%dma_wait3A_187 : memref<16x128xf32, #tpu.memory_space<hbm>>)
          tpu.yield
        }) : () -> ()
      } else {
      }
    } else {
    }
    return
  }
}

module attributes {stable_mosaic.version = 14 : i64} {
  func.func @body(%arg0: i32, %arg1: memref<5000x128xf32, #tpu.memory_space<vmem>>, %arg2: memref<5000x128xf32, #tpu.memory_space<vmem>>, %arg3: memref<5000x2xf32, #tpu.memory_space<vmem>>, %arg4: memref<5000x128xf32, #tpu.memory_space<vmem>>, %arg5: memref<128x128xf32, #tpu.memory_space<vmem>>, %arg6: memref<128x128xf32, #tpu.memory_space<vmem>>, %arg7: memref<1x128xf32, #tpu.memory_space<vmem>>, %arg8: memref<5000x128xf32, #tpu.memory_space<vmem>>) attributes {dimension_semantics = [#tpu.dimension_semantics<arbitrary>], iteration_bounds = array<i64: 2>, scalar_prefetch = 0 : i64, scratch_operands = 0 : i64, tpu.core_type = #tpu.core_type<tc>, window_params = [{transform_indices = @transform_0, window_bounds = array<i64: 5000, 128>}, {transform_indices = @transform_1, window_bounds = array<i64: 5000, 128>}, {transform_indices = @transform_2, window_bounds = array<i64: 5000, 2>}, {transform_indices = @transform_3, window_bounds = array<i64: 5000, 128>}, {pipeline_mode = #tpu.pipeline_mode<synchronous>, transform_indices = @transform_4, window_bounds = array<i64: 128, 128>}, {pipeline_mode = #tpu.pipeline_mode<synchronous>, transform_indices = @transform_5, window_bounds = array<i64: 128, 128>}, {pipeline_mode = #tpu.pipeline_mode<synchronous>, transform_indices = @transform_6, window_bounds = array<i64: 1, 128>}, {transform_indices = @transform_7, window_bounds = array<i64: 5000, 128>}]} {
    %get3A = arith.constant 0 : index
    %get3A_0 = arith.constant 0 : index
    %get3A_1 = vector.load %arg3[%get3A, %get3A_0] : memref<5000x2xf32, #tpu.memory_space<vmem>>, vector<5000x1xf32>
    %get3A_2 = arith.constant 0 : index
    %get3A_3 = arith.constant 1 : index
    %get3A_4 = vector.load %arg3[%get3A_2, %get3A_3] : memref<5000x2xf32, #tpu.memory_space<vmem>>, vector<5000x1xf32>
    %add3A = arith.addf %get3A_1, %get3A_4 : vector<5000x1xf32>
    %max3A = arith.constant 1.000000e+00 : f32
    %max3A_5 = vector.broadcast %max3A : f32 to vector<5000x1xf32>
    %max3A_6 = arith.maximumf %add3A, %max3A_5 : vector<5000x1xf32>
    %div3A = arith.constant 1.000000e+00 : f32
    %div3A_7 = vector.broadcast %div3A : f32 to vector<5000x1xf32>
    %div3A_8 = arith.divf %div3A_7, %max3A_6 : vector<5000x1xf32>
    %get3A_9 = arith.constant 0 : index
    %get3A_10 = arith.constant 0 : index
    %get3A_11 = vector.load %arg1[%get3A_9, %get3A_10] : memref<5000x128xf32, #tpu.memory_space<vmem>>, vector<5000x128xf32>
    %get3A_12 = arith.constant 0 : index
    %get3A_13 = arith.constant 0 : index
    %get3A_14 = vector.load %arg2[%get3A_12, %get3A_13] : memref<5000x128xf32, #tpu.memory_space<vmem>>, vector<5000x128xf32>
    %add3A_15 = arith.addf %get3A_11, %get3A_14 : vector<5000x128xf32>
    %mul3A = vector.broadcast %div3A_8 : vector<5000x1xf32> to vector<5000x128xf32>
    %mul3A_16 = arith.mulf %add3A_15, %mul3A : vector<5000x128xf32>
    %get3A_17 = arith.constant 0 : index
    %get3A_18 = arith.constant 0 : index
    %get3A_19 = vector.load %arg5[%get3A_17, %get3A_18] : memref<128x128xf32, #tpu.memory_space<vmem>>, vector<128x128xf32>
    %dot_general3A = arith.constant dense<0.000000e+00> : vector<5000x128xf32>
    %dot_general3A_20 = tpu.matmul %mul3A_16, %get3A_19, %dot_general3A {dimension_numbers = #tpu.dot_dimension_numbers<[1], [0], [0], [1], [0, 0, 1, 1], [], []>, transpose_lhs_hint = false} : vector<5000x128xf32>, vector<128x128xf32>, vector<5000x128xf32> -> vector<5000x128xf32>
    %get3A_21 = arith.constant 0 : index
    %get3A_22 = arith.constant 0 : index
    %get3A_23 = vector.load %arg4[%get3A_21, %get3A_22] : memref<5000x128xf32, #tpu.memory_space<vmem>>, vector<5000x128xf32>
    %get3A_24 = arith.constant 0 : index
    %get3A_25 = arith.constant 0 : index
    %get3A_26 = vector.load %arg6[%get3A_24, %get3A_25] : memref<128x128xf32, #tpu.memory_space<vmem>>, vector<128x128xf32>
    %dot_general3A_27 = arith.constant dense<0.000000e+00> : vector<5000x128xf32>
    %dot_general3A_28 = tpu.matmul %get3A_23, %get3A_26, %dot_general3A_27 {dimension_numbers = #tpu.dot_dimension_numbers<[1], [0], [0], [1], [0, 0, 1, 1], [], []>, transpose_lhs_hint = false} : vector<5000x128xf32>, vector<128x128xf32>, vector<5000x128xf32> -> vector<5000x128xf32>
    %add3A_29 = arith.addf %dot_general3A_20, %dot_general3A_28 : vector<5000x128xf32>
    %get3A_30 = arith.constant 0 : index
    %get3A_31 = arith.constant 0 : index
    %get3A_32 = vector.load %arg7[%get3A_30, %get3A_31] : memref<1x128xf32, #tpu.memory_space<vmem>>, vector<1x128xf32>
    %add3A_33 = vector.broadcast %get3A_32 : vector<1x128xf32> to vector<5000x128xf32>
    %add3A_34 = arith.addf %add3A_29, %add3A_33 : vector<5000x128xf32>
    %max3A_35 = arith.constant 0.000000e+00 : f32
    %max3A_36 = vector.broadcast %max3A_35 : f32 to vector<5000x128xf32>
    %max3A_37 = arith.maximumf %add3A_34, %max3A_36 : vector<5000x128xf32>
    %swap3A = arith.constant 0 : index
    %swap3A_38 = arith.constant 0 : index
    %swap3A_39 = vector.load %arg8[%swap3A, %swap3A_38] : memref<5000x128xf32, #tpu.memory_space<vmem>>, vector<5000x128xf32>
    tpu.vector_store %arg8[%swap3A, %swap3A_38], %max3A_37 {strides = array<i32>} : memref<5000x128xf32, #tpu.memory_space<vmem>>, vector<5000x128xf32>,
    return
  }
  func.func @transform_0(%arg0: i32) -> (i32, i32) {
    %c0_i32 = arith.constant 0 : i32
    %c0_i32_0 = arith.constant 0 : i32
    return %arg0, %c0_i32 : i32, i32
  }
  func.func @transform_1(%arg0: i32) -> (i32, i32) {
    %c0_i32 = arith.constant 0 : i32
    %c0_i32_0 = arith.constant 0 : i32
    return %arg0, %c0_i32 : i32, i32
  }
  func.func @transform_2(%arg0: i32) -> (i32, i32) {
    %c0_i32 = arith.constant 0 : i32
    %c0_i32_0 = arith.constant 0 : i32
    return %arg0, %c0_i32 : i32, i32
  }
  func.func @transform_3(%arg0: i32) -> (i32, i32) {
    %c0_i32 = arith.constant 0 : i32
    %c0_i32_0 = arith.constant 0 : i32
    return %arg0, %c0_i32 : i32, i32
  }
  func.func @transform_4(%arg0: i32) -> (i32, i32) {
    %c0_i32 = arith.constant 0 : i32
    %c0_i32_0 = arith.constant 0 : i32
    %c0_i32_1 = arith.constant 0 : i32
    return %c0_i32, %c0_i32_0 : i32, i32
  }
  func.func @transform_5(%arg0: i32) -> (i32, i32) {
    %c0_i32 = arith.constant 0 : i32
    %c0_i32_0 = arith.constant 0 : i32
    %c0_i32_1 = arith.constant 0 : i32
    return %c0_i32, %c0_i32_0 : i32, i32
  }
  func.func @transform_6(%arg0: i32) -> (i32, i32) {
    %c0_i32 = arith.constant 0 : i32
    %c0_i32_0 = arith.constant 0 : i32
    %c0_i32_1 = arith.constant 0 : i32
    return %c0_i32, %c0_i32_0 : i32, i32
  }
  func.func @transform_7(%arg0: i32) -> (i32, i32) {
    %c0_i32 = arith.constant 0 : i32
    %c0_i32_0 = arith.constant 0 : i32
    return %arg0, %c0_i32 : i32, i32
  }
}

module attributes {stable_mosaic.version = 14 : i64} {
  func.func @body(%arg0: i32, %arg1: memref<5000x128xf32, #tpu.memory_space<vmem>>, %arg2: memref<5000x128xf32, #tpu.memory_space<vmem>>, %arg3: memref<5000x2xf32, #tpu.memory_space<vmem>>, %arg4: memref<5000x128xf32, #tpu.memory_space<vmem>>, %arg5: memref<128x128xf32, #tpu.memory_space<vmem>>, %arg6: memref<128x128xf32, #tpu.memory_space<vmem>>, %arg7: memref<1x128xf32, #tpu.memory_space<vmem>>, %arg8: memref<5000x128xf32, #tpu.memory_space<vmem>>) attributes {dimension_semantics = [#tpu.dimension_semantics<arbitrary>], iteration_bounds = array<i64: 2>, scalar_prefetch = 0 : i64, scratch_operands = 0 : i64, tpu.core_type = #tpu.core_type<tc>, window_params = [{transform_indices = @transform_0, window_bounds = array<i64: 5000, 128>}, {transform_indices = @transform_1, window_bounds = array<i64: 5000, 128>}, {transform_indices = @transform_2, window_bounds = array<i64: 5000, 2>}, {transform_indices = @transform_3, window_bounds = array<i64: 5000, 128>}, {pipeline_mode = #tpu.pipeline_mode<synchronous>, transform_indices = @transform_4, window_bounds = array<i64: 128, 128>}, {pipeline_mode = #tpu.pipeline_mode<synchronous>, transform_indices = @transform_5, window_bounds = array<i64: 128, 128>}, {pipeline_mode = #tpu.pipeline_mode<synchronous>, transform_indices = @transform_6, window_bounds = array<i64: 1, 128>}, {transform_indices = @transform_7, window_bounds = array<i64: 5000, 128>}]} {
    %get3A = arith.constant 0 : index
    %get3A_0 = arith.constant 0 : index
    %get3A_1 = vector.load %arg3[%get3A, %get3A_0] : memref<5000x2xf32, #tpu.memory_space<vmem>>, vector<5000x1xf32>
    %get3A_2 = arith.constant 0 : index
    %get3A_3 = arith.constant 1 : index
    %get3A_4 = vector.load %arg3[%get3A_2, %get3A_3] : memref<5000x2xf32, #tpu.memory_space<vmem>>, vector<5000x1xf32>
    %add3A = arith.addf %get3A_1, %get3A_4 : vector<5000x1xf32>
    %max3A = arith.constant 1.000000e+00 : f32
    %max3A_5 = vector.broadcast %max3A : f32 to vector<5000x1xf32>
    %max3A_6 = arith.maximumf %add3A, %max3A_5 : vector<5000x1xf32>
    %div3A = arith.constant 1.000000e+00 : f32
    %div3A_7 = vector.broadcast %div3A : f32 to vector<5000x1xf32>
    %div3A_8 = arith.divf %div3A_7, %max3A_6 : vector<5000x1xf32>
    %get3A_9 = arith.constant 0 : index
    %get3A_10 = arith.constant 0 : index
    %get3A_11 = vector.load %arg1[%get3A_9, %get3A_10] : memref<5000x128xf32, #tpu.memory_space<vmem>>, vector<5000x128xf32>
    %get3A_12 = arith.constant 0 : index
    %get3A_13 = arith.constant 0 : index
    %get3A_14 = vector.load %arg2[%get3A_12, %get3A_13] : memref<5000x128xf32, #tpu.memory_space<vmem>>, vector<5000x128xf32>
    %add3A_15 = arith.addf %get3A_11, %get3A_14 : vector<5000x128xf32>
    %mul3A = vector.broadcast %div3A_8 : vector<5000x1xf32> to vector<5000x128xf32>
    %mul3A_16 = arith.mulf %add3A_15, %mul3A : vector<5000x128xf32>
    %get3A_17 = arith.constant 0 : index
    %get3A_18 = arith.constant 0 : index
    %get3A_19 = vector.load %arg5[%get3A_17, %get3A_18] : memref<128x128xf32, #tpu.memory_space<vmem>>, vector<128x128xf32>
    %dot_general3A = arith.constant dense<0.000000e+00> : vector<5000x128xf32>
    %dot_general3A_20 = tpu.matmul %mul3A_16, %get3A_19, %dot_general3A {dimension_numbers = #tpu.dot_dimension_numbers<[1], [0], [0], [1], [0, 0, 1, 1], [], []>, transpose_lhs_hint = false} : vector<5000x128xf32>, vector<128x128xf32>, vector<5000x128xf32> -> vector<5000x128xf32>
    %get3A_21 = arith.constant 0 : index
    %get3A_22 = arith.constant 0 : index
    %get3A_23 = vector.load %arg4[%get3A_21, %get3A_22] : memref<5000x128xf32, #tpu.memory_space<vmem>>, vector<5000x128xf32>
    %get3A_24 = arith.constant 0 : index
    %get3A_25 = arith.constant 0 : index
    %get3A_26 = vector.load %arg6[%get3A_24, %get3A_25] : memref<128x128xf32, #tpu.memory_space<vmem>>, vector<128x128xf32>
    %dot_general3A_27 = arith.constant dense<0.000000e+00> : vector<5000x128xf32>
    %dot_general3A_28 = tpu.matmul %get3A_23, %get3A_26, %dot_general3A_27 {dimension_numbers = #tpu.dot_dimension_numbers<[1], [0], [0], [1], [0, 0, 1, 1], [], []>, transpose_lhs_hint = false} : vector<5000x128xf32>, vector<128x128xf32>, vector<5000x128xf32> -> vector<5000x128xf32>
    %add3A_29 = arith.addf %dot_general3A_20, %dot_general3A_28 : vector<5000x128xf32>
    %get3A_30 = arith.constant 0 : index
    %get3A_31 = arith.constant 0 : index
    %get3A_32 = vector.load %arg7[%get3A_30, %get3A_31] : memref<1x128xf32, #tpu.memory_space<vmem>>, vector<1x128xf32>
    %add3A_33 = vector.broadcast %get3A_32 : vector<1x128xf32> to vector<5000x128xf32>
    %add3A_34 = arith.addf %add3A_29, %add3A_33 : vector<5000x128xf32>
    %swap3A = arith.constant 0 : index
    %swap3A_35 = arith.constant 0 : index
    %swap3A_36 = vector.load %arg8[%swap3A, %swap3A_35] : memref<5000x128xf32, #tpu.memory_space<vmem>>, vector<5000x128xf32>
    tpu.vector_store %arg8[%swap3A, %swap3A_35], %add3A_34 {strides = array<i32>} : memref<5000x128xf32, #tpu.memory_space<vmem>>, vector<5000x128xf32>,
    return
  }
  func.func @transform_0(%arg0: i32) -> (i32, i32) {
    %c0_i32 = arith.constant 0 : i32
    %c0_i32_0 = arith.constant 0 : i32
    return %arg0, %c0_i32 : i32, i32
  }
  func.func @transform_1(%arg0: i32) -> (i32, i32) {
    %c0_i32 = arith.constant 0 : i32
    %c0_i32_0 = arith.constant 0 : i32
    return %arg0, %c0_i32 : i32, i32
  }
  func.func @transform_2(%arg0: i32) -> (i32, i32) {
    %c0_i32 = arith.constant 0 : i32
    %c0_i32_0 = arith.constant 0 : i32
    return %arg0, %c0_i32 : i32, i32
  }
  func.func @transform_3(%arg0: i32) -> (i32, i32) {
    %c0_i32 = arith.constant 0 : i32
    %c0_i32_0 = arith.constant 0 : i32
    return %arg0, %c0_i32 : i32, i32
  }
  func.func @transform_4(%arg0: i32) -> (i32, i32) {
    %c0_i32 = arith.constant 0 : i32
    %c0_i32_0 = arith.constant 0 : i32
    %c0_i32_1 = arith.constant 0 : i32
    return %c0_i32, %c0_i32_0 : i32, i32
  }
  func.func @transform_5(%arg0: i32) -> (i32, i32) {
    %c0_i32 = arith.constant 0 : i32
    %c0_i32_0 = arith.constant 0 : i32
    %c0_i32_1 = arith.constant 0 : i32
    return %c0_i32, %c0_i32_0 : i32, i32
  }
  func.func @transform_6(%arg0: i32) -> (i32, i32) {
    %c0_i32 = arith.constant 0 : i32
    %c0_i32_0 = arith.constant 0 : i32
    %c0_i32_1 = arith.constant 0 : i32
    return %c0_i32, %c0_i32_0 : i32, i32
  }
  func.func @transform_7(%arg0: i32) -> (i32, i32) {
    %c0_i32 = arith.constant 0 : i32
    %c0_i32_0 = arith.constant 0 : i32
    return %arg0, %c0_i32 : i32, i32
  }
}

</mosaic_0001>

<sc_bundles>
// kernel: kernel.6.cloned.1.call-start
scs
__scs_entry_jumppad:
0x0: {  	(pc) =	sbr.rel $0x88, $3  }
0x1: {  	(tag) =	ssettag $0x0;
	lr =	simm.s32 $0x1  }
0x2: {  	[smem:$0x3F99] =	sst lr;
	_ =	strace $0xD0000000  }
0x3: {  	_ = 	snop  }
0x4: {  	_ = 	snop  }
0x5: {  	_ = 	snop  }
0x6: {  	_ = 	snop  }
0x7: {  	_ = 	snop  }
__scs_overlays_trampoline_lowered:
0x8: {  	[smem:$0x3FA8] =	sst s0  }
0x9: {  	[smem:$0x3FA9] =	sst s1  }
0xa: {  	[smem:$0x3FAA] =	sst s2  }
0xb: {  	[smem:$0x3FAB] =	sst s3  }
0xc: {  	[smem:$0x3FAC] =	sst s4  }
0xd: {  	[smem:$0x3FAD] =	sst s5  }
0xe: {  	[smem:$0x3FAE] =	sst s6  }
0xf: {  	[smem:$0x3FAF] =	sst s7  }
0x10: {  	[smem:$0x3FB0] =	sst s8  }
0x11: {  	[smem:$0x3FB1] =	sst s9;
	s0 =	simm.s32 @!p0 $0x0  }
0x12: {  	s1 =	sld [smem:$0x3F97];
	s0 =	simm.s32 @p0 $0x1  }
0x13: {  	[smem:$0x3FB2] =	sst s0;
	s0 =	simm.s32 @!p1 $0x0  }
0x14: {  	s2 =	sld [smem:$0x3F96];
	s0 =	simm.s32 @p1 $0x1  }
0x15: {  	[smem:$0x3FB3] =	sst s0;
	s0 =	simm.s32 @!p2 $0x0  }
0x16: {  	s3 =	sld [smem:$0x3FDB];
	s0 =	simm.s32 @p2 $0x1  }
0x17: {  	s4 =	simm.s32 $0x1BF5;
	[smem:$0x3FB5] =	sst s0  }
0x18: {  	s0 =	sld [smem:$0x3F98];
	_ =	swait.ge [sflag:s4], $0x0  }
0x19: {  	s7 =	sld [smem:$0x3F99]  }
0x1a: {  	s8 =	sadd.s32 $0xFFFFE003, lr  }
0x1b: {  	s9 =	sadd.s32 $0xFFFFFEF7, lr;
	s5 =	simm.s32 $0xFFFFFFFF;
	p2 =	slt.u32 s8, $0xFFFFF086  }
0x1c: {  	p1 =	slt.u32 s9, $0xF7A;
	s5 =	simm.s32 @!p2 $0x0  }
0x1d: {  	s5 =	simm.s32 @p1 $0x1;
	p0 =	seq.s32 s7, s2  }
0x1e: {  	s7 =	smul.u32 @!p0 $0xF7A, s2;
	p2 =	seq.s32 @!p0 s5, $0x0  }
0x1f: {  	s9 =	smul.u32 $0xF7A, s1;
	s8 =	simm.s32 @!p0 $0x1BF5;
	p2 =	por !p2, p0  }
0x20: {  	[sflag:s8] =	ssyncset.s32 @!p0 $0xFFFFF086;
	s6 =	sadd.s32 @!p0 s3, s7;
	s7 =	simm.s32 @!p0 $0x108  }
0x21: {  	s3 =	sadd.s32 s3, s9;
	s6 =	sadd.s32 @!p0 $0x88, s6;
	s7 =	simm.s32 @p2 $0x1082  }
0x22: {  	[simem:s7], [sflag:s8] =	dma.local @!p0 [hbm:s6], $0xF7A  }
0x23: {  	s9 =	sor.u32 $0xD0000000, s2;
	s6 =	simm.s32 $0x108;
	_ =	swait.ge @!p0 [sflag:s8], $0x0  }
0x24: {  	s3 =	sadd.s32 $0x88, s3;
	s6 =	simm.s32 @!p1 $0x1082;
	[sflag:s4] =	ssyncset.s32 $0xFFFFF086  }
0x25: {  	[simem:s6], [sflag:s4] =	dma.local [hbm:s3], $0xF7A  }
0x26: {  	[smem:$0x3F99] =	sst s1;
	(tag) =	ssettag s2;
	_ =	strace s9  }
0x27: {  	s1 =	sld [smem:$0x3FA9]  }
0x28: {  	s2 =	sld [smem:$0x3FAA]  }
0x29: {  	s4 =	sld [smem:$0x3FAC]  }
0x2a: {  	p0 =	seq.s32 s5, $0x0;
	s5 =	sld [smem:$0x3FAD]  }
0x2b: {  	s6 =	sld [smem:$0x3FAE]  }
0x2c: {  	s7 =	sld [smem:$0x3FAF]  }
0x2d: {  	s3 =	simm.s32 $0x108;
	s8 =	sld [smem:$0x3FB0]  }
0x2e: {  	s3 =	simm.s32 @!p0 $0x1082;
	s9 =	sld [smem:$0x3FB1]  }
0x2f: {  	lr =	sadd.s32 s0, s3;
	s0 =	sld [smem:$0x3FA8]  }
0x30: {  	s3 =	sld [smem:$0x3FAB]  }
0x31: {  	[smem:$0x3FB4] =	sst s10  }
0x32: {  	s10 =	sld [smem:$0x3FB2];
	_ =	sdelay $0x3  }
0x33: {  	p0 =	seq.s32 s10, $0x1;
	s10 =	sld [smem:$0x3FB4];
	_ =	sdelay $0x3  }
0x34: {  	[smem:$0x3FB4] =	sst s10  }
0x35: {  	s10 =	sld [smem:$0x3FB3];
	_ =	sdelay $0x3  }
0x36: {  	p1 =	seq.s32 s10, $0x1;
	s10 =	sld [smem:$0x3FB4];
	_ =	sdelay $0x3  }
0x37: {  	[smem:$0x3FB4] =	sst s10  }
0x38: {  	s10 =	sld [smem:$0x3FB5]  }
0x39: {  	_ = 	snop;
	(pc) =	sbr.ind lr, $3  }
0x3a: {  	_ = 	snop  }
0x3b: {  	_ = 	snop  }
0x3c: {  	p2 =	seq.s32 s10, $0x1;
	s10 =	sld [smem:$0x3FB4]  }
0x3d: {  	_ =	shalt  }
0x3e: {  	_ =	shalt  }
0x3f: {  	_ =	shalt  }
0x40: {  	_ =	shalt  }
0x41: {  	_ =	shalt  }
0x42: {  	_ =	shalt  }
0x43: {  	_ =	shalt  }
0x44: {  	_ =	shalt  }
0x45: {  	_ =	shalt  }
0x46: {  	_ =	shalt  }
0x47: {  	_ =	shalt  }
0x48: {  	_ =	shalt  }
0x49: {  	_ =	shalt  }
0x4a: {  	_ =	shalt  }
0x4b: {  	_ =	shalt  }
0x4c: {  	_ =	shalt  }
0x4d: {  	_ =	shalt  }
0x4e: {  	_ =	shalt  }
0x4f: {  	_ =	shalt  }
0x50: {  	_ =	shalt  }
0x51: {  	_ =	shalt  }
0x52: {  	_ =	shalt  }
0x53: {  	_ =	shalt  }
0x54: {  	_ =	shalt  }
0x55: {  	_ =	shalt  }
0x56: {  	_ =	shalt  }
0x57: {  	_ =	shalt  }
0x58: {  	_ =	shalt  }
0x59: {  	_ =	shalt  }
0x5a: {  	_ =	shalt  }
0x5b: {  	_ =	shalt  }
0x5c: {  	_ =	shalt  }
0x5d: {  	_ =	shalt  }
0x5e: {  	_ =	shalt  }
0x5f: {  	_ =	shalt  }
0x60: {  	_ =	shalt  }
0x61: {  	_ =	shalt  }
0x62: {  	_ =	shalt  }
0x63: {  	_ =	shalt  }
0x64: {  	_ =	shalt  }
0x65: {  	_ =	shalt  }
0x66: {  	_ =	shalt  }
0x67: {  	_ =	shalt  }
0x68: {  	_ =	shalt  }
0x69: {  	_ =	shalt  }
0x6a: {  	_ =	shalt  }
0x6b: {  	_ =	shalt  }
0x6c: {  	_ =	shalt  }
0x6d: {  	_ =	shalt  }
0x6e: {  	_ =	shalt  }
0x6f: {  	_ =	shalt  }
0x70: {  	_ =	shalt  }
0x71: {  	_ =	shalt  }
0x72: {  	_ =	shalt  }
0x73: {  	_ =	shalt  }
0x74: {  	_ =	shalt  }
0x75: {  	_ =	shalt  }
0x76: {  	_ =	shalt  }
0x77: {  	_ =	shalt  }
0x78: {  	_ =	shalt  }
0x79: {  	_ =	shalt  }
0x7a: {  	_ =	shalt  }
0x7b: {  	_ =	shalt  }
0x7c: {  	_ =	shalt  }
0x7d: {  	_ =	shalt  }
0x7e: {  	_ =	shalt  }
0x7f: {  	_ =	shalt  }
0x80: {  	_ =	shalt  }
0x81: {  	_ =	shalt  }
0x82: {  	_ =	shalt  }
0x83: {  	_ =	shalt  }
0x84: {  	_ =	shalt  }
0x85: {  	_ =	shalt  }
0x86: {  	_ =	shalt  }
0x87: {  	_ =	shalt  }
.Lfunc_end0:
.L_simem_size_0:
called_computation_lowered:
.L_overlay_start_0:
0x88: {  	s2 =	sld [smem:$0x3FD9]  }
0x89: {  	s3 =	sld [smem:$0x3FFE];
	_ =	sdelay $0x1  }
0x8a: {  	s1 =	srdreg.scid  }
0x8b: {  	s0 =	sand.u32 $0x1, s1  }
0x8c: {  	s17 =	sshll.u32 s0, $0xA;
	s2 =	sadd.s32 s3, s2  }
0x8d: {  	s2 =	sadd.s32 s2, s17  }
0x8e: {  	[smem:$0x3FC0] =	sst s2  }
0x8f: {  	_ = 	snop  }
0x90: {  	s2 =	sld [smem:$0x3FC9]  }
0x91: {  	s18 =	sld [smem:$0x3FC8]  }
0x92: {  	s4 =	sld [smem:$0x3FD0];
	(tm) =	ssettm $0x1  }
0x93: {  	s5 =	sld [smem:$0x3FFB];
	_ =	sdelay $0x3  }
0x94: {  	_ =	strace s5  }
0x95: {  	s5 =	sld [smem:$0x3FFC];
	_ =	sdelay $0x3  }
0x96: {  	_ =	strace s5  }
0x97: {  	s5 =	sld [smem:$0x3FFD];
	_ =	sdelay $0x3  }
0x98: {  	_ =	strace s5  }
0x99: {  	_ =	strace $0x8FFFFFFF  }
0x9a: {  	s19 =	sld [smem:$0x3FDB];
	_ =	sdelay $0x1  }
0x9b: {  	s6 =	simm.s32 $_scs_section_size  }
0x9c: {  	s7 =	simm.s32 $_size__tile_overlayer_lowered;
	s8 =	simm.s32 $_tile_overlayer_lowered  }
0x9d: {  	s22 =	simm.s32 $0x1BFF;
	s21 =	sshll.u32 s8, $0x1;
	s5 =	sadd.s32 s6, s19  }
0x9e: {  	s9 =	simm.s32 $0x0;
	s20 =	sshll.u32 s7, $0x1;
	s7 =	sadd.s32 s21, s5  }
0x9f: {  	[timem:s9], [sflag:s22] =	dma.local [hbm:s7], s20  }
0xa0: {  	_ =	swait.ge [sflag:s22], s20  }
0xa1: {  	s6 =	ssub.s32 $0x0, s20;
	[sflag:s22] =	ssyncset.done $0x0  }
0xa2: {  	[sflag:s22] =	ssyncadd.s32 s6;
	_ =	sdelay $0x1  }
0xa3: {  	s23 =	simm.s32 $0x1B8B  }
0xa4: {  	_ =	swait.ge [sflag:s23], $0x1  }
0xa5: {  	[sflag:s23] =	ssyncset.done $0x0  }
0xa6: {  	s25 =	simm.s32 $0x1B8E;
	s24 =	sld [smem:$0x3FFE];
	[sflag:s23] =	ssyncadd.s32 $0xFFFFFFFF  }
0xa7: {  	s26 =	simm.s32 $execute0_lowered;
	[smem:$0x3FD2] =	sst s25  }
0xa8: {  	s7 =	sshll.u32 s26, $0x1;
	_ =	strace $0x80000046;
	[dreg:$0x1] =	wrdreg $0xFFFFFFFF  }
0xa9: {  	s28 =	simm.s32 $_size_execute0_lowered;
	s5 =	sadd.s32 s5, s7;
	[dreg:$0x0] =	wrdreg $0x0  }
0xaa: {  	s7 =	sshll.u32 s28, $0x1;
	[dreg:$0x2] =	wrdreg s5  }
0xab: {  	[dreg:$0x3] =	wrdreg s7  }
0xac: {  	[dreg:$0x4] =	wrdreg $0xC0  }
0xad: {  	_ =	task [dreg:s9], $0x5FFFF  }
0xae: {  	[dreg:$0x1] =	wrdreg $0xFFFFFFFF  }
0xaf: {  	[dreg:$0x0] =	wrdreg $0x60  }
0xb0: {  	[dreg:$0x2] =	wrdreg s18  }
0xb1: {  	[dreg:$0x3] =	wrdreg s2  }
0xb2: {  	[dreg:$0x4] =	wrdreg s4  }
0xb3: {  	[dreg:$0x5] =	wrdreg s24  }
0xb4: {  	[dreg:$0x6] =	wrdreg $0x84000  }
0xb5: {  	[dreg:$0x7] =	wrdreg $0x1BD000  }
0xb6: {  	[dreg:$0x8] =	wrdreg $0x9  }
0xb7: {  	_ =	task.clear_ibuf [dreg:s9], $0x9FFFF;
	_ =	strace $0x90000046  }
0xb8: {  	s29 =	simm.s32 $0x9;
	_ =	strace $0x80000048  }
0xb9: {  	_ =	swait.ge [sflag:s29], $0x1  }
0xba: {  	[sflag:s29] =	ssyncadd.s32 $0xFFFFFFFF  }
0xbb: {  	_ =	strace $0x90000048  }
0xbc: {  	_ =	sfence  }
0xbd: {  	s30 =	sld [smem:$0x0];
	_ =	sdelay $0x2  }
0xbe: {  	s31 =	sshll.u32 s1, $0xD;
	s1 =	sshrl.u32 s1, $0x2  }
0xbf: {  	s3 =	sand.u32 $0x4000, s31;
	s1 =	sadd.s32 s1, s30  }
0xc0: {  	s0 =	sor.u32 s3, s0;
	s1 =	sshll.u32 s1, $0x11  }
0xc1: {  	s0 =	sor.u32 s1, s0  }
0xc2: {  	s0 =	sadd.s32 $0x8F2B, s0  }
0xc3: {  	[sflag:s0] =	ssyncadd.remote.s32 $0x1  }
0xc4: {  	_ =	sfence.sel $0xFFFF  }
0xc5: {  	[dreg:$0x0] =	wrdreg $0xFFFFFFFF;
	(pc) =	sbr.abs _section_cstart, $3  }
0xc6: {  	[dreg:$0x1] =	wrdreg $0xFFFFFFFF  }
0xc7: {  	_ =	task.clear_ibuf [dreg:s9], $0x2FFFF;
	_ =	strace $0x9FFFFFFF  }
0xc8: {  	(tm) =	ssettm $0x7FFFFFFF  }
0xc9: {  	_ =	shalt  }
tec
execute0_lowered:
.L_overlay_start_1:
0x0: {  	(tag) =	ssettag $0x1  }
0x1: {  	s1 =	rddreg [dreg:$0x0]  }
0x2: {  	s2 =	rddreg [dreg:$0x1]  }
0x3: {  	s10 =	rddreg [dreg:$0x2]  }
0x4: {  	s0 =	rddreg [dreg:$0x3]  }
0x5: {  	s4 =	rddreg [dreg:$0x4]  }
0x6: {  	s5 =	rddreg [dreg:$0x5];
	s7 =	simm.s32 $0x0;
	s3 =	srdreg.scid  }
0x7: {  	s12 =	stileid.u32;
	s31 =	simm.s32 $0x400;
	s28 =	simm.s32 $0x4  }
0x8: {  	s29 =	simm.s32 $0x8;
	s30 =	simm.s32 $0x280;
	[smem:$0x7FF] =	sst s7  }
0x9: {  	s3 =	sand.u32 $0x1, s3;
	s13 =	sadd.s32 $0x3400, s0;
	s8 =	smul.u32 $0x4E000, s12  }
0xa: {  	s14 =	sadd.s32 $0x2800, s0;
	s15 =	sadd.s32 $0x2E00, s0;
	s21 =	smul.u32 $0x270, s12  }
0xb: {  	s25 =	smul.u32 $0x2700, s12;
	s26 =	sadd.s32 $0x138000, s4;
	p1 =	sne.s32 s12, $0xF  }
0xc: {  	p3 =	seq.s32 s12, $0xF;
	_ =	strace $0x80000047;
	[dreg:$0x10] =	wrdreg s26  }
0xd: {  	s6 =	ssub.s32 $0x2, s3;
	s20 =	sshll.u32 s3, $0x4;
	[dreg:$0x8] =	wrdreg s14  }
0xe: {  	p0 =	seq.s32 s3, $0x1;
	s3 =	sshll.u32 s3, $0x9;
	[dreg:$0x7] =	wrdreg s13  }
0xf: {  	[dreg:$0x9] =	wrdreg s15;
	s19 =	sshrl.u32 s6, $0x1;
	s8 =	sshrl.u32 s8, $0x2  }
0x10: {  	s11 =	sor.u32 s12, s20;
	s16 =	sadd.s32 s21, s5;
	s18 =	sadd.s32 s10, s25  }
0x11: {  	s3 =	sadd.s32 s3, s1;
	s10 =	simm.s32 $0x5;
	s0 =	ssub.s32 s6, s19  }
0x12: {  	s8 =	sadd.s32 s8, s4;
	s24 =	sshll.u32 s11, $0x5;
	[dreg:$0xf] =	wrdreg s16  }
0x13: {  	[dreg:$0x12] =	wrdreg s18;
	s6 =	sshrl.u32 s21, $0x3;
	s19 =	sshll.u32 s12, $0x5  }
0x14: {  	s21 =	sadd.s32 s13, s25;
	p2 =	sgt.u32 s11, $0x3;
	[dreg:$0xa] =	wrdreg s8  }
0x15: {  	s13 =	simm.s32 $0x300;
	s9 =	sadd.s32 $0x4000, s8;
	[dreg:$0x14] =	wrdreg s21  }
0x16: {  	s16 =	simm.s32 $0x6;
	s22 =	sadd.s32 $0x8000, s8;
	[dreg:$0xb] =	wrdreg s9  }
0x17: {  	s18 =	simm.s32 $0x380;
	s23 =	sadd.s32 $0xC000, s8;
	[dreg:$0xc] =	wrdreg s22  }
0x18: {  	s8 =	sadd.s32 $0x10000, s8;
	s17 =	sadd.s32 s1, s24;
	[dreg:$0xd] =	wrdreg s23  }
0x19: {  	s3 =	sadd.s32 s19, s3;
	s20 =	sadd.s32 s14, s6;
	[dreg:$0xe] =	wrdreg s8  }
0x1a: {  	s6 =	sadd.s32 s15, s6;
	s0 =	smax.u32 s0, $0x1;
	[dreg:$0x13] =	wrdreg s20  }
0x1b: {  	s21 =	simm.s32 $0x1;
	s14 =	simm.s32 $0x3;
	[dreg:$0x15] =	wrdreg s6  }
0x1c: {  	s15 =	simm.s32 $0x7;
	s19 =	simm.s32 $0x9;
	[dreg:$0x16] =	wrdreg s0  }
0x1d: {  	s22 =	sadd.s32 $0x1400, s3;
	s23 =	sadd.s32 $0x2700, s5;
	[dreg:$0x11] =	wrdreg s17  }
0x1e: {  	s24 =	sadd.s32 $0x400, s17;
	s25 =	sadd.s32 $0x800, s17;
	[dreg:$0x17] =	wrdreg s22  }
.Ltmp0:
0x1f: {  	s26 =	sadd.s32 $0xC00, s17;
	[dreg:$0x18] =	wrdreg s23;
	(pc) =	sbr.rel .LBB2_1-.Ltmp0, $4  }
0x20: {  	s20 =	simm.s32 $0x100;
	s8 =	simm.s32 $0x2;
	[dreg:$0x19] =	wrdreg s24  }
0x21: {  	s9 =	simm.s32 $0x4400;
	s6 =	simm.s32 $0x1BC80;
	[dreg:$0x1a] =	wrdreg s25  }
0x22: {  	s0 =	simm.s32 $0x0;
	[dreg:$0x1b] =	wrdreg s26;
	s22 =	simm.s32 $0x80  }
0x23: {  	v0 =	vimm.f32 $0.0e+00;
	v1 =	vimm.f32 $1.000000000e+00;
	s23 =	simm.s32 $0x200;
	s24 =	simm.s32 $0x180;
	s26 =	simm.s32 $0xA  }
.LBB2_8:
0x24: {  	s25 =	rddreg [dreg:$0x10]  }
0x25: {  	s17 =	sadd.s32 $0x27000, s17;
	s25 =	sshrl.u32 s25, $0x3  }
0x26: {  	[hbm:s17], [sflag:s3] =	dma.local [spmem:s25], $0x100  }
0x27: {  	s25 =	simm.s32 $0xB  }
0x28: {  	_ =	swait.ge [sflag:s25], $0x100  }
0x29: {  	[sflag:s25] =	ssyncset.done $0x0  }
0x2a: {  	s17 =	simm.s32 $0x1BF78;
	s3 =	rddreg [dreg:$0x18];
	[sflag:s25] =	ssyncadd.s32 $0xFFFFFF00  }
0x2b: {  	[tilespmem:s17], [sflag:$0xB] =	stream.linear.gather [spmem:s3], $0x10, $0x38;
	[tilespmem:$0x1C1F8] =	vst v63  }
0x2c: {  	_ =	swait.ge [sflag:s25], $0x10  }
0x2d: {  	[sflag:s25] =	ssyncset.done $0x0  }
0x2e: {  	s12 =	sadd.s32 $0x4E0, s12;
	[sflag:s25] =	ssyncadd.s32 $0xFFFFFFF0  }
0x2f: {  	[hbm4b:s12+s7] =	stream.linear.scatter [tilespmem:s17], [sflag:$0xB], $0x10, $0x38;
	[tilespmem:$0x1C1F8] =	vst v63  }
0x30: {  	_ =	swait.ge [sflag:s25], $0x10  }
0x31: {  	[sflag:s25] =	ssyncset.done $0x0  }
0x32: {  	[sflag:s25] =	ssyncadd.s32 $0xFFFFFFF0  }
.LBB2_9:
0x33: {  	s0 =	sadd.s32 $0x1, s0;
	s3 =	rddreg [dreg:$0x16]  }
0x34: {  	p4 =	sne.s32 s0, s3  }
.Ltmp1:
0x35: {  	_ = 	snop;
	(pc) =	sbr.rel @!p4 .LBB2_10-.Ltmp1, $1  }
0x36: {  	_ =	sdelay $0x3  }
.LBB2_1:
0x37: {  	s3 =	sand.u32 $0xFE00, s7  }
0x38: {  	[dreg:$0x1c] =	wrdreg s0;
	s12 =	sand.u32 $0x70, s7;
	s17 =	sshrl.u32 s3, $0x2  }
0x39: {  	s3 =	simm.s32 $0x40;
	s17 =	sor.u32 s12, s17;
	s12 =	simm.s32 $0x0  }
.LBB2_2:
0x3a: {  	p4 =	sne.s32 s3, $0xFFC0  }
0x3b: {  	[tilespmem:s17+$0x400] =	vst v0;
	s12 =	sadd.s32 $0x10, s12;
	s17 =	smov.u32 s3;
	s3 =	sadd.s32 $0x40, s3  }
.Ltmp2:
0x3c: {  	(pc) =	sbr.rel @p4 .LBB2_2-.Ltmp2, $4  }
0x3d: {  	_ = 	snop  }
0x3e: {  	s17 =	sand.u32 $0xFE00, s17  }
0x3f: {  	s25 =	sand.u32 $0x70, s12;
	s17 =	sshrl.u32 s17, $0x2  }
0x40: {  	s17 =	sor.u32 s25, s17  }
0x41: {  	[tilespmem:s17+$0x400] =	vst v0;
	s3 =	rddreg [dreg:$0xa];
	s0 =	simm.s32 $0xB  }
0x42: {  	[spmem:s3] =	stream.linear.scatter [tilespmem:s31], [sflag:$0xB], $0x4000, $0x38;
	[tilespmem:$0x1C1F8] =	vst v63  }
0x43: {  	_ =	swait.ge [sflag:s0], $0x4000  }
0x44: {  	[sflag:s0] =	ssyncset.done $0x0  }
0x45: {  	s17 =	rddreg [dreg:$0xb];
	[sflag:s0] =	ssyncadd.s32 $0xFFFFC000  }
0x46: {  	[spmem:s17] =	stream.linear.scatter [tilespmem:s31], [sflag:$0xB], $0x4000, $0x38;
	[tilespmem:$0x1C1F8] =	vst v63  }
0x47: {  	_ =	swait.ge [sflag:s0], $0x4000  }
0x48: {  	[sflag:s0] =	ssyncset.done $0x0  }
0x49: {  	s25 =	rddreg [dreg:$0xc];
	[sflag:s0] =	ssyncadd.s32 $0xFFFFC000  }
0x4a: {  	[spmem:s25] =	stream.linear.scatter [tilespmem:s31], [sflag:$0xB], $0x4000, $0x38;
	[tilespmem:$0x1C1F8] =	vst v63  }
0x4b: {  	_ =	swait.ge [sflag:s0], $0x4000  }
0x4c: {  	[sflag:s0] =	ssyncset.done $0x0  }
0x4d: {  	s12 =	rddreg [dreg:$0xd];
	[sflag:s0] =	ssyncadd.s32 $0xFFFFC000  }
0x4e: {  	[spmem:s12] =	stream.linear.scatter [tilespmem:s31], [sflag:$0xB], $0x4000, $0x38;
	[tilespmem:$0x1C1F8] =	vst v63  }
0x4f: {  	_ =	swait.ge [sflag:s0], $0x4000  }
0x50: {  	[sflag:s0] =	ssyncset.done $0x0  }
0x51: {  	s17 =	rddreg [dreg:$0xe];
	[sflag:s0] =	ssyncadd.s32 $0xFFFFC000  }
0x52: {  	[spmem:s17] =	stream.linear.scatter [tilespmem:s31], [sflag:$0xB], $0x3800, $0x38;
	[tilespmem:$0x1C1F8] =	vst v63  }
0x53: {  	_ =	swait.ge [sflag:s0], $0x3800  }
0x54: {  	[sflag:s0] =	ssyncset.done $0x0  }
0x55: {  	[sflag:s0] =	ssyncadd.s32 $0xFFFFC800  }
0x56: {  	[tilespmem:$0x1BF78] =	vst v0  }
0x57: {  	[tilespmem:$0x1BF88] =	vst v0  }
0x58: {  	[tilespmem:$0x1BF98] =	vst v0  }
0x59: {  	[tilespmem:$0x1BFA8] =	vst v0  }
0x5a: {  	[tilespmem:$0x1BFB8] =	vst v0  }
0x5b: {  	[tilespmem:$0x1BFC8] =	vst v0  }
0x5c: {  	[tilespmem:$0x1BFD8] =	vst v0  }
0x5d: {  	[tilespmem:$0x1BFE8] =	vst v0  }
0x5e: {  	[tilespmem:$0x1BFF8] =	vst v0  }
0x5f: {  	[tilespmem:$0x1C008] =	vst v0  }
0x60: {  	[tilespmem:$0x1C018] =	vst v0  }
0x61: {  	[tilespmem:$0x1C028] =	vst v0  }
0x62: {  	[tilespmem:$0x1C038] =	vst v0  }
0x63: {  	[tilespmem:$0x1C048] =	vst v0  }
0x64: {  	[tilespmem:$0x1C058] =	vst v0  }
0x65: {  	[tilespmem:$0x1C068] =	vst v0  }
0x66: {  	[tilespmem:$0x1C078] =	vst v0  }
0x67: {  	[tilespmem:$0x1C088] =	vst v0  }
0x68: {  	[tilespmem:$0x1C098] =	vst v0  }
0x69: {  	[tilespmem:$0x1C0A8] =	vst v0  }
0x6a: {  	[tilespmem:$0x1C0B8] =	vst v0  }
0x6b: {  	[tilespmem:$0x1C0C8] =	vst v0  }
0x6c: {  	[tilespmem:$0x1C0D8] =	vst v0  }
0x6d: {  	[tilespmem:$0x1C0E8] =	vst v0  }
0x6e: {  	[tilespmem:$0x1C0F8] =	vst v0  }
0x6f: {  	[tilespmem:$0x1C108] =	vst v0  }
0x70: {  	[tilespmem:$0x1C118] =	vst v0  }
0x71: {  	[tilespmem:$0x1C128] =	vst v0  }
0x72: {  	[tilespmem:$0x1C138] =	vst v0  }
0x73: {  	[tilespmem:$0x1C148] =	vst v0  }
0x74: {  	[tilespmem:$0x1C158] =	vst v0  }
0x75: {  	[tilespmem:$0x1C168] =	vst v0  }
0x76: {  	[tilespmem:$0x1C178] =	vst v0  }
0x77: {  	[tilespmem:$0x1C188] =	vst v0  }
0x78: {  	[tilespmem:$0x1C198] =	vst v0  }
0x79: {  	[tilespmem:$0x1C1A8] =	vst v0  }
0x7a: {  	[tilespmem:$0x1C1B8] =	vst v0  }
0x7b: {  	[tilespmem:$0x1C1C8] =	vst v0  }
0x7c: {  	s12 =	simm.s32 $0x1BF78;
	s25 =	rddreg [dreg:$0xf];
	[tilespmem:$0x1C1D8] =	vst v0  }
0x7d: {  	[spmem:s25] =	stream.linear.scatter [tilespmem:s12], [sflag:$0xB], $0x270, $0x38;
	[tilespmem:$0x1C1F8] =	vst v63  }
0x7e: {  	_ =	swait.ge [sflag:s0], $0x270  }
0x7f: {  	[sflag:s0] =	ssyncset.done $0x0  }
0x80: {  	[sflag:s0] =	ssyncadd.s32 $0xFFFFFD90  }
0x81: {  	[tilespmem:$0x1BC80] =	vst v1  }
0x82: {  	[tilespmem:$0x1BC90] =	vst v1  }
0x83: {  	[tilespmem:$0x1BCA0] =	vst v1  }
0x84: {  	[tilespmem:$0x1BCB0] =	vst v1  }
0x85: {  	[tilespmem:$0x1BCC0] =	vst v1  }
0x86: {  	[tilespmem:$0x1BCD0] =	vst v1  }
0x87: {  	[tilespmem:$0x1BCE0] =	vst v1  }
0x88: {  	s3 =	simm.s32 @!p1 $0x400;
	s12 =	rddreg [dreg:$0x10];
	[tilespmem:$0x1BCF0] =	vst v1  }
0x89: {  	[spmem:s12] =	stream.linear.scatter @!p1 [tilespmem:s3], [sflag:$0xB], $0x800, $0x38;
	[tilespmem:$0x1C1F8] =	vst v63  }
0x8a: {  	s3 =	simm.s32 @!p1 $0xB  }
0x8b: {  	_ =	swait.ge @!p1 [sflag:s3], $0x800  }
0x8c: {  	[sflag:s3] =	ssyncset.done @!p1 $0x0  }
0x8d: {  	s12 =	simm.s32 @!p1 $0x1BF78;
	s17 =	rddreg [dreg:$0x18];
	[sflag:s3] =	ssyncadd.s32 @!p1 $0xFFFFF800  }
0x8e: {  	[spmem:s17] =	stream.linear.scatter @!p1 [tilespmem:s12], [sflag:$0xB], $0x10, $0x38;
	[tilespmem:$0x1C1F8] =	vst v63  }
0x8f: {  	_ =	swait.ge @!p1 [sflag:s3], $0x10  }
0x90: {  	[sflag:s3] =	ssyncset.done @!p1 $0x0  }
0x91: {  	[sflag:s3] =	ssyncadd.s32 @!p1 $0xFFFFFFF0  }
0x92: {  	[bflag:$0x0] =	sbarrier.arrive $0xFFFF  }
0x93: {  	s3 =	simm.s32 $0x0;
	s0 =	rddreg [dreg:$0x11]  }
0x94: {  	[tilespmem:s3], [sflag:$0x1] =	stream.linear.gather [hbm4b:s0+s3], $0x100, $0x38;
	[tilespmem:$0x1C1F8] =	vst v63  }
0x95: {  	s17 =	rddreg [dreg:$0x19]  }
0x96: {  	[tilespmem:s20], [sflag:$0x2] =	stream.linear.gather [hbm4b:s17+s3], $0x100, $0x38;
	[tilespmem:$0x1C1F8] =	vst v63  }
0x97: {  	_ =	swait.ge [sflag:s21], $0x100  }
0x98: {  	[sflag:s21] =	ssyncset.done $0x0  }
0x99: {  	[sflag:s21] =	ssyncadd.s32 $0xFFFFFF00  }
0x9a: {  	[tilespmem:s31], [sflag:$0x5] =	stream.indirect.gather [hbm4b:s2+s22], $0x80, s3, s22, $0xb8;
	[tilespmem:$0x1C1F8] =	vst v63  }
0x9b: {  	s25 =	rddreg [dreg:$0x1a]  }
0x9c: {  	[tilespmem:s23], [sflag:$0x3] =	stream.linear.gather [hbm4b:s25+s3], $0x100, $0x38;
	[tilespmem:$0x1C1F8] =	vst v63  }
0x9d: {  	_ =	swait.ge [sflag:s8], $0x100  }
0x9e: {  	[sflag:s8] =	ssyncset.done $0x0  }
0x9f: {  	[sflag:s8] =	ssyncadd.s32 $0xFFFFFF00  }
0xa0: {  	[tilespmem:s9], [sflag:$0x6] =	stream.indirect.gather [hbm4b:s2+s22], $0x80, s20, s22, $0xb8;
	[tilespmem:$0x1C1F8] =	vst v63  }
0xa1: {  	_ =	swait.ge [sflag:s10], $0x4000  }
0xa2: {  	[sflag:s10] =	ssyncset.done $0x0  }
0xa3: {  	[sflag:s10] =	ssyncadd.s32 $0xFFFFC000  }
0xa4: {  	[spmem:s4] =	stream.indirect.scatter.add.f32 [tilespmem:s31], [sflag:$0x7], $0x80, s22, s22, $0xb8;
	[tilespmem:$0x1C1F8] =	vst v63  }
0xa5: {  	_ = 	snop  }
0xa6: {  	[spmem:s5] =	stream.indirect.scatter.add.f32 [tilespmem:s6], [sflag:$0x7], $0x1, s22, s22, $0xb8;
	[tilespmem:$0x1C1F8] =	vst v63  }
0xa7: {  	s0 =	rddreg [dreg:$0x1b]  }
0xa8: {  	[tilespmem:s13], [sflag:$0x4] =	stream.linear.gather [hbm4b:s0+s3], $0x100, $0x38;
	[tilespmem:$0x1C1F8] =	vst v63  }
0xa9: {  	_ =	swait.ge [sflag:s14], $0x100  }
0xaa: {  	[sflag:s14] =	ssyncset.done $0x0  }
0xab: {  	[sflag:s14] =	ssyncadd.s32 $0xFFFFFF00  }
0xac: {  	_ =	swait.ge [sflag:s15], $0x4000  }
0xad: {  	[sflag:s15] =	ssyncset.done $0x0  }
0xae: {  	[sflag:s15] =	ssyncadd.s32 $0xFFFFC000  }
0xaf: {  	_ =	swait.ge [sflag:s15], $0x80  }
0xb0: {  	[sflag:s15] =	ssyncset.done $0x0  }
0xb1: {  	[sflag:s15] =	ssyncadd.s32 $0xFFFFFF80  }
0xb2: {  	[tilespmem:s31], [sflag:$0x5] =	stream.indirect.gather [hbm4b:s2+s22], $0x80, s23, s22, $0xb8;
	[tilespmem:$0x1C1F8] =	vst v63  }
0xb3: {  	_ =	swait.ge [sflag:s16], $0x4000  }
0xb4: {  	[sflag:s16] =	ssyncset.done $0x0  }
0xb5: {  	[sflag:s16] =	ssyncadd.s32 $0xFFFFC000  }
0xb6: {  	[spmem:s4] =	stream.indirect.scatter.add.f32 [tilespmem:s9], [sflag:$0x8], $0x80, s24, s22, $0xb8;
	[tilespmem:$0x1C1F8] =	vst v63  }
0xb7: {  	s25 =	rddreg [dreg:$0x17]  }
0xb8: {  	[spmem:s5] =	stream.indirect.scatter.add.f32 [tilespmem:s6], [sflag:$0x8], $0x1, s24, s22, $0xb8;
	[tilespmem:$0x1C1F8] =	vst v63  }
0xb9: {  	s17 =	sadd.s32 $0xFFFFFC00, s25  }
0xba: {  	[tilespmem:s7], [sflag:$0x1] =	stream.linear.gather [hbm4b:s17+s7], $0x100, $0x38;
	[tilespmem:$0x1C1F8] =	vst v63  }
0xbb: {  	_ =	swait.ge [sflag:s28], $0x100  }
0xbc: {  	[sflag:s28] =	ssyncset.done $0x0  }
0xbd: {  	[sflag:s28] =	ssyncadd.s32 $0xFFFFFF00  }
0xbe: {  	_ =	swait.ge [sflag:s29], $0x4000  }
0xbf: {  	[sflag:s29] =	ssyncset.done $0x0  }
0xc0: {  	[sflag:s29] =	ssyncadd.s32 $0xFFFFC000  }
0xc1: {  	_ =	swait.ge [sflag:s29], $0x80  }
0xc2: {  	[sflag:s29] =	ssyncset.done $0x0  }
0xc3: {  	[sflag:s29] =	ssyncadd.s32 $0xFFFFFF80  }
0xc4: {  	[tilespmem:s9], [sflag:$0x6] =	stream.indirect.gather [hbm4b:s2+s22], $0x80, s13, s22, $0xb8;
	[tilespmem:$0x1C1F8] =	vst v63  }
0xc5: {  	_ =	swait.ge [sflag:s10], $0x4000  }
0xc6: {  	[sflag:s10] =	ssyncset.done $0x0  }
0xc7: {  	[sflag:s10] =	ssyncadd.s32 $0xFFFFC000  }
0xc8: {  	[spmem:s4] =	stream.indirect.scatter.add.f32 [tilespmem:s31], [sflag:$0x9], $0x80, s30, s22, $0xb8;
	[tilespmem:$0x1C1F8] =	vst v63  }
0xc9: {  	_ = 	snop  }
0xca: {  	[spmem:s5] =	stream.indirect.scatter.add.f32 [tilespmem:s6], [sflag:$0x9], $0x1, s30, s22, $0xb8;
	[tilespmem:$0x1C1F8] =	vst v63  }
0xcb: {  	_ = 	snop  }
0xcc: {  	[tilespmem:s20], [sflag:$0x2] =	stream.linear.gather [hbm4b:s25+s7], $0x100, $0x38;
	[tilespmem:$0x1C1F8] =	vst v63  }
0xcd: {  	_ =	swait.ge [sflag:s21], $0x100  }
0xce: {  	[sflag:s21] =	ssyncset.done $0x0  }
0xcf: {  	[sflag:s21] =	ssyncadd.s32 $0xFFFFFF00  }
0xd0: {  	_ =	swait.ge [sflag:s19], $0x4000  }
0xd1: {  	[sflag:s19] =	ssyncset.done $0x0  }
0xd2: {  	[sflag:s19] =	ssyncadd.s32 $0xFFFFC000  }
0xd3: {  	_ =	swait.ge [sflag:s19], $0x80  }
0xd4: {  	[sflag:s19] =	ssyncset.done $0x0  }
0xd5: {  	s0 =	sadd.s32 $0x0, s11;
	[sflag:s19] =	ssyncadd.s32 $0xFFFFFF80  }
0xd6: {  	[tilespmem:s31], [sflag:$0x5] =	stream.indirect.gather [hbm4b:s2+s22], $0x80, s7, s22, $0xb8;
	[tilespmem:$0x1C1F8] =	vst v63  }
0xd7: {  	s12 =	sadd.s32 $0xC0, s0;
	_ =	swait.ge [sflag:s16], $0x4000  }
0xd8: {  	p4 =	slt.s32 s12, $0x9C3;
	[sflag:s16] =	ssyncset.done $0x0  }
0xd9: {  	s12 =	simm.s32 @!p4 $0x9C3;
	[sflag:s16] =	ssyncadd.s32 $0xFFFFC000  }
0xda: {  	[spmem:s4] =	stream.indirect.scatter.add.f32 [tilespmem:s9], [sflag:$0xA], $0x80, s18, s22, $0xb8;
	[tilespmem:$0x1C1F8] =	vst v63  }
0xdb: {  	s12 =	sshll.u32 s12, $0x5  }
0xdc: {  	[spmem:s5] =	stream.indirect.scatter.add.f32 [tilespmem:s6], [sflag:$0xA], $0x1, s18, s22, $0xb8;
	[tilespmem:$0x1C1F8] =	vst v63  }
0xdd: {  	s12 =	sadd.s32 s1, s12  }
0xde: {  	[tilespmem:s23], [sflag:$0x3] =	stream.linear.gather [hbm4b:s12+s7], $0x100, $0x38;
	[tilespmem:$0x1C1F8] =	vst v63  }
0xdf: {  	_ =	swait.ge [sflag:s8], $0x100  }
0xe0: {  	[sflag:s8] =	ssyncset.done $0x0  }
0xe1: {  	[sflag:s8] =	ssyncadd.s32 $0xFFFFFF00  }
0xe2: {  	_ =	swait.ge [sflag:s26], $0x4000  }
0xe3: {  	[sflag:s26] =	ssyncset.done $0x0  }
0xe4: {  	[sflag:s26] =	ssyncadd.s32 $0xFFFFC000  }
0xe5: {  	_ =	swait.ge [sflag:s26], $0x80  }
0xe6: {  	s3 =	sadd.s32 $0xE0, s0;
	[sflag:s26] =	ssyncset.done $0x0  }
0xe7: {  	p4 =	slt.s32 s3, $0x9C3;
	[sflag:s26] =	ssyncadd.s32 $0xFFFFFF80  }
0xe8: {  	[tilespmem:s9], [sflag:$0x6] =	stream.indirect.gather [hbm4b:s2+s22], $0x80, s20, s22, $0xb8;
	[tilespmem:$0x1C1F8] =	vst v63  }
0xe9: {  	s3 =	simm.s32 @!p4 $0x9C3;
	_ =	swait.ge [sflag:s10], $0x4000  }
0xea: {  	s17 =	sshll.u32 s3, $0x5;
	s3 =	simm.s32 $0x80;
	[sflag:s10] =	ssyncset.done $0x0  }
0xeb: {  	s17 =	sadd.s32 s1, s17;
	s12 =	sadd.s32 $0x1000, s25;
	[sflag:s10] =	ssyncadd.s32 $0xFFFFC000  }
0xec: {  	[spmem:s4] =	stream.indirect.scatter.add.f32 [tilespmem:s31], [sflag:$0x7], $0x80, s22, s22, $0xb8;
	[tilespmem:$0x1C1F8] =	vst v63  }
.LBB2_4:
0xed: {  	[spmem:s5] =	stream.indirect.scatter.add.f32 [tilespmem:s6], [sflag:$0x7], $0x1, s22, s22, $0xb8;
	[tilespmem:$0x1C1F8] =	vst v63  }
0xee: {  	p4 =	sne.s32 s3, $0x900;
	s25 =	smov.u32 s3;
	s3 =	sadd.s32 $0x80, s3  }
0xef: {  	[tilespmem:s13], [sflag:$0x4] =	stream.linear.gather [hbm4b:s17+s7], $0x100, $0x38;
	[tilespmem:$0x1C1F8] =	vst v63  }
0xf0: {  	_ =	swait.ge [sflag:s14], $0x100  }
0xf1: {  	[sflag:s14] =	ssyncset.done $0x0  }
0xf2: {  	[sflag:s14] =	ssyncadd.s32 $0xFFFFFF00  }
0xf3: {  	_ =	swait.ge [sflag:s15], $0x4000  }
0xf4: {  	[sflag:s15] =	ssyncset.done $0x0  }
0xf5: {  	[sflag:s15] =	ssyncadd.s32 $0xFFFFC000  }
0xf6: {  	_ =	swait.ge [sflag:s15], $0x80  }
0xf7: {  	[sflag:s15] =	ssyncset.done $0x0  }
0xf8: {  	[sflag:s15] =	ssyncadd.s32 $0xFFFFFF80  }
0xf9: {  	[tilespmem:s31], [sflag:$0x5] =	stream.indirect.gather [hbm4b:s2+s22], $0x80, s23, s22, $0xb8;
	[tilespmem:$0x1C1F8] =	vst v63  }
0xfa: {  	_ =	swait.ge [sflag:s16], $0x4000  }
0xfb: {  	[sflag:s16] =	ssyncset.done $0x0  }
0xfc: {  	[sflag:s16] =	ssyncadd.s32 $0xFFFFC000  }
0xfd: {  	[spmem:s4] =	stream.indirect.scatter.add.f32 [tilespmem:s9], [sflag:$0x8], $0x80, s24, s22, $0xb8;
	[tilespmem:$0x1C1F8] =	vst v63  }
0xfe: {  	_ = 	snop  }
0xff: {  	[spmem:s5] =	stream.indirect.scatter.add.f32 [tilespmem:s6], [sflag:$0x8], $0x1, s24, s22, $0xb8;
	[tilespmem:$0x1C1F8] =	vst v63  }
0x100: {  	s17 =	sadd.s32 $0xFFFFFC00, s12  }
0x101: {  	[tilespmem:s7], [sflag:$0x1] =	stream.linear.gather [hbm4b:s17+s7], $0x100, $0x38;
	[tilespmem:$0x1C1F8] =	vst v63  }
0x102: {  	_ =	swait.ge [sflag:s28], $0x100  }
0x103: {  	[sflag:s28] =	ssyncset.done $0x0  }
0x104: {  	[sflag:s28] =	ssyncadd.s32 $0xFFFFFF00  }
0x105: {  	_ =	swait.ge [sflag:s29], $0x4000  }
0x106: {  	[sflag:s29] =	ssyncset.done $0x0  }
0x107: {  	[sflag:s29] =	ssyncadd.s32 $0xFFFFC000  }
0x108: {  	_ =	swait.ge [sflag:s29], $0x80  }
0x109: {  	[sflag:s29] =	ssyncset.done $0x0  }
0x10a: {  	[sflag:s29] =	ssyncadd.s32 $0xFFFFFF80  }
0x10b: {  	[tilespmem:s9], [sflag:$0x6] =	stream.indirect.gather [hbm4b:s2+s22], $0x80, s13, s22, $0xb8;
	[tilespmem:$0x1C1F8] =	vst v63  }
0x10c: {  	_ =	swait.ge [sflag:s10], $0x4000  }
0x10d: {  	[sflag:s10] =	ssyncset.done $0x0  }
0x10e: {  	[sflag:s10] =	ssyncadd.s32 $0xFFFFC000  }
0x10f: {  	[spmem:s4] =	stream.indirect.scatter.add.f32 [tilespmem:s31], [sflag:$0x9], $0x80, s30, s22, $0xb8;
	[tilespmem:$0x1C1F8] =	vst v63  }
0x110: {  	_ = 	snop  }
0x111: {  	[spmem:s5] =	stream.indirect.scatter.add.f32 [tilespmem:s6], [sflag:$0x9], $0x1, s30, s22, $0xb8;
	[tilespmem:$0x1C1F8] =	vst v63  }
0x112: {  	_ = 	snop  }
0x113: {  	[tilespmem:s20], [sflag:$0x2] =	stream.linear.gather [hbm4b:s12+s7], $0x100, $0x38;
	[tilespmem:$0x1C1F8] =	vst v63  }
0x114: {  	_ =	swait.ge [sflag:s21], $0x100  }
0x115: {  	[sflag:s21] =	ssyncset.done $0x0  }
0x116: {  	[sflag:s21] =	ssyncadd.s32 $0xFFFFFF00  }
0x117: {  	_ =	swait.ge [sflag:s19], $0x4000  }
0x118: {  	[sflag:s19] =	ssyncset.done $0x0  }
0x119: {  	[sflag:s19] =	ssyncadd.s32 $0xFFFFC000  }
0x11a: {  	_ =	swait.ge [sflag:s19], $0x80  }
0x11b: {  	[sflag:s19] =	ssyncset.done $0x0  }
0x11c: {  	s17 =	sadd.s32 s25, s11;
	[sflag:s19] =	ssyncadd.s32 $0xFFFFFF80  }
0x11d: {  	[tilespmem:s31], [sflag:$0x5] =	stream.indirect.gather [hbm4b:s2+s22], $0x80, s7, s22, $0xb8;
	[tilespmem:$0x1C1F8] =	vst v63  }
0x11e: {  	s25 =	sadd.s32 $0xC0, s17;
	s17 =	sadd.s32 $0xE0, s17;
	_ =	swait.ge [sflag:s16], $0x4000  }
0x11f: {  	p5 =	slt.s32 s25, $0x9C3;
	p6 =	slt.s32 s17, $0x9C3;
	[sflag:s16] =	ssyncset.done $0x0  }
0x120: {  	s25 =	simm.s32 @!p5 $0x9C3;
	s17 =	simm.s32 @!p6 $0x9C3;
	[sflag:s16] =	ssyncadd.s32 $0xFFFFC000  }
0x121: {  	[spmem:s4] =	stream.indirect.scatter.add.f32 [tilespmem:s9], [sflag:$0xA], $0x80, s18, s22, $0xb8;
	[tilespmem:$0x1C1F8] =	vst v63  }
0x122: {  	s25 =	sshll.u32 s25, $0x5;
	s17 =	sshll.u32 s17, $0x5  }
0x123: {  	[spmem:s5] =	stream.indirect.scatter.add.f32 [tilespmem:s6], [sflag:$0xA], $0x1, s18, s22, $0xb8;
	[tilespmem:$0x1C1F8] =	vst v63  }
0x124: {  	s25 =	sadd.s32 s1, s25;
	s17 =	sadd.s32 s1, s17  }
0x125: {  	[tilespmem:s23], [sflag:$0x3] =	stream.linear.gather [hbm4b:s25+s7], $0x100, $0x38;
	[tilespmem:$0x1C1F8] =	vst v63  }
0x126: {  	_ =	swait.ge [sflag:s8], $0x100  }
0x127: {  	[sflag:s8] =	ssyncset.done $0x0  }
0x128: {  	[sflag:s8] =	ssyncadd.s32 $0xFFFFFF00  }
0x129: {  	_ =	swait.ge [sflag:s26], $0x4000  }
0x12a: {  	[sflag:s26] =	ssyncset.done $0x0  }
0x12b: {  	[sflag:s26] =	ssyncadd.s32 $0xFFFFC000  }
0x12c: {  	_ =	swait.ge [sflag:s26], $0x80  }
0x12d: {  	[sflag:s26] =	ssyncset.done $0x0  }
0x12e: {  	[sflag:s26] =	ssyncadd.s32 $0xFFFFFF80  }
0x12f: {  	[tilespmem:s9], [sflag:$0x6] =	stream.indirect.gather [hbm4b:s2+s22], $0x80, s20, s22, $0xb8;
	[tilespmem:$0x1C1F8] =	vst v63  }
.Ltmp3:
0x130: {  	_ =	swait.ge [sflag:s10], $0x4000;
	(pc) =	sbr.rel @p4 .LBB2_4-.Ltmp3, $4  }
0x131: {  	[sflag:s10] =	ssyncset.done $0x0  }
0x132: {  	[sflag:s10] =	ssyncadd.s32 $0xFFFFC000  }
0x133: {  	[spmem:s4] =	stream.indirect.scatter.add.f32 [tilespmem:s31], [sflag:$0x7], $0x80, s22, s22, $0xb8;
	[tilespmem:$0x1C1F8] =	vst v63  }
0x134: {  	s12 =	sadd.s32 $0x1000, s12  }
0x135: {  	[spmem:s5] =	stream.indirect.scatter.add.f32 [tilespmem:s6], [sflag:$0x7], $0x1, s22, s22, $0xb8;
	[tilespmem:$0x1C1F8] =	vst v63  }
0x136: {  	_ = 	snop  }
0x137: {  	[tilespmem:s13], [sflag:$0x4] =	stream.linear.gather [hbm4b:s17+s7], $0x100, $0x38;
	[tilespmem:$0x1C1F8] =	vst v63  }
0x138: {  	_ =	swait.ge [sflag:s16], $0x4000  }
0x139: {  	[sflag:s16] =	ssyncset.done $0x0  }
0x13a: {  	[sflag:s16] =	ssyncadd.s32 $0xFFFFC000  }
0x13b: {  	[spmem:s4] =	stream.indirect.scatter.add.f32 [tilespmem:s9], [sflag:$0x8], $0x80, s24, s22, $0xb8;
	[tilespmem:$0x1C1F8] =	vst v63  }
0x13c: {  	_ = 	snop  }
0x13d: {  	[spmem:s5] =	stream.indirect.scatter.add.f32 [tilespmem:s6], [sflag:$0x8], $0x1, s24, s22, $0xb8;
	[tilespmem:$0x1C1F8] =	vst v63  }
0x13e: {  	_ =	swait.ge [sflag:s14], $0x100  }
0x13f: {  	[sflag:s14] =	ssyncset.done $0x0  }
0x140: {  	[sflag:s14] =	ssyncadd.s32 $0xFFFFFF00  }
0x141: {  	_ =	swait.ge [sflag:s28], $0x100  }
0x142: {  	[sflag:s28] =	ssyncset.done $0x0  }
0x143: {  	[sflag:s28] =	ssyncadd.s32 $0xFFFFFF00  }
0x144: {  	_ =	swait.ge [sflag:s15], $0x4000  }
0x145: {  	[sflag:s15] =	ssyncset.done $0x0  }
0x146: {  	[sflag:s15] =	ssyncadd.s32 $0xFFFFC000  }
0x147: {  	_ =	swait.ge [sflag:s15], $0x80  }
0x148: {  	s3 =	simm.s32 @!p2 $0x80;
	[sflag:s15] =	ssyncset.done $0x0  }
0x149: {  	s12 =	simm.s32 @!p2 $0x200;
	s17 =	simm.s32 @!p2 $0x400;
	[sflag:s15] =	ssyncadd.s32 $0xFFFFFF80  }
0x14a: {  	[tilespmem:s17], [sflag:$0x5] =	stream.indirect.gather @!p2 [hbm4b:s2+s3], $0x80, s12, s3, $0xb8;
	[tilespmem:$0x1C1F8] =	vst v63  }
0x14b: {  	s12 =	simm.s32 @!p2 $0x5  }
0x14c: {  	_ =	swait.ge @!p2 [sflag:s12], $0x4000  }
0x14d: {  	[sflag:s12] =	ssyncset.done @!p2 $0x0  }
0x14e: {  	[sflag:s12] =	ssyncadd.s32 @!p2 $0xFFFFC000;
	s12 =	simm.s32 @!p2 $0x280  }
0x14f: {  	[spmem:s4] =	stream.indirect.scatter.add.f32 @!p2 [tilespmem:s17], [sflag:$0x9], $0x80, s12, s3, $0xb8;
	[tilespmem:$0x1C1F8] =	vst v63  }
0x150: {  	s17 =	simm.s32 @!p2 $0x1BC80  }
0x151: {  	[spmem:s5] =	stream.indirect.scatter.add.f32 @!p2 [tilespmem:s17], [sflag:$0x9], $0x1, s12, s3, $0xb8;
	[tilespmem:$0x1C1F8] =	vst v63  }
0x152: {  	s3 =	simm.s32 @!p2 $0x9  }
0x153: {  	_ =	swait.ge @!p2 [sflag:s3], $0x4000  }
0x154: {  	[sflag:s3] =	ssyncset.done @!p2 $0x0  }
0x155: {  	[sflag:s3] =	ssyncadd.s32 @!p2 $0xFFFFC000  }
0x156: {  	_ =	swait.ge @!p2 [sflag:s3], $0x80  }
0x157: {  	[sflag:s3] =	ssyncset.done @!p2 $0x0  }
0x158: {  	[sflag:s3] =	ssyncadd.s32 @!p2 $0xFFFFFF80  }
0x159: {  	_ =	swait.ge [sflag:s29], $0x4000  }
0x15a: {  	[sflag:s29] =	ssyncset.done $0x0  }
0x15b: {  	[sflag:s29] =	ssyncadd.s32 $0xFFFFC000  }
0x15c: {  	_ =	swait.ge [sflag:s29], $0x80  }
.Ltmp4:
0x15d: {  	[sflag:s29] =	ssyncset.done $0x0;
	(pc) =	sbr.rel @!p0 .LBB2_6-.Ltmp4, $4  }
0x15e: {  	[sflag:s29] =	ssyncadd.s32 $0xFFFFFF80  }
0x15f: {  	s17 =	stileid.u32;
	[bflag:$0x0] =	sbarrier.arrive $0xFFFF  }
0x160: {  	s17 =	sshll.u32 s17, $0x6;
	s25 =	rddreg [dreg:$0xa]  }
0x161: {  	s3 =	sor.u32 $0x1C0B, s17;
	s12 =	sshrl.u32 s25, $0x3  }
0x162: {  	s3 =	sor.u32 $0x1C0B, s17;
	s0 =	rddreg [dreg:$0x14]  }
0x163: {  	[hbm:s0], [sflag:s3] =	dma.local [spmem:s12], $0x2700  }
0x164: {  	s0 =	simm.s32 $0xB  }
0x165: {  	_ =	swait.ge [sflag:s0], $0x2700  }
0x166: {  	[sflag:s0] =	ssyncset.done $0x0  }
0x167: {  	s17 =	simm.s32 $0x1BF78;
	s25 =	rddreg [dreg:$0xf];
	[sflag:s0] =	ssyncadd.s32 $0xFFFFD900  }
0x168: {  	[tilespmem:s17], [sflag:$0xB] =	stream.linear.gather [spmem:s25], $0x270, $0x38;
	[tilespmem:$0x1C1F8] =	vst v63  }
0x169: {  	_ =	swait.ge [sflag:s0], $0x270  }
0x16a: {  	[sflag:s0] =	ssyncset.done $0x0  }
0x16b: {  	s25 =	rddreg [dreg:$0x15];
	[sflag:s0] =	ssyncadd.s32 $0xFFFFFD90  }
0x16c: {  	[hbm4b:s25+s7] =	stream.linear.scatter [tilespmem:s17], [sflag:$0xB], $0x270, $0x38;
	[tilespmem:$0x1C1F8] =	vst v63  }
.Ltmp5:
0x16d: {  	_ = 	snop;
	(pc) =	sbr.rel @p1 .LBB2_9-.Ltmp5, $4  }
.Ltmp6:
0x16e: {  	_ =	swait.ge [sflag:s0], $0x270;
	(pc) =	sbr.rel @!p1 .LBB2_8-.Ltmp6, $4  }
0x16f: {  	s17 =	rddreg [dreg:$0x7]  }
0x170: {  	[sflag:s0] =	ssyncset.done $0x0;
	s12 =	rddreg [dreg:$0x9]  }
0x171: {  	[sflag:s0] =	ssyncadd.s32 $0xFFFFFD90;
	s0 =	rddreg [dreg:$0x1c]  }
0x172: {  	_ = 	snop  }
.LBB2_6:
0x173: {  	s17 =	rddreg [dreg:$0x12];
	s0 =	simm.s32 $0xB  }
0x174: {  	[hbm:s17], [sflag:s3] =	dma.local [spmem:s12], $0x2700  }
0x175: {  	_ =	swait.ge [sflag:s0], $0x2700  }
0x176: {  	[sflag:s0] =	ssyncset.done $0x0  }
0x177: {  	s17 =	simm.s32 $0x1BF78;
	s25 =	rddreg [dreg:$0xf];
	[sflag:s0] =	ssyncadd.s32 $0xFFFFD900  }
0x178: {  	[tilespmem:s17], [sflag:$0xB] =	stream.linear.gather [spmem:s25], $0x270, $0x38;
	[tilespmem:$0x1C1F8] =	vst v63  }
0x179: {  	_ =	swait.ge [sflag:s0], $0x270  }
0x17a: {  	[sflag:s0] =	ssyncset.done $0x0  }
0x17b: {  	s25 =	rddreg [dreg:$0x13];
	[sflag:s0] =	ssyncadd.s32 $0xFFFFFD90  }
0x17c: {  	[hbm4b:s25+s7] =	stream.linear.scatter [tilespmem:s17], [sflag:$0xB], $0x270, $0x38;
	[tilespmem:$0x1C1F8] =	vst v63  }
.Ltmp7:
0x17d: {  	_ = 	snop;
	(pc) =	sbr.rel @p3 .LBB2_8-.Ltmp7, $4  }
.Ltmp8:
0x17e: {  	_ =	swait.ge [sflag:s0], $0x270;
	(pc) =	sbr.rel @!p3 .LBB2_9-.Ltmp8, $4  }
0x17f: {  	[sflag:s0] =	ssyncset.done $0x0;
	s12 =	rddreg [dreg:$0x8]  }
0x180: {  	[sflag:s0] =	ssyncadd.s32 $0xFFFFFD90;
	s0 =	rddreg [dreg:$0x1c]  }
0x181: {  	s17 =	rddreg [dreg:$0x2]  }
0x182: {  	_ = 	snop  }
.LBB2_10:
0x183: {  	_ =	sfence.sel $0x180000  }
0x184: {  	[bflag:$0x0] =	sbarrier.arrive $0xFFFF  }
0x185: {  	_ =	strace $0x90000047  }
0x186: {  	s0 =	stileid.u32;
	[bflag:$0x2] =	sbarrier.arrive $0xFFFF  }
0x187: {  	p0 =	sne.s32 s0, $0x0;
	s0 =	rddreg [dreg:$0x6]  }
0x188: {  	s0 =	sadd.s32 @!p0 $0x100000, s0  }
0x189: {  	[sflag:s0] =	ssyncadd.tile.s32 @!p0 $0x1;
	_ =	shalt  }
.Lfunc_end2:
_tile_overlayer_lowered:
.L_overlay_start_2:
0x18a: {  	(tag) =	ssettag $0x2  }
0x18b: {  	s0 =	rddreg [dreg:$0x0];
	s2 =	stileid.u32  }
0x18c: {  	s1 =	rddreg [dreg:$0x1];
	p0 =	sne.s32 s2, $0x0  }
0x18d: {  	s3 =	rddreg [dreg:$0x2];
	[bflag:$0x3] =	sbarrier.arrive $0xFFFF;
	s2 =	simm.s32 @!p0 $0x1C0B  }
0x18e: {  	[timem:s3], [sflag:s2] =	dma.local @!p0 [hbm:s0], s1  }
0x18f: {  	s0 =	simm.s32 @!p0 $0xB  }
0x190: {  	_ =	swait.ge @!p0 [sflag:s0], s1  }
0x191: {  	s1 =	ssub.s32 @!p0 $0x0, s1;
	[sflag:s0] =	ssyncset.done @!p0 $0x0  }
0x192: {  	[sflag:s0] =	ssyncadd.s32 @!p0 s1  }
0x193: {  	[bflag:$0x3] =	sbarrier.arrive $0xFFFF  }
0x194: {  	_ =	shalt  }

// kernel: kernel.9.cloned.1.call-start
scs
__scs_entry_jumppad:
0x0: {  	(pc) =	sbr.rel $0x88, $3  }
0x1: {  	(tag) =	ssettag $0x0;
	lr =	simm.s32 $0x1  }
0x2: {  	[smem:$0x3F99] =	sst lr;
	_ =	strace $0xD0000000  }
0x3: {  	_ = 	snop  }
0x4: {  	_ = 	snop  }
0x5: {  	_ = 	snop  }
0x6: {  	_ = 	snop  }
0x7: {  	_ = 	snop  }
__scs_overlays_trampoline_lowered:
0x8: {  	[smem:$0x3FA8] =	sst s0  }
0x9: {  	[smem:$0x3FA9] =	sst s1  }
0xa: {  	[smem:$0x3FAA] =	sst s2  }
0xb: {  	[smem:$0x3FAB] =	sst s3  }
0xc: {  	[smem:$0x3FAC] =	sst s4  }
0xd: {  	[smem:$0x3FAD] =	sst s5  }
0xe: {  	[smem:$0x3FAE] =	sst s6  }
0xf: {  	[smem:$0x3FAF] =	sst s7  }
0x10: {  	[smem:$0x3FB0] =	sst s8  }
0x11: {  	[smem:$0x3FB1] =	sst s9;
	s0 =	simm.s32 @!p0 $0x0  }
0x12: {  	s1 =	sld [smem:$0x3F97];
	s0 =	simm.s32 @p0 $0x1  }
0x13: {  	[smem:$0x3FB2] =	sst s0;
	s0 =	simm.s32 @!p1 $0x0  }
0x14: {  	s2 =	sld [smem:$0x3F96];
	s0 =	simm.s32 @p1 $0x1  }
0x15: {  	[smem:$0x3FB3] =	sst s0;
	s0 =	simm.s32 @!p2 $0x0  }
0x16: {  	s3 =	sld [smem:$0x3FDB];
	s0 =	simm.s32 @p2 $0x1  }
0x17: {  	s4 =	simm.s32 $0x1BF5;
	[smem:$0x3FB5] =	sst s0  }
0x18: {  	s0 =	sld [smem:$0x3F98];
	_ =	swait.ge [sflag:s4], $0x0  }
0x19: {  	s7 =	sld [smem:$0x3F99]  }
0x1a: {  	s8 =	sadd.s32 $0xFFFFE003, lr  }
0x1b: {  	s9 =	sadd.s32 $0xFFFFFEF7, lr;
	s5 =	simm.s32 $0xFFFFFFFF;
	p2 =	slt.u32 s8, $0xFFFFF086  }
0x1c: {  	p1 =	slt.u32 s9, $0xF7A;
	s5 =	simm.s32 @!p2 $0x0  }
0x1d: {  	s5 =	simm.s32 @p1 $0x1;
	p0 =	seq.s32 s7, s2  }
0x1e: {  	s7 =	smul.u32 @!p0 $0xF7A, s2;
	p2 =	seq.s32 @!p0 s5, $0x0  }
0x1f: {  	s9 =	smul.u32 $0xF7A, s1;
	s8 =	simm.s32 @!p0 $0x1BF5;
	p2 =	por !p2, p0  }
0x20: {  	[sflag:s8] =	ssyncset.s32 @!p0 $0xFFFFF086;
	s6 =	sadd.s32 @!p0 s3, s7;
	s7 =	simm.s32 @!p0 $0x108  }
0x21: {  	s3 =	sadd.s32 s3, s9;
	s6 =	sadd.s32 @!p0 $0x88, s6;
	s7 =	simm.s32 @p2 $0x1082  }
0x22: {  	[simem:s7], [sflag:s8] =	dma.local @!p0 [hbm:s6], $0xF7A  }
0x23: {  	s9 =	sor.u32 $0xD0000000, s2;
	s6 =	simm.s32 $0x108;
	_ =	swait.ge @!p0 [sflag:s8], $0x0  }
0x24: {  	s3 =	sadd.s32 $0x88, s3;
	s6 =	simm.s32 @!p1 $0x1082;
	[sflag:s4] =	ssyncset.s32 $0xFFFFF086  }
0x25: {  	[simem:s6], [sflag:s4] =	dma.local [hbm:s3], $0xF7A  }
0x26: {  	[smem:$0x3F99] =	sst s1;
	(tag) =	ssettag s2;
	_ =	strace s9  }
0x27: {  	s1 =	sld [smem:$0x3FA9]  }
0x28: {  	s2 =	sld [smem:$0x3FAA]  }
0x29: {  	s4 =	sld [smem:$0x3FAC]  }
0x2a: {  	p0 =	seq.s32 s5, $0x0;
	s5 =	sld [smem:$0x3FAD]  }
0x2b: {  	s6 =	sld [smem:$0x3FAE]  }
0x2c: {  	s7 =	sld [smem:$0x3FAF]  }
0x2d: {  	s3 =	simm.s32 $0x108;
	s8 =	sld [smem:$0x3FB0]  }
0x2e: {  	s3 =	simm.s32 @!p0 $0x1082;
	s9 =	sld [smem:$0x3FB1]  }
0x2f: {  	lr =	sadd.s32 s0, s3;
	s0 =	sld [smem:$0x3FA8]  }
0x30: {  	s3 =	sld [smem:$0x3FAB]  }
0x31: {  	[smem:$0x3FB4] =	sst s10  }
0x32: {  	s10 =	sld [smem:$0x3FB2];
	_ =	sdelay $0x3  }
0x33: {  	p0 =	seq.s32 s10, $0x1;
	s10 =	sld [smem:$0x3FB4];
	_ =	sdelay $0x3  }
0x34: {  	[smem:$0x3FB4] =	sst s10  }
0x35: {  	s10 =	sld [smem:$0x3FB3];
	_ =	sdelay $0x3  }
0x36: {  	p1 =	seq.s32 s10, $0x1;
	s10 =	sld [smem:$0x3FB4];
	_ =	sdelay $0x3  }
0x37: {  	[smem:$0x3FB4] =	sst s10  }
0x38: {  	s10 =	sld [smem:$0x3FB5]  }
0x39: {  	_ = 	snop;
	(pc) =	sbr.ind lr, $3  }
0x3a: {  	_ = 	snop  }
0x3b: {  	_ = 	snop  }
0x3c: {  	p2 =	seq.s32 s10, $0x1;
	s10 =	sld [smem:$0x3FB4]  }
0x3d: {  	_ =	shalt  }
0x3e: {  	_ =	shalt  }
0x3f: {  	_ =	shalt  }
0x40: {  	_ =	shalt  }
0x41: {  	_ =	shalt  }
0x42: {  	_ =	shalt  }
0x43: {  	_ =	shalt  }
0x44: {  	_ =	shalt  }
0x45: {  	_ =	shalt  }
0x46: {  	_ =	shalt  }
0x47: {  	_ =	shalt  }
0x48: {  	_ =	shalt  }
0x49: {  	_ =	shalt  }
0x4a: {  	_ =	shalt  }
0x4b: {  	_ =	shalt  }
0x4c: {  	_ =	shalt  }
0x4d: {  	_ =	shalt  }
0x4e: {  	_ =	shalt  }
0x4f: {  	_ =	shalt  }
0x50: {  	_ =	shalt  }
0x51: {  	_ =	shalt  }
0x52: {  	_ =	shalt  }
0x53: {  	_ =	shalt  }
0x54: {  	_ =	shalt  }
0x55: {  	_ =	shalt  }
0x56: {  	_ =	shalt  }
0x57: {  	_ =	shalt  }
0x58: {  	_ =	shalt  }
0x59: {  	_ =	shalt  }
0x5a: {  	_ =	shalt  }
0x5b: {  	_ =	shalt  }
0x5c: {  	_ =	shalt  }
0x5d: {  	_ =	shalt  }
0x5e: {  	_ =	shalt  }
0x5f: {  	_ =	shalt  }
0x60: {  	_ =	shalt  }
0x61: {  	_ =	shalt  }
0x62: {  	_ =	shalt  }
0x63: {  	_ =	shalt  }
0x64: {  	_ =	shalt  }
0x65: {  	_ =	shalt  }
0x66: {  	_ =	shalt  }
0x67: {  	_ =	shalt  }
0x68: {  	_ =	shalt  }
0x69: {  	_ =	shalt  }
0x6a: {  	_ =	shalt  }
0x6b: {  	_ =	shalt  }
0x6c: {  	_ =	shalt  }
0x6d: {  	_ =	shalt  }
0x6e: {  	_ =	shalt  }
0x6f: {  	_ =	shalt  }
0x70: {  	_ =	shalt  }
0x71: {  	_ =	shalt  }
0x72: {  	_ =	shalt  }
0x73: {  	_ =	shalt  }
0x74: {  	_ =	shalt  }
0x75: {  	_ =	shalt  }
0x76: {  	_ =	shalt  }
0x77: {  	_ =	shalt  }
0x78: {  	_ =	shalt  }
0x79: {  	_ =	shalt  }
0x7a: {  	_ =	shalt  }
0x7b: {  	_ =	shalt  }
0x7c: {  	_ =	shalt  }
0x7d: {  	_ =	shalt  }
0x7e: {  	_ =	shalt  }
0x7f: {  	_ =	shalt  }
0x80: {  	_ =	shalt  }
0x81: {  	_ =	shalt  }
0x82: {  	_ =	shalt  }
0x83: {  	_ =	shalt  }
0x84: {  	_ =	shalt  }
0x85: {  	_ =	shalt  }
0x86: {  	_ =	shalt  }
0x87: {  	_ =	shalt  }
.Lfunc_end0:
.L_simem_size_0:
called_computation.1_lowered:
.L_overlay_start_0:
0x88: {  	s2 =	sld [smem:$0x3FD9]  }
0x89: {  	s3 =	sld [smem:$0x3FFE];
	_ =	sdelay $0x1  }
0x8a: {  	s1 =	srdreg.scid  }
0x8b: {  	s0 =	sand.u32 $0x1, s1  }
0x8c: {  	s17 =	sshll.u32 s0, $0xA;
	s2 =	sadd.s32 s3, s2  }
0x8d: {  	s2 =	sadd.s32 s2, s17  }
0x8e: {  	[smem:$0x3FC0] =	sst s2  }
0x8f: {  	_ = 	snop  }
0x90: {  	s2 =	sld [smem:$0x3FC8]  }
0x91: {  	s18 =	sld [smem:$0x3FD0];
	(tm) =	ssettm $0x1  }
0x92: {  	s4 =	sld [smem:$0x3FFB];
	_ =	sdelay $0x3  }
0x93: {  	_ =	strace s4  }
0x94: {  	s4 =	sld [smem:$0x3FFC];
	_ =	sdelay $0x3  }
0x95: {  	_ =	strace s4  }
0x96: {  	s4 =	sld [smem:$0x3FFD];
	_ =	sdelay $0x3  }
0x97: {  	_ =	strace s4  }
0x98: {  	_ =	strace $0x8FFFFFFF  }
0x99: {  	s19 =	sld [smem:$0x3FDB];
	_ =	sdelay $0x1  }
0x9a: {  	s5 =	simm.s32 $_scs_section_size  }
0x9b: {  	s6 =	simm.s32 $_size__tile_overlayer_lowered;
	s7 =	simm.s32 $_tile_overlayer_lowered  }
0x9c: {  	s22 =	simm.s32 $0x1BFF;
	s21 =	sshll.u32 s7, $0x1;
	s4 =	sadd.s32 s5, s19  }
0x9d: {  	s8 =	simm.s32 $0x0;
	s20 =	sshll.u32 s6, $0x1;
	s6 =	sadd.s32 s21, s4  }
0x9e: {  	[timem:s8], [sflag:s22] =	dma.local [hbm:s6], s20  }
0x9f: {  	_ =	swait.ge [sflag:s22], s20  }
0xa0: {  	s5 =	ssub.s32 $0x0, s20;
	[sflag:s22] =	ssyncset.done $0x0  }
0xa1: {  	[sflag:s22] =	ssyncadd.s32 s5;
	_ =	sdelay $0x1  }
0xa2: {  	s23 =	simm.s32 $0x1B8B  }
0xa3: {  	_ =	swait.ge [sflag:s23], $0x1  }
0xa4: {  	[sflag:s23] =	ssyncset.done $0x0  }
0xa5: {  	s25 =	simm.s32 $0x1B8E;
	s24 =	sld [smem:$0x3FFE];
	[sflag:s23] =	ssyncadd.s32 $0xFFFFFFFF  }
0xa6: {  	s26 =	simm.s32 $execute0_lowered;
	[smem:$0x3FD2] =	sst s25  }
0xa7: {  	s6 =	sshll.u32 s26, $0x1;
	_ =	strace $0x80000049;
	[dreg:$0x1] =	wrdreg $0xFFFFFFFF  }
0xa8: {  	s28 =	simm.s32 $_size_execute0_lowered;
	s4 =	sadd.s32 s4, s6;
	[dreg:$0x0] =	wrdreg $0x0  }
0xa9: {  	s6 =	sshll.u32 s28, $0x1;
	[dreg:$0x2] =	wrdreg s4  }
0xaa: {  	[dreg:$0x3] =	wrdreg s6  }
0xab: {  	[dreg:$0x4] =	wrdreg $0xC0  }
0xac: {  	_ =	task [dreg:s8], $0x5FFFF  }
0xad: {  	[dreg:$0x1] =	wrdreg $0xFFFFFFFF  }
0xae: {  	[dreg:$0x0] =	wrdreg $0x60  }
0xaf: {  	[dreg:$0x2] =	wrdreg s2  }
0xb0: {  	[dreg:$0x3] =	wrdreg s18  }
0xb1: {  	[dreg:$0x4] =	wrdreg s24  }
0xb2: {  	[dreg:$0x5] =	wrdreg $0x84000  }
0xb3: {  	[dreg:$0x6] =	wrdreg $0x9  }
0xb4: {  	_ =	task.clear_ibuf [dreg:s8], $0x7FFFF;
	_ =	strace $0x90000049  }
0xb5: {  	s29 =	simm.s32 $0x9;
	_ =	strace $0x8000004B  }
0xb6: {  	_ =	swait.ge [sflag:s29], $0x1  }
0xb7: {  	[sflag:s29] =	ssyncadd.s32 $0xFFFFFFFF  }
0xb8: {  	_ =	strace $0x9000004B  }
0xb9: {  	_ =	sfence  }
0xba: {  	s30 =	sld [smem:$0x0];
	_ =	sdelay $0x2  }
0xbb: {  	s31 =	sshll.u32 s1, $0xD;
	s1 =	sshrl.u32 s1, $0x2  }
0xbc: {  	s3 =	sand.u32 $0x4000, s31;
	s1 =	sadd.s32 s1, s30  }
0xbd: {  	s0 =	sor.u32 s3, s0;
	s1 =	sshll.u32 s1, $0x11  }
0xbe: {  	s0 =	sor.u32 s1, s0  }
0xbf: {  	s0 =	sadd.s32 $0x8F2B, s0  }
0xc0: {  	[sflag:s0] =	ssyncadd.remote.s32 $0x1  }
0xc1: {  	_ =	sfence.sel $0xFFFF  }
0xc2: {  	[dreg:$0x0] =	wrdreg $0xFFFFFFFF;
	(pc) =	sbr.abs _section_cstart, $3  }
0xc3: {  	[dreg:$0x1] =	wrdreg $0xFFFFFFFF  }
0xc4: {  	_ =	task.clear_ibuf [dreg:s8], $0x2FFFF;
	_ =	strace $0x9FFFFFFF  }
0xc5: {  	(tm) =	ssettm $0x7FFFFFFF  }
tec
execute0_lowered:
.L_overlay_start_1:
0x0: {  	(tag) =	ssettag $0x1  }
0x1: {  	s1 =	rddreg [dreg:$0x0]  }
0x2: {  	s2 =	rddreg [dreg:$0x1]  }
0x3: {  	s0 =	rddreg [dreg:$0x2]  }
0x4: {  	s4 =	rddreg [dreg:$0x3];
	s5 =	simm.s32 $0x0;
	s10 =	stileid.u32  }
0x5: {  	s3 =	srdreg.scid;
	s25 =	simm.s32 $0x280;
	s26 =	simm.s32 $0x380  }
0x6: {  	s28 =	simm.s32 $0x80;
	s29 =	simm.s32 $0x200;
	s30 =	simm.s32 $0x2  }
0x7: {  	s31 =	simm.s32 $0x4400;
	[smem:$0x7FF] =	sst s5;
	s6 =	smul.u32 $0x4E000, s10  }
0x8: {  	s11 =	sadd.s32 $0x2800, s0;
	s3 =	sand.u32 $0x1, s3;
	s18 =	sadd.s32 $0x138000, s4  }
0x9: {  	s12 =	sadd.s32 $0x29A00, s0;
	_ =	strace $0x8000004A;
	[dreg:$0xd] =	wrdreg s18  }
0xa: {  	s21 =	smul.u32 $0x2700, s10;
	s23 =	sshll.u32 s10, $0x5;
	[dreg:$0x7] =	wrdreg s11  }
0xb: {  	p1 =	sne.s32 s10, $0xF;
	p3 =	seq.s32 s10, $0xF;
	[dreg:$0x8] =	wrdreg s12  }
0xc: {  	s13 =	ssub.s32 $0x2, s3;
	s9 =	sshll.u32 s3, $0x4;
	[dreg:$0x5] =	wrdreg s25  }
0xd: {  	p0 =	seq.s32 s3, $0x1;
	s3 =	sshll.u32 s3, $0x9;
	[dreg:$0x6] =	wrdreg s26  }
0xe: {  	s25 =	simm.s32 $0x100;
	s26 =	simm.s32 $0x1;
	s6 =	sshrl.u32 s6, $0x2  }
0xf: {  	s7 =	sshrl.u32 s13, $0x1;
	s9 =	sor.u32 s10, s9;
	s22 =	sadd.s32 s11, s21  }
0x10: {  	s3 =	sadd.s32 s3, s1;
	s10 =	simm.s32 $0x4;
	s11 =	simm.s32 $0x8  }
0x11: {  	s8 =	sadd.s32 s6, s4;
	s0 =	ssub.s32 s13, s7;
	s16 =	sshll.u32 s9, $0x5  }
0x12: {  	[dreg:$0x12] =	wrdreg s22;
	s24 =	sadd.s32 s23, s3;
	s6 =	sadd.s32 $0x4000, s8  }
0x13: {  	s23 =	simm.s32 $0x400;
	s14 =	sadd.s32 $0x8000, s8;
	[dreg:$0x9] =	wrdreg s6  }
0x14: {  	p2 =	sgt.u32 s9, $0x3;
	s15 =	sadd.s32 $0xC000, s8;
	[dreg:$0xa] =	wrdreg s14  }
0x15: {  	s3 =	simm.s32 $0x180;
	s17 =	sadd.s32 $0x10000, s8;
	[dreg:$0xb] =	wrdreg s15  }
0x16: {  	s13 =	simm.s32 $0xA;
	s19 =	sadd.s32 s1, s16;
	[dreg:$0xc] =	wrdreg s17  }
0x17: {  	s0 =	smax.u32 s0, $0x1;
	s18 =	sadd.s32 $0x1400, s24;
	[dreg:$0xe] =	wrdreg s19  }
0x18: {  	s24 =	simm.s32 $0xB;
	s6 =	sadd.s32 $0x400, s19;
	[dreg:$0x14] =	wrdreg s0  }
.Ltmp0:
0x19: {  	s20 =	sadd.s32 $0x800, s19;
	[dreg:$0xf] =	wrdreg s6;
	(pc) =	sbr.rel .LBB2_1-.Ltmp0, $4  }
0x1a: {  	s16 =	simm.s32 $0x0;
	s7 =	sadd.s32 $0xC00, s19;
	[dreg:$0x10] =	wrdreg s20  }
0x1b: {  	s0 =	simm.s32 $0x5;
	s19 =	simm.s32 $0x300;
	[dreg:$0x11] =	wrdreg s7  }
0x1c: {  	s6 =	sadd.s32 s12, s21;
	s20 =	simm.s32 $0x3;
	s7 =	simm.s32 $0x6  }
0x1d: {  	v0 =	vimm.f32 $0.0e+00;
	s12 =	simm.s32 $0x9;
	[dreg:$0x13] =	wrdreg s6;
	s6 =	simm.s32 $0x7  }
.LBB2_8:
0x1e: {  	s22 =	rddreg [dreg:$0xd]  }
0x1f: {  	s14 =	sadd.s32 $0x27000, s15;
	s15 =	sshrl.u32 s22, $0x3  }
0x20: {  	[hbm:s14], [sflag:s17] =	dma.local [spmem:s15], $0x100  }
0x21: {  	_ =	swait.ge [sflag:s24], $0x100  }
0x22: {  	[sflag:s24] =	ssyncset.done $0x0  }
0x23: {  	[sflag:s24] =	ssyncadd.s32 $0xFFFFFF00  }
.LBB2_9:
0x24: {  	s16 =	sadd.s32 $0x1, s16;
	s14 =	rddreg [dreg:$0x14]  }
0x25: {  	p4 =	sne.s32 s16, s14  }
.Ltmp1:
0x26: {  	_ = 	snop;
	(pc) =	sbr.rel @!p4 .LBB2_10-.Ltmp1, $1  }
0x27: {  	_ =	sdelay $0x3  }
.LBB2_1:
0x28: {  	s15 =	sand.u32 $0xFE00, s5  }
0x29: {  	s21 =	sand.u32 $0x70, s5;
	s15 =	sshrl.u32 s15, $0x2  }
0x2a: {  	s17 =	simm.s32 $0x40;
	s15 =	sor.u32 s21, s15;
	s21 =	simm.s32 $0x0  }
.LBB2_2:
0x2b: {  	p4 =	sne.s32 s17, $0xFFC0  }
0x2c: {  	[tilespmem:s15+$0x400] =	vst v0;
	s21 =	sadd.s32 $0x10, s21;
	s15 =	smov.u32 s17;
	s17 =	sadd.s32 $0x40, s17  }
.Ltmp2:
0x2d: {  	(pc) =	sbr.rel @p4 .LBB2_2-.Ltmp2, $4  }
0x2e: {  	_ = 	snop  }
0x2f: {  	s15 =	sand.u32 $0xFE00, s15  }
0x30: {  	s22 =	sand.u32 $0x70, s21;
	s15 =	sshrl.u32 s15, $0x2  }
0x31: {  	s15 =	sor.u32 s22, s15  }
0x32: {  	[tilespmem:s15+$0x400] =	vst v0  }
0x33: {  	[spmem:s8] =	stream.linear.scatter [tilespmem:s23], [sflag:$0xB], $0x4000, $0x38;
	[tilespmem:$0x1BC80] =	vst v63  }
0x34: {  	_ =	swait.ge [sflag:s24], $0x4000  }
0x35: {  	[sflag:s24] =	ssyncset.done $0x0  }
0x36: {  	s14 =	rddreg [dreg:$0x9];
	[sflag:s24] =	ssyncadd.s32 $0xFFFFC000  }
0x37: {  	[spmem:s14] =	stream.linear.scatter [tilespmem:s23], [sflag:$0xB], $0x4000, $0x38;
	[tilespmem:$0x1BC80] =	vst v63  }
0x38: {  	_ =	swait.ge [sflag:s24], $0x4000  }
0x39: {  	[sflag:s24] =	ssyncset.done $0x0  }
0x3a: {  	s21 =	rddreg [dreg:$0xa];
	[sflag:s24] =	ssyncadd.s32 $0xFFFFC000  }
0x3b: {  	[spmem:s21] =	stream.linear.scatter [tilespmem:s23], [sflag:$0xB], $0x4000, $0x38;
	[tilespmem:$0x1BC80] =	vst v63  }
0x3c: {  	_ =	swait.ge [sflag:s24], $0x4000  }
0x3d: {  	[sflag:s24] =	ssyncset.done $0x0  }
0x3e: {  	s22 =	rddreg [dreg:$0xb];
	[sflag:s24] =	ssyncadd.s32 $0xFFFFC000  }
0x3f: {  	[spmem:s22] =	stream.linear.scatter [tilespmem:s23], [sflag:$0xB], $0x4000, $0x38;
	[tilespmem:$0x1BC80] =	vst v63  }
0x40: {  	_ =	swait.ge [sflag:s24], $0x4000  }
0x41: {  	[sflag:s24] =	ssyncset.done $0x0  }
0x42: {  	s15 =	rddreg [dreg:$0xc];
	[sflag:s24] =	ssyncadd.s32 $0xFFFFC000  }
0x43: {  	[spmem:s15] =	stream.linear.scatter [tilespmem:s23], [sflag:$0xB], $0x3800, $0x38;
	[tilespmem:$0x1BC80] =	vst v63  }
0x44: {  	_ =	swait.ge [sflag:s24], $0x3800  }
0x45: {  	[sflag:s24] =	ssyncset.done $0x0  }
0x46: {  	s15 =	simm.s32 @!p1 $0x400;
	s14 =	rddreg [dreg:$0xd];
	[sflag:s24] =	ssyncadd.s32 $0xFFFFC800  }
0x47: {  	[spmem:s14] =	stream.linear.scatter @!p1 [tilespmem:s15], [sflag:$0xB], $0x800, $0x38;
	[tilespmem:$0x1BC80] =	vst v63  }
0x48: {  	s15 =	simm.s32 @!p1 $0xB  }
0x49: {  	_ =	swait.ge @!p1 [sflag:s15], $0x800  }
0x4a: {  	[sflag:s15] =	ssyncset.done @!p1 $0x0  }
0x4b: {  	[sflag:s15] =	ssyncadd.s32 @!p1 $0xFFFFF800  }
0x4c: {  	[bflag:$0x0] =	sbarrier.arrive $0xFFFF  }
0x4d: {  	s15 =	simm.s32 $0x0;
	s17 =	rddreg [dreg:$0xe]  }
0x4e: {  	[tilespmem:s15], [sflag:$0x1] =	stream.linear.gather [hbm4b:s17+s15], $0x100, $0x38;
	[tilespmem:$0x1BC80] =	vst v63  }
0x4f: {  	s21 =	rddreg [dreg:$0xf]  }
0x50: {  	[tilespmem:s25], [sflag:$0x2] =	stream.linear.gather [hbm4b:s21+s15], $0x100, $0x38;
	[tilespmem:$0x1BC80] =	vst v63  }
0x51: {  	_ =	swait.ge [sflag:s26], $0x100  }
0x52: {  	[sflag:s26] =	ssyncset.done $0x0  }
0x53: {  	[sflag:s26] =	ssyncadd.s32 $0xFFFFFF00  }
0x54: {  	[tilespmem:s23], [sflag:$0x5] =	stream.indirect.gather [hbm4b:s2+s28], $0x80, s15, s28, $0xb8;
	[tilespmem:$0x1BC80] =	vst v63  }
0x55: {  	s22 =	rddreg [dreg:$0x10]  }
0x56: {  	[tilespmem:s29], [sflag:$0x3] =	stream.linear.gather [hbm4b:s22+s15], $0x100, $0x38;
	[tilespmem:$0x1BC80] =	vst v63  }
0x57: {  	_ =	swait.ge [sflag:s30], $0x100  }
0x58: {  	[sflag:s30] =	ssyncset.done $0x0  }
0x59: {  	[sflag:s30] =	ssyncadd.s32 $0xFFFFFF00  }
0x5a: {  	[tilespmem:s31], [sflag:$0x6] =	stream.indirect.gather [hbm4b:s2+s28], $0x80, s25, s28, $0xb8;
	[tilespmem:$0x1BC80] =	vst v63  }
0x5b: {  	_ =	swait.ge [sflag:s0], $0x4000  }
0x5c: {  	[sflag:s0] =	ssyncset.done $0x0  }
0x5d: {  	[sflag:s0] =	ssyncadd.s32 $0xFFFFC000  }
0x5e: {  	[spmem:s4] =	stream.indirect.scatter.add.f32 [tilespmem:s23], [sflag:$0x7], $0x80, s28, s28, $0xb8;
	[tilespmem:$0x1BC80] =	vst v63  }
0x5f: {  	s17 =	rddreg [dreg:$0x11]  }
0x60: {  	[tilespmem:s19], [sflag:$0x4] =	stream.linear.gather [hbm4b:s17+s15], $0x100, $0x38;
	[tilespmem:$0x1BC80] =	vst v63  }
0x61: {  	_ =	swait.ge [sflag:s20], $0x100  }
0x62: {  	[sflag:s20] =	ssyncset.done $0x0  }
0x63: {  	[sflag:s20] =	ssyncadd.s32 $0xFFFFFF00  }
0x64: {  	_ =	swait.ge [sflag:s6], $0x4000  }
0x65: {  	[sflag:s6] =	ssyncset.done $0x0  }
0x66: {  	[sflag:s6] =	ssyncadd.s32 $0xFFFFC000  }
0x67: {  	[tilespmem:s23], [sflag:$0x5] =	stream.indirect.gather [hbm4b:s2+s28], $0x80, s29, s28, $0xb8;
	[tilespmem:$0x1BC80] =	vst v63  }
0x68: {  	_ =	swait.ge [sflag:s7], $0x4000  }
0x69: {  	[sflag:s7] =	ssyncset.done $0x0  }
0x6a: {  	[sflag:s7] =	ssyncadd.s32 $0xFFFFC000  }
0x6b: {  	[spmem:s4] =	stream.indirect.scatter.add.f32 [tilespmem:s31], [sflag:$0x8], $0x80, s3, s28, $0xb8;
	[tilespmem:$0x1BC80] =	vst v63  }
0x6c: {  	s21 =	sadd.s32 $0xFFFFFC00, s18  }
0x6d: {  	[tilespmem:s5], [sflag:$0x1] =	stream.linear.gather [hbm4b:s21+s5], $0x100, $0x38;
	[tilespmem:$0x1BC80] =	vst v63  }
0x6e: {  	_ =	swait.ge [sflag:s10], $0x100  }
0x6f: {  	[sflag:s10] =	ssyncset.done $0x0  }
0x70: {  	[sflag:s10] =	ssyncadd.s32 $0xFFFFFF00  }
0x71: {  	_ =	swait.ge [sflag:s11], $0x4000  }
0x72: {  	[sflag:s11] =	ssyncset.done $0x0  }
0x73: {  	[sflag:s11] =	ssyncadd.s32 $0xFFFFC000  }
0x74: {  	[tilespmem:s31], [sflag:$0x6] =	stream.indirect.gather [hbm4b:s2+s28], $0x80, s19, s28, $0xb8;
	[tilespmem:$0x1BC80] =	vst v63  }
0x75: {  	_ =	swait.ge [sflag:s0], $0x4000  }
0x76: {  	[sflag:s0] =	ssyncset.done $0x0  }
0x77: {  	s22 =	rddreg [dreg:$0x5];
	[sflag:s0] =	ssyncadd.s32 $0xFFFFC000  }
0x78: {  	[spmem:s4] =	stream.indirect.scatter.add.f32 [tilespmem:s23], [sflag:$0x9], $0x80, s22, s28, $0xb8;
	[tilespmem:$0x1BC80] =	vst v63  }
0x79: {  	_ = 	snop  }
0x7a: {  	[tilespmem:s25], [sflag:$0x2] =	stream.linear.gather [hbm4b:s18+s5], $0x100, $0x38;
	[tilespmem:$0x1BC80] =	vst v63  }
0x7b: {  	_ =	swait.ge [sflag:s26], $0x100  }
0x7c: {  	[sflag:s26] =	ssyncset.done $0x0  }
0x7d: {  	[sflag:s26] =	ssyncadd.s32 $0xFFFFFF00  }
0x7e: {  	_ =	swait.ge [sflag:s12], $0x4000  }
0x7f: {  	s14 =	sadd.s32 $0x0, s9;
	[sflag:s12] =	ssyncset.done $0x0  }
0x80: {  	s21 =	sadd.s32 $0xC0, s14;
	[sflag:s12] =	ssyncadd.s32 $0xFFFFC000  }
0x81: {  	[tilespmem:s23], [sflag:$0x5] =	stream.indirect.gather [hbm4b:s2+s28], $0x80, s5, s28, $0xb8;
	[tilespmem:$0x1BC80] =	vst v63  }
0x82: {  	p4 =	slt.s32 s21, $0x9C3;
	_ =	swait.ge [sflag:s7], $0x4000  }
0x83: {  	s21 =	simm.s32 @!p4 $0x9C3;
	[sflag:s7] =	ssyncset.done $0x0  }
0x84: {  	s22 =	sshll.u32 s21, $0x5;
	s17 =	rddreg [dreg:$0x6];
	[sflag:s7] =	ssyncadd.s32 $0xFFFFC000  }
0x85: {  	[spmem:s4] =	stream.indirect.scatter.add.f32 [tilespmem:s31], [sflag:$0xA], $0x80, s17, s28, $0xb8;
	[tilespmem:$0x1BC80] =	vst v63  }
0x86: {  	s17 =	sadd.s32 s1, s22  }
0x87: {  	[tilespmem:s29], [sflag:$0x3] =	stream.linear.gather [hbm4b:s17+s5], $0x100, $0x38;
	[tilespmem:$0x1BC80] =	vst v63  }
0x88: {  	_ =	swait.ge [sflag:s30], $0x100  }
0x89: {  	[sflag:s30] =	ssyncset.done $0x0  }
0x8a: {  	[sflag:s30] =	ssyncadd.s32 $0xFFFFFF00  }
0x8b: {  	s15 =	sadd.s32 $0xE0, s14;
	_ =	swait.ge [sflag:s13], $0x4000  }
0x8c: {  	p4 =	slt.s32 s15, $0x9C3;
	[sflag:s13] =	ssyncset.done $0x0  }
0x8d: {  	s15 =	simm.s32 @!p4 $0x9C3;
	[sflag:s13] =	ssyncadd.s32 $0xFFFFC000  }
0x8e: {  	[tilespmem:s31], [sflag:$0x6] =	stream.indirect.gather [hbm4b:s2+s28], $0x80, s25, s28, $0xb8;
	[tilespmem:$0x1BC80] =	vst v63  }
0x8f: {  	s15 =	sshll.u32 s15, $0x5;
	_ =	swait.ge [sflag:s0], $0x4000  }
0x90: {  	s15 =	sadd.s32 s1, s15;
	[sflag:s0] =	ssyncset.done $0x0  }
0x91: {  	s22 =	smov.u32 s18;
	s17 =	simm.s32 $0x80;
	[sflag:s0] =	ssyncadd.s32 $0xFFFFC000  }
0x92: {  	[spmem:s4] =	stream.indirect.scatter.add.f32 [tilespmem:s23], [sflag:$0x7], $0x80, s28, s28, $0xb8;
	[tilespmem:$0x1BC80] =	vst v63  }
.LBB2_4:
0x93: {  	[tilespmem:s19], [sflag:$0x4] =	stream.linear.gather [hbm4b:s15+s5], $0x100, $0x38;
	[tilespmem:$0x1BC80] =	vst v63  }
0x94: {  	_ =	swait.ge [sflag:s20], $0x100  }
0x95: {  	[sflag:s20] =	ssyncset.done $0x0  }
0x96: {  	[sflag:s20] =	ssyncadd.s32 $0xFFFFFF00  }
0x97: {  	_ =	swait.ge [sflag:s6], $0x4000  }
0x98: {  	[sflag:s6] =	ssyncset.done $0x0  }
0x99: {  	[sflag:s6] =	ssyncadd.s32 $0xFFFFC000  }
0x9a: {  	[tilespmem:s23], [sflag:$0x5] =	stream.indirect.gather [hbm4b:s2+s28], $0x80, s29, s28, $0xb8;
	[tilespmem:$0x1BC80] =	vst v63  }
0x9b: {  	_ =	swait.ge [sflag:s7], $0x4000  }
0x9c: {  	[sflag:s7] =	ssyncset.done $0x0  }
0x9d: {  	s22 =	sadd.s32 $0x1000, s22;
	[sflag:s7] =	ssyncadd.s32 $0xFFFFC000  }
0x9e: {  	[spmem:s4] =	stream.indirect.scatter.add.f32 [tilespmem:s31], [sflag:$0x8], $0x80, s3, s28, $0xb8;
	[tilespmem:$0x1BC80] =	vst v63  }
0x9f: {  	s14 =	sadd.s32 $0xFFFFFC00, s22  }
0xa0: {  	[tilespmem:s5], [sflag:$0x1] =	stream.linear.gather [hbm4b:s14+s5], $0x100, $0x38;
	[tilespmem:$0x1BC80] =	vst v63  }
0xa1: {  	_ =	swait.ge [sflag:s10], $0x100  }
0xa2: {  	[sflag:s10] =	ssyncset.done $0x0  }
0xa3: {  	[sflag:s10] =	ssyncadd.s32 $0xFFFFFF00  }
0xa4: {  	_ =	swait.ge [sflag:s11], $0x4000  }
0xa5: {  	[sflag:s11] =	ssyncset.done $0x0  }
0xa6: {  	[sflag:s11] =	ssyncadd.s32 $0xFFFFC000  }
0xa7: {  	[tilespmem:s31], [sflag:$0x6] =	stream.indirect.gather [hbm4b:s2+s28], $0x80, s19, s28, $0xb8;
	[tilespmem:$0x1BC80] =	vst v63  }
0xa8: {  	_ =	swait.ge [sflag:s0], $0x4000  }
0xa9: {  	[sflag:s0] =	ssyncset.done $0x0  }
0xaa: {  	s14 =	rddreg [dreg:$0x5];
	[sflag:s0] =	ssyncadd.s32 $0xFFFFC000  }
0xab: {  	[spmem:s4] =	stream.indirect.scatter.add.f32 [tilespmem:s23], [sflag:$0x9], $0x80, s14, s28, $0xb8;
	[tilespmem:$0x1BC80] =	vst v63  }
0xac: {  	_ = 	snop  }
0xad: {  	[tilespmem:s25], [sflag:$0x2] =	stream.linear.gather [hbm4b:s22+s5], $0x100, $0x38;
	[tilespmem:$0x1BC80] =	vst v63  }
0xae: {  	_ =	swait.ge [sflag:s26], $0x100  }
0xaf: {  	[sflag:s26] =	ssyncset.done $0x0  }
0xb0: {  	[sflag:s26] =	ssyncadd.s32 $0xFFFFFF00  }
0xb1: {  	s21 =	smov.u32 s17;
	_ =	swait.ge [sflag:s12], $0x4000  }
0xb2: {  	s15 =	sadd.s32 s21, s9;
	[sflag:s12] =	ssyncset.done $0x0  }
0xb3: {  	s14 =	sadd.s32 $0xC0, s15;
	[sflag:s12] =	ssyncadd.s32 $0xFFFFC000  }
0xb4: {  	[tilespmem:s23], [sflag:$0x5] =	stream.indirect.gather [hbm4b:s2+s28], $0x80, s5, s28, $0xb8;
	[tilespmem:$0x1BC80] =	vst v63  }
0xb5: {  	p5 =	slt.s32 s14, $0x9C3;
	_ =	swait.ge [sflag:s7], $0x4000  }
0xb6: {  	s14 =	simm.s32 @!p5 $0x9C3;
	[sflag:s7] =	ssyncset.done $0x0  }
0xb7: {  	s14 =	sshll.u32 s14, $0x5;
	s21 =	rddreg [dreg:$0x6];
	[sflag:s7] =	ssyncadd.s32 $0xFFFFC000  }
0xb8: {  	[spmem:s4] =	stream.indirect.scatter.add.f32 [tilespmem:s31], [sflag:$0xA], $0x80, s21, s28, $0xb8;
	[tilespmem:$0x1BC80] =	vst v63  }
0xb9: {  	s14 =	sadd.s32 s1, s14  }
0xba: {  	[tilespmem:s29], [sflag:$0x3] =	stream.linear.gather [hbm4b:s14+s5], $0x100, $0x38;
	[tilespmem:$0x1BC80] =	vst v63  }
0xbb: {  	_ =	swait.ge [sflag:s30], $0x100  }
0xbc: {  	[sflag:s30] =	ssyncset.done $0x0  }
0xbd: {  	[sflag:s30] =	ssyncadd.s32 $0xFFFFFF00  }
0xbe: {  	_ =	swait.ge [sflag:s13], $0x4000  }
0xbf: {  	[sflag:s13] =	ssyncset.done $0x0  }
0xc0: {  	p4 =	sne.s32 s17, $0x900;
	s15 =	sadd.s32 $0xE0, s15;
	[sflag:s13] =	ssyncadd.s32 $0xFFFFC000  }
0xc1: {  	[tilespmem:s31], [sflag:$0x6] =	stream.indirect.gather [hbm4b:s2+s28], $0x80, s25, s28, $0xb8;
	[tilespmem:$0x1BC80] =	vst v63  }
.Ltmp3:
0xc2: {  	p6 =	slt.s32 s15, $0x9C3;
	(pc) =	sbr.rel @p4 .LBB2_4-.Ltmp3, $4  }
0xc3: {  	s15 =	simm.s32 @!p6 $0x9C3;
	_ =	swait.ge [sflag:s0], $0x4000  }
0xc4: {  	s15 =	sshll.u32 s15, $0x5;
	[sflag:s0] =	ssyncset.done $0x0  }
0xc5: {  	s17 =	sadd.s32 $0x80, s17;
	s15 =	sadd.s32 s1, s15;
	[sflag:s0] =	ssyncadd.s32 $0xFFFFC000  }
0xc6: {  	[spmem:s4] =	stream.indirect.scatter.add.f32 [tilespmem:s23], [sflag:$0x7], $0x80, s28, s28, $0xb8;
	[tilespmem:$0x1BC80] =	vst v63  }
0xc7: {  	[tilespmem:s19], [sflag:$0x4] =	stream.linear.gather [hbm4b:s15+s5], $0x100, $0x38;
	[tilespmem:$0x1BC80] =	vst v63  }
0xc8: {  	_ =	swait.ge [sflag:s7], $0x4000  }
0xc9: {  	[sflag:s7] =	ssyncset.done $0x0  }
0xca: {  	[sflag:s7] =	ssyncadd.s32 $0xFFFFC000  }
0xcb: {  	[spmem:s4] =	stream.indirect.scatter.add.f32 [tilespmem:s31], [sflag:$0x8], $0x80, s3, s28, $0xb8;
	[tilespmem:$0x1BC80] =	vst v63  }
0xcc: {  	_ =	swait.ge [sflag:s20], $0x100  }
0xcd: {  	[sflag:s20] =	ssyncset.done $0x0  }
0xce: {  	[sflag:s20] =	ssyncadd.s32 $0xFFFFFF00  }
0xcf: {  	_ =	swait.ge [sflag:s10], $0x100  }
0xd0: {  	[sflag:s10] =	ssyncset.done $0x0  }
0xd1: {  	[sflag:s10] =	ssyncadd.s32 $0xFFFFFF00  }
0xd2: {  	_ =	swait.ge [sflag:s6], $0x4000  }
0xd3: {  	s14 =	simm.s32 @!p2 $0x80;
	[sflag:s6] =	ssyncset.done $0x0  }
0xd4: {  	s15 =	simm.s32 @!p2 $0x200;
	s17 =	simm.s32 @!p2 $0x400;
	[sflag:s6] =	ssyncadd.s32 $0xFFFFC000  }
0xd5: {  	[tilespmem:s17], [sflag:$0x5] =	stream.indirect.gather @!p2 [hbm4b:s2+s14], $0x80, s15, s14, $0xb8;
	[tilespmem:$0x1BC80] =	vst v63  }
0xd6: {  	s15 =	simm.s32 @!p2 $0x5  }
0xd7: {  	_ =	swait.ge @!p2 [sflag:s15], $0x4000  }
0xd8: {  	[sflag:s15] =	ssyncset.done @!p2 $0x0  }
0xd9: {  	[sflag:s15] =	ssyncadd.s32 @!p2 $0xFFFFC000;
	s15 =	simm.s32 @!p2 $0x280  }
0xda: {  	[spmem:s4] =	stream.indirect.scatter.add.f32 @!p2 [tilespmem:s17], [sflag:$0x9], $0x80, s15, s14, $0xb8;
	[tilespmem:$0x1BC80] =	vst v63  }
0xdb: {  	s14 =	simm.s32 @!p2 $0x9  }
0xdc: {  	_ =	swait.ge @!p2 [sflag:s14], $0x4000  }
0xdd: {  	[sflag:s14] =	ssyncset.done @!p2 $0x0  }
0xde: {  	[sflag:s14] =	ssyncadd.s32 @!p2 $0xFFFFC000  }
.Ltmp4:
0xdf: {  	_ =	swait.ge [sflag:s11], $0x4000;
	(pc) =	sbr.rel @!p0 .LBB2_6-.Ltmp4, $4  }
0xe0: {  	[sflag:s11] =	ssyncset.done $0x0  }
0xe1: {  	s22 =	stileid.u32;
	[sflag:s11] =	ssyncadd.s32 $0xFFFFC000  }
0xe2: {  	s21 =	sshll.u32 s22, $0x6;
	[bflag:$0x0] =	sbarrier.arrive $0xFFFF  }
0xe3: {  	s15 =	sshrl.u32 s8, $0x3;
	s17 =	sor.u32 $0x1C0B, s21  }
0xe4: {  	s17 =	sor.u32 $0x1C0B, s21;
	s14 =	rddreg [dreg:$0x13]  }
0xe5: {  	[hbm:s14], [sflag:s17] =	dma.local [spmem:s15], $0x2700  }
.Ltmp5:
0xe6: {  	_ = 	snop;
	(pc) =	sbr.rel @p1 .LBB2_9-.Ltmp5, $4  }
.Ltmp6:
0xe7: {  	_ = 	snop;
	(pc) =	sbr.rel @!p1 .LBB2_8-.Ltmp6, $4  }
0xe8: {  	_ =	swait.ge [sflag:s24], $0x2700  }
0xe9: {  	[sflag:s24] =	ssyncset.done $0x0  }
0xea: {  	s15 =	rddreg [dreg:$0x8];
	[sflag:s24] =	ssyncadd.s32 $0xFFFFD900  }
0xeb: {  	_ = 	snop  }
.LBB2_6:
0xec: {  	s14 =	rddreg [dreg:$0x12]  }
0xed: {  	[hbm:s14], [sflag:s17] =	dma.local [spmem:s15], $0x2700  }
.Ltmp7:
0xee: {  	_ = 	snop;
	(pc) =	sbr.rel @p3 .LBB2_8-.Ltmp7, $4  }
.Ltmp8:
0xef: {  	_ = 	snop;
	(pc) =	sbr.rel @!p3 .LBB2_9-.Ltmp8, $4  }
0xf0: {  	_ =	swait.ge [sflag:s24], $0x2700  }
0xf1: {  	[sflag:s24] =	ssyncset.done $0x0  }
0xf2: {  	s15 =	rddreg [dreg:$0x7];
	[sflag:s24] =	ssyncadd.s32 $0xFFFFD900  }
0xf3: {  	_ = 	snop  }
.LBB2_10:
0xf4: {  	_ =	sfence.sel $0x180000  }
0xf5: {  	[bflag:$0x0] =	sbarrier.arrive $0xFFFF  }
0xf6: {  	_ =	strace $0x9000004A  }
0xf7: {  	s0 =	stileid.u32;
	[bflag:$0x2] =	sbarrier.arrive $0xFFFF  }
0xf8: {  	p0 =	sne.s32 s0, $0x0;
	s0 =	rddreg [dreg:$0x4]  }
0xf9: {  	s0 =	sadd.s32 @!p0 $0x100000, s0  }
0xfa: {  	[sflag:s0] =	ssyncadd.tile.s32 @!p0 $0x1;
	_ =	shalt  }
.Lfunc_end2:
_tile_overlayer_lowered:
.L_overlay_start_2:
0xfb: {  	(tag) =	ssettag $0x2  }
0xfc: {  	s0 =	rddreg [dreg:$0x0];
	s2 =	stileid.u32  }
0xfd: {  	s1 =	rddreg [dreg:$0x1];
	p0 =	sne.s32 s2, $0x0  }
0xfe: {  	s3 =	rddreg [dreg:$0x2];
	[bflag:$0x3] =	sbarrier.arrive $0xFFFF;
	s2 =	simm.s32 @!p0 $0x1C0B  }
0xff: {  	[timem:s3], [sflag:s2] =	dma.local @!p0 [hbm:s0], s1  }
0x100: {  	s0 =	simm.s32 @!p0 $0xB  }
0x101: {  	_ =	swait.ge @!p0 [sflag:s0], s1  }
0x102: {  	s1 =	ssub.s32 @!p0 $0x0, s1;
	[sflag:s0] =	ssyncset.done @!p0 $0x0  }
0x103: {  	[sflag:s0] =	ssyncadd.s32 @!p0 s1  }
0x104: {  	[bflag:$0x3] =	sbarrier.arrive $0xFFFF  }
0x105: {  	_ =	shalt  }

</sc_bundles>
